<compile_context>
chip_gen: v7x
topology: tpu7x:2x2x1
jax: 0.10.2.dev20260603
libtpu: 0.0.44.dev20260713+nightly
codegen_flags: <defaults>
</compile_context>

<pallas_src>
import functools

import jax
import jax.numpy as jnp
from jax import lax
from jax.experimental import pallas as pl
from jax.experimental.pallas import tpu as pltpu
from jax.experimental.pallas import tpu_sc as plsc

_NUM_WORKERS = 32
_L = 16


@functools.lru_cache(maxsize=None)
def _make_gather(V, D, Bm, F):
    DR = D // 8
    BC = Bm // 128
    bc_per_w = BC // _NUM_WORKERS
    bpw = bc_per_w * 128
    Vp = 1024
    mesh = plsc.VectorSubcoreMesh(core_axis_name="c", subcore_axis_name="s")

    @functools.partial(
        pl.kernel,
        mesh=mesh,
        compiler_params=pltpu.CompilerParams(
            use_tc_tiling_on_sc=False, needs_layout_passes=False),
        out_type=jax.ShapeDtypeStruct((F, DR, BC, 8, 128), jnp.float32),
        scratch_types=[
            pltpu.VMEM((D * Vp,), jnp.float32),
            pltpu.VMEM((bpw,), jnp.int32),
            pltpu.VMEM((bc_per_w, 8, 128), jnp.float32),
            pltpu.VMEM((bc_per_w, 8, 128), jnp.float32),
            pltpu.SemaphoreType.DMA,
        ],
    )
    def gather_kernel(idxT_hbm, wt_hbm, out_hbm, wt_v, idx_v, o0, o1, wsem):
        wid = lax.axis_index("s") * 2 + lax.axis_index("c")
        pltpu.sync_copy(wt_hbm, wt_v)
        n_blk = bpw // _L

        def wait_write(buf):
            pltpu.make_async_copy(buf, out_hbm.at[0, 0, pl.ds(0, bc_per_w)],
                                  wsem).wait()

        def body(f, carry):
            pltpu.sync_copy(idxT_hbm.at[pl.ds(f * Bm + wid * bpw, bpw)], idx_v)
            for dr in range(DR):
                buf = o0 if dr % 2 == 0 else o1
                if dr >= 2:
                    wait_write(buf)
                else:
                    @pl.when(f > 0)
                    def _():
                        wait_write(buf)

                @plsc.parallel_loop(0, n_blk, unroll=8)
                def blk(k):
                    bc = lax.shift_right_logical(k, 3)
                    g16 = lax.mul(lax.bitwise_and(k, 7), _L)
                    iv = idx_v[pl.ds(k * _L, _L)]
                    for ds in range(8):
                        iv2 = iv + jnp.int32((dr * 8 + ds) * Vp)
                        vals = plsc.load_gather(wt_v, [iv2])
                        buf[bc, ds, pl.ds(g16, _L)] = vals

                pltpu.async_copy(
                    buf, out_hbm.at[f, dr, pl.ds(wid * bc_per_w, bc_per_w)],
                    wsem)
            return carry

        lax.fori_loop(0, F, body, 0)
        wait_write(o0)
        wait_write(o1)

    return gather_kernel


def kernel(input, W):
    Bm, F = input.shape
    V, D = W.shape
    idxT_flat = input.T.reshape(Bm * F)
    wt_pad = jnp.pad(W.T, ((0, 0), (0, 1024 - V))).reshape(D * 1024)
    o5 = _make_gather(V, D, Bm, F)(idxT_flat, wt_pad)
    return o5.transpose(2, 4, 0, 1, 3).reshape(Bm, F, D)

# --- scband reference (transcript-rebuilt; emitter-appended) ---
"""Pipeline reference for scband-embedding-layer-84396107366996 (READ-ONLY COPY).

The authoritative reference and input builder live on the scoring server;
editing this copy changes nothing except your own understanding.
"""

import jax, jax.numpy as jnp
import numpy as np

N_V = 1000
EMB = 64
PAD_ID = 997
BATCH = 16384
FIELDS = 26


def setup_inputs(seed: int = 0) -> dict:
    key = jax.random.key(seed)
    k1, k2 = jax.random.split(key)
    # nn.Embedding weight init: uniform(-0.25, 0.25)
    W = jax.random.uniform(k1, (N_V, EMB), minval=-0.25, maxval=0.25, dtype=jnp.float32)
    # copy pre-trained embedding row(s) (embwords = [0], embvecs = [[0.25]*64])
    W = W.at[0].set(jnp.full((EMB,), 0.25, dtype=jnp.float32))
    # normalize=True: divide every row by its L2 norm
    norms = jnp.linalg.norm(W, ord=2, axis=1, keepdims=True)
    W = W / norms
    # pad row zeroed
    W = W.at[PAD_ID].set(0.0)
    idx = jax.random.randint(k2, (BATCH, FIELDS), 0, N_V, dtype=jnp.int32)
    return {"input": idx, "W": W}


def reference(input, W):
    # EmbeddingLayer.forward with bert_embed=False: self.embedding(input)
    return jnp.take(W, input, axis=0)

if __name__ == "__main__":
    import jax
    _d = setup_inputs()
    print(jax.jit(kernel)(*tuple(_d.values())))

</pallas_src>

<mosaic_0001>
#map = affine_map<(d0, d1) -> (0)>
#map1 = affine_map<(d0, d1) -> (0, 0, 0, 0, 0)>
module attributes {stable_mosaic.version = 14 : i64} {
  func.func @gather_kernel(%arg0: i32, %arg1: i32, %arg2: memref<425984xi32, #tpu.memory_space<hbm>>, %arg3: memref<65536xf32, #tpu.memory_space<hbm>>, %arg4: memref<26x8x128x8x128xf32, #tpu.memory_space<hbm>>, %arg5: memref<65536xf32, #tpu.memory_space<vmem>>, %arg6: memref<512xi32, #tpu.memory_space<vmem>>, %arg7: memref<4x8x128xf32, #tpu.memory_space<vmem>>, %arg8: memref<4x8x128xf32, #tpu.memory_space<vmem>>, %arg9: memref<!tpu.dma_semaphore, #tpu.memory_space<semaphore_mem>>) attributes {dimension_semantics = [#tpu.dimension_semantics<core_parallel>, #tpu.dimension_semantics<subcore_parallel>], iteration_bounds = array<i64: 2, 16>, scalar_prefetch = 0 : i64, scratch_operands = 5 : i64, tpu.core_type = #tpu.core_type<sc_vector_subcore>, window_params = [{transform_indices = #map}, {transform_indices = #map}, {transform_indices = #map1}]} {
    %mul3A = arith.constant 2 : i32
    %mul3A_0 = arith.muli %arg1, %mul3A : i32
    %add3A = arith.addi %mul3A_0, %arg0 : i32
    "tpu.region"() ({
      %run_scoped3A = tpu.sem_alloc : memref<!tpu.dma_semaphore, #tpu.memory_space<semaphore_mem>>
      tpu.enqueue_dma source(%arg3 : memref<65536xf32, #tpu.memory_space<hbm>>) target(%arg5 : memref<65536xf32, #tpu.memory_space<vmem>>) target_semaphore(%run_scoped3A : memref<!tpu.dma_semaphore, #tpu.memory_space<semaphore_mem>>)
      tpu.wait_dma2 semaphore(%run_scoped3A : memref<!tpu.dma_semaphore, #tpu.memory_space<semaphore_mem>>) src(%arg3 : memref<65536xf32, #tpu.memory_space<hbm>>) dst(%arg5 : memref<65536xf32, #tpu.memory_space<vmem>>)
      tpu.yield
    }) : () -> ()
    %scan3A = arith.constant 0 : i32
    %scan3A_1 = arith.constant 0 : i32
    %scan3A_2 = arith.constant 26 : i32
    %scan3A_3 = arith.addi %scan3A_1, %scan3A_2 : i32
    %scan3A_4 = arith.constant 1 : i32
    scf.for %scan3A_29 = %scan3A_1 to %scan3A_3 step %scan3A_4  : i32 {
      %mul3A_30 = arith.constant 16384 : i32
      %mul3A_31 = arith.muli %scan3A_29, %mul3A_30 : i32
      %mul3A_32 = arith.constant 512 : i32
      %mul3A_33 = arith.muli %add3A, %mul3A_32 : i32
      %add3A_34 = arith.addi %mul3A_31, %mul3A_33 : i32
      "tpu.region"() ({
        %run_scoped3A = tpu.sem_alloc : memref<!tpu.dma_semaphore, #tpu.memory_space<semaphore_mem>>
        %dma_start3A_224 = tpu.memref_slice %arg2[%add3A_34] : memref<425984xi32, #tpu.memory_space<hbm>> -> memref<512xi32, #tpu.memory_space<hbm>>
        %dma_start3A_225 = tpu.memref_slice %arg2[%add3A_34] : memref<425984xi32, #tpu.memory_space<hbm>> -> memref<512xi32, #tpu.memory_space<hbm>>
        tpu.enqueue_dma source(%dma_start3A_225 : memref<512xi32, #tpu.memory_space<hbm>>) target(%arg6 : memref<512xi32, #tpu.memory_space<vmem>>) target_semaphore(%run_scoped3A : memref<!tpu.dma_semaphore, #tpu.memory_space<semaphore_mem>>)
        %dma_wait3A_226 = tpu.memref_slice %arg2[%add3A_34] : memref<425984xi32, #tpu.memory_space<hbm>> -> memref<512xi32, #tpu.memory_space<hbm>>
        %dma_wait3A_227 = tpu.memref_slice %arg2[%add3A_34] : memref<425984xi32, #tpu.memory_space<hbm>> -> memref<512xi32, #tpu.memory_space<hbm>>
        tpu.wait_dma2 semaphore(%run_scoped3A : memref<!tpu.dma_semaphore, #tpu.memory_space<semaphore_mem>>) src(%dma_wait3A_227 : memref<512xi32, #tpu.memory_space<hbm>>) dst(%arg6 : memref<512xi32, #tpu.memory_space<vmem>>)
        tpu.yield
      }) : () -> ()
      %gt3A = arith.constant 0 : i32
      %gt3A_35 = arith.cmpi sgt, %scan3A_29, %gt3A : i32
      %convert_element_type3A = arith.extui %gt3A_35 : i1 to i32
      %cond3A = arith.constant 0 : i32
      %cond3A_36 = arith.cmpi ne, %convert_element_type3A, %cond3A : i32
      scf.if %cond3A_36 {
        %dma_wait3A_224 = arith.constant 0 : i32
        %dma_wait3A_225 = arith.constant 0 : i32
        %dma_wait3A_226 = arith.constant 0 : i32
        %dma_wait3A_227 = arith.constant 0 : i32
        %dma_wait3A_228 = arith.constant 0 : i32
        %dma_wait3A_229 = tpu.memref_slice %arg4[%dma_wait3A_224, %dma_wait3A_225, %dma_wait3A_226, %dma_wait3A_227, %dma_wait3A_228] : memref<26x8x128x8x128xf32, #tpu.memory_space<hbm>> -> memref<1x1x4x8x128xf32, #tpu.memory_space<hbm>>
        %dma_wait3A_230 = tpu.memref_squeeze %dma_wait3A_229 : memref<1x1x4x8x128xf32, #tpu.memory_space<hbm>> -> memref<4x8x128xf32, #tpu.memory_space<hbm>>
        %dma_wait3A_231 = arith.constant 0 : i32
        %dma_wait3A_232 = arith.constant 0 : i32
        %dma_wait3A_233 = arith.constant 0 : i32
        %dma_wait3A_234 = tpu.memref_slice %arg4[%dma_wait3A_224, %dma_wait3A_225, %dma_wait3A_231, %dma_wait3A_232, %dma_wait3A_233] : memref<26x8x128x8x128xf32, #tpu.memory_space<hbm>> -> memref<1x1x4x8x128xf32, #tpu.memory_space<hbm>>
        %dma_wait3A_235 = tpu.memref_squeeze %dma_wait3A_234 : memref<1x1x4x8x128xf32, #tpu.memory_space<hbm>> -> memref<4x8x128xf32, #tpu.memory_space<hbm>>
        tpu.wait_dma2 semaphore(%arg9 : memref<!tpu.dma_semaphore, #tpu.memory_space<semaphore_mem>>) src(%arg7 : memref<4x8x128xf32, #tpu.memory_space<vmem>>) dst(%dma_wait3A_235 : memref<4x8x128xf32, #tpu.memory_space<hbm>>)
      } else {
      }
      %parallel_loop3A = arith.constant 0 : i32
      %parallel_loop3A_37 = arith.constant 32 : i32
      %parallel_loop3A_38 = arith.constant 1 : i32
      scf.for %parallel_loop3A_224 = %parallel_loop3A to %parallel_loop3A_37 step %parallel_loop3A_38  : i32 {
        %parallel_loop3A_225 = arith.constant 3 : i32
        %parallel_loop3A_226 = arith.shrui %parallel_loop3A_224, %parallel_loop3A_225 : i32
        %parallel_loop3A_227 = arith.constant 7 : i32
        %parallel_loop3A_228 = arith.andi %parallel_loop3A_224, %parallel_loop3A_227 : i32
        %parallel_loop3A_229 = arith.constant 16 : i32
        %parallel_loop3A_230 = arith.muli %parallel_loop3A_228, %parallel_loop3A_229 : i32
        %parallel_loop3A_231 = arith.constant 16 : i32
        %parallel_loop3A_232 = arith.muli %parallel_loop3A_224, %parallel_loop3A_231 : i32
        %parallel_loop3A_233 = arith.index_cast %parallel_loop3A_232 : i32 to index
        %parallel_loop3A_234 = tpu.vector_load %arg6[%parallel_loop3A_233] {strides = array<i32>} : memref<512xi32, #tpu.memory_space<vmem>>, vector<16xi32>,
        %parallel_loop3A_235 = arith.constant 0 : i32
        %parallel_loop3A_236 = vector.broadcast %parallel_loop3A_235 : i32 to vector<16xi32>
        %parallel_loop3A_237 = arith.addi %parallel_loop3A_234, %parallel_loop3A_236 : vector<16xi32>
        %parallel_loop3A_238 = tpu.vector_load_idx %arg5[%parallel_loop3A_237] : memref<65536xf32, #tpu.memory_space<vmem>>[vector<16xi32>], vector<16xf32>,
        %parallel_loop3A_239 = arith.constant 0 : i32
        %parallel_loop3A_240 = arith.index_cast %parallel_loop3A_226 : i32 to index
        %parallel_loop3A_241 = arith.index_cast %parallel_loop3A_239 : i32 to index
        %parallel_loop3A_242 = arith.index_cast %parallel_loop3A_230 : i32 to index
        %parallel_loop3A_243 = tpu.vector_load %arg7[%parallel_loop3A_240, %parallel_loop3A_241, %parallel_loop3A_242] {strides = array<i32>} : memref<4x8x128xf32, #tpu.memory_space<vmem>>, vector<16xf32>,
        tpu.vector_store %arg7[%parallel_loop3A_240, %parallel_loop3A_241, %parallel_loop3A_242], %parallel_loop3A_238 {strides = array<i32>} : memref<4x8x128xf32, #tpu.memory_space<vmem>>, vector<16xf32>,
        %parallel_loop3A_244 = arith.constant 1024 : i32
        %parallel_loop3A_245 = vector.broadcast %parallel_loop3A_244 : i32 to vector<16xi32>
        %parallel_loop3A_246 = arith.addi %parallel_loop3A_234, %parallel_loop3A_245 : vector<16xi32>
        %parallel_loop3A_247 = tpu.vector_load_idx %arg5[%parallel_loop3A_246] : memref<65536xf32, #tpu.memory_space<vmem>>[vector<16xi32>], vector<16xf32>,
        %parallel_loop3A_248 = arith.constant 1 : i32
        %parallel_loop3A_249 = arith.index_cast %parallel_loop3A_226 : i32 to index
        %parallel_loop3A_250 = arith.index_cast %parallel_loop3A_248 : i32 to index
        %parallel_loop3A_251 = arith.index_cast %parallel_loop3A_230 : i32 to index
        %parallel_loop3A_252 = tpu.vector_load %arg7[%parallel_loop3A_249, %parallel_loop3A_250, %parallel_loop3A_251] {strides = array<i32>} : memref<4x8x128xf32, #tpu.memory_space<vmem>>, vector<16xf32>,
        tpu.vector_store %arg7[%parallel_loop3A_249, %parallel_loop3A_250, %parallel_loop3A_251], %parallel_loop3A_247 {strides = array<i32>} : memref<4x8x128xf32, #tpu.memory_space<vmem>>, vector<16xf32>,
        %parallel_loop3A_253 = arith.constant 2048 : i32
        %parallel_loop3A_254 = vector.broadcast %parallel_loop3A_253 : i32 to vector<16xi32>
        %parallel_loop3A_255 = arith.addi %parallel_loop3A_234, %parallel_loop3A_254 : vector<16xi32>
        %parallel_loop3A_256 = tpu.vector_load_idx %arg5[%parallel_loop3A_255] : memref<65536xf32, #tpu.memory_space<vmem>>[vector<16xi32>], vector<16xf32>,
        %parallel_loop3A_257 = arith.constant 2 : i32
        %parallel_loop3A_258 = arith.index_cast %parallel_loop3A_226 : i32 to index
        %parallel_loop3A_259 = arith.index_cast %parallel_loop3A_257 : i32 to index
        %parallel_loop3A_260 = arith.index_cast %parallel_loop3A_230 : i32 to index
        %parallel_loop3A_261 = tpu.vector_load %arg7[%parallel_loop3A_258, %parallel_loop3A_259, %parallel_loop3A_260] {strides = array<i32>} : memref<4x8x128xf32, #tpu.memory_space<vmem>>, vector<16xf32>,
        tpu.vector_store %arg7[%parallel_loop3A_258, %parallel_loop3A_259, %parallel_loop3A_260], %parallel_loop3A_256 {strides = array<i32>} : memref<4x8x128xf32, #tpu.memory_space<vmem>>, vector<16xf32>,
        %parallel_loop3A_262 = arith.constant 3072 : i32
        %parallel_loop3A_263 = vector.broadcast %parallel_loop3A_262 : i32 to vector<16xi32>
        %parallel_loop3A_264 = arith.addi %parallel_loop3A_234, %parallel_loop3A_263 : vector<16xi32>
        %parallel_loop3A_265 = tpu.vector_load_idx %arg5[%parallel_loop3A_264] : memref<65536xf32, #tpu.memory_space<vmem>>[vector<16xi32>], vector<16xf32>,
        %parallel_loop3A_266 = arith.constant 3 : i32
        %parallel_loop3A_267 = arith.index_cast %parallel_loop3A_226 : i32 to index
        %parallel_loop3A_268 = arith.index_cast %parallel_loop3A_266 : i32 to index
        %parallel_loop3A_269 = arith.index_cast %parallel_loop3A_230 : i32 to index
        %parallel_loop3A_270 = tpu.vector_load %arg7[%parallel_loop3A_267, %parallel_loop3A_268, %parallel_loop3A_269] {strides = array<i32>} : memref<4x8x128xf32, #tpu.memory_space<vmem>>, vector<16xf32>,
        tpu.vector_store %arg7[%parallel_loop3A_267, %parallel_loop3A_268, %parallel_loop3A_269], %parallel_loop3A_265 {strides = array<i32>} : memref<4x8x128xf32, #tpu.memory_space<vmem>>, vector<16xf32>,
        %parallel_loop3A_271 = arith.constant 4096 : i32
        %parallel_loop3A_272 = vector.broadcast %parallel_loop3A_271 : i32 to vector<16xi32>
        %parallel_loop3A_273 = arith.addi %parallel_loop3A_234, %parallel_loop3A_272 : vector<16xi32>
        %parallel_loop3A_274 = tpu.vector_load_idx %arg5[%parallel_loop3A_273] : memref<65536xf32, #tpu.memory_space<vmem>>[vector<16xi32>], vector<16xf32>,
        %parallel_loop3A_275 = arith.constant 4 : i32
        %parallel_loop3A_276 = arith.index_cast %parallel_loop3A_226 : i32 to index
        %parallel_loop3A_277 = arith.index_cast %parallel_loop3A_275 : i32 to index
        %parallel_loop3A_278 = arith.index_cast %parallel_loop3A_230 : i32 to index
        %parallel_loop3A_279 = tpu.vector_load %arg7[%parallel_loop3A_276, %parallel_loop3A_277, %parallel_loop3A_278] {strides = array<i32>} : memref<4x8x128xf32, #tpu.memory_space<vmem>>, vector<16xf32>,
        tpu.vector_store %arg7[%parallel_loop3A_276, %parallel_loop3A_277, %parallel_loop3A_278], %parallel_loop3A_274 {strides = array<i32>} : memref<4x8x128xf32, #tpu.memory_space<vmem>>, vector<16xf32>,
        %parallel_loop3A_280 = arith.constant 5120 : i32
        %parallel_loop3A_281 = vector.broadcast %parallel_loop3A_280 : i32 to vector<16xi32>
        %parallel_loop3A_282 = arith.addi %parallel_loop3A_234, %parallel_loop3A_281 : vector<16xi32>
        %parallel_loop3A_283 = tpu.vector_load_idx %arg5[%parallel_loop3A_282] : memref<65536xf32, #tpu.memory_space<vmem>>[vector<16xi32>], vector<16xf32>,
        %parallel_loop3A_284 = arith.constant 5 : i32
        %parallel_loop3A_285 = arith.index_cast %parallel_loop3A_226 : i32 to index
        %parallel_loop3A_286 = arith.index_cast %parallel_loop3A_284 : i32 to index
        %parallel_loop3A_287 = arith.index_cast %parallel_loop3A_230 : i32 to index
        %parallel_loop3A_288 = tpu.vector_load %arg7[%parallel_loop3A_285, %parallel_loop3A_286, %parallel_loop3A_287] {strides = array<i32>} : memref<4x8x128xf32, #tpu.memory_space<vmem>>, vector<16xf32>,
        tpu.vector_store %arg7[%parallel_loop3A_285, %parallel_loop3A_286, %parallel_loop3A_287], %parallel_loop3A_283 {strides = array<i32>} : memref<4x8x128xf32, #tpu.memory_space<vmem>>, vector<16xf32>,
        %parallel_loop3A_289 = arith.constant 6144 : i32
        %parallel_loop3A_290 = vector.broadcast %parallel_loop3A_289 : i32 to vector<16xi32>
        %parallel_loop3A_291 = arith.addi %parallel_loop3A_234, %parallel_loop3A_290 : vector<16xi32>
        %parallel_loop3A_292 = tpu.vector_load_idx %arg5[%parallel_loop3A_291] : memref<65536xf32, #tpu.memory_space<vmem>>[vector<16xi32>], vector<16xf32>,
        %parallel_loop3A_293 = arith.constant 6 : i32
        %parallel_loop3A_294 = arith.index_cast %parallel_loop3A_226 : i32 to index
        %parallel_loop3A_295 = arith.index_cast %parallel_loop3A_293 : i32 to index
        %parallel_loop3A_296 = arith.index_cast %parallel_loop3A_230 : i32 to index
        %parallel_loop3A_297 = tpu.vector_load %arg7[%parallel_loop3A_294, %parallel_loop3A_295, %parallel_loop3A_296] {strides = array<i32>} : memref<4x8x128xf32, #tpu.memory_space<vmem>>, vector<16xf32>,
        tpu.vector_store %arg7[%parallel_loop3A_294, %parallel_loop3A_295, %parallel_loop3A_296], %parallel_loop3A_292 {strides = array<i32>} : memref<4x8x128xf32, #tpu.memory_space<vmem>>, vector<16xf32>,
        %parallel_loop3A_298 = arith.constant 7168 : i32
        %parallel_loop3A_299 = vector.broadcast %parallel_loop3A_298 : i32 to vector<16xi32>
        %parallel_loop3A_300 = arith.addi %parallel_loop3A_234, %parallel_loop3A_299 : vector<16xi32>
        %parallel_loop3A_301 = tpu.vector_load_idx %arg5[%parallel_loop3A_300] : memref<65536xf32, #tpu.memory_space<vmem>>[vector<16xi32>], vector<16xf32>,
        %parallel_loop3A_302 = arith.constant 7 : i32
        %parallel_loop3A_303 = arith.index_cast %parallel_loop3A_226 : i32 to index
        %parallel_loop3A_304 = arith.index_cast %parallel_loop3A_302 : i32 to index
        %parallel_loop3A_305 = arith.index_cast %parallel_loop3A_230 : i32 to index
        %parallel_loop3A_306 = tpu.vector_load %arg7[%parallel_loop3A_303, %parallel_loop3A_304, %parallel_loop3A_305] {strides = array<i32>} : memref<4x8x128xf32, #tpu.memory_space<vmem>>, vector<16xf32>,
        tpu.vector_store %arg7[%parallel_loop3A_303, %parallel_loop3A_304, %parallel_loop3A_305], %parallel_loop3A_301 {strides = array<i32>} : memref<4x8x128xf32, #tpu.memory_space<vmem>>, vector<16xf32>,
      } {sc.loop_unroll_factor = 8 : i64, sc.parallel_access}
      %mul3A_39 = arith.constant 4 : i32
      %mul3A_40 = arith.muli %add3A, %mul3A_39 : i32
      %dma_start3A = arith.constant 0 : i32
      %dma_start3A_41 = arith.constant 0 : i32
      %dma_start3A_42 = arith.constant 0 : i32
      %dma_start3A_43 = tpu.memref_slice %arg4[%scan3A_29, %dma_start3A, %mul3A_40, %dma_start3A_41, %dma_start3A_42] : memref<26x8x128x8x128xf32, #tpu.memory_space<hbm>> -> memref<1x1x4x8x128xf32, #tpu.memory_space<hbm>>
      %dma_start3A_44 = tpu.memref_squeeze %dma_start3A_43 : memref<1x1x4x8x128xf32, #tpu.memory_space<hbm>> -> memref<4x8x128xf32, #tpu.memory_space<hbm>>
      %dma_start3A_45 = arith.constant 0 : i32
      %dma_start3A_46 = arith.constant 0 : i32
      %dma_start3A_47 = tpu.memref_slice %arg4[%scan3A_29, %dma_start3A, %mul3A_40, %dma_start3A_45, %dma_start3A_46] : memref<26x8x128x8x128xf32, #tpu.memory_space<hbm>> -> memref<1x1x4x8x128xf32, #tpu.memory_space<hbm>>
      %dma_start3A_48 = tpu.memref_squeeze %dma_start3A_47 : memref<1x1x4x8x128xf32, #tpu.memory_space<hbm>> -> memref<4x8x128xf32, #tpu.memory_space<hbm>>
      tpu.enqueue_dma source(%arg7 : memref<4x8x128xf32, #tpu.memory_space<vmem>>) target(%dma_start3A_48 : memref<4x8x128xf32, #tpu.memory_space<hbm>>) target_semaphore(%arg9 : memref<!tpu.dma_semaphore, #tpu.memory_space<semaphore_mem>>)
      %gt3A_49 = arith.constant 0 : i32
      %gt3A_50 = arith.cmpi sgt, %scan3A_29, %gt3A_49 : i32
      %convert_element_type3A_51 = arith.extui %gt3A_50 : i1 to i32
      %cond3A_52 = arith.constant 0 : i32
      %cond3A_53 = arith.cmpi ne, %convert_element_type3A_51, %cond3A_52 : i32
      scf.if %cond3A_53 {
        %dma_wait3A_224 = arith.constant 0 : i32
        %dma_wait3A_225 = arith.constant 0 : i32
        %dma_wait3A_226 = arith.constant 0 : i32
        %dma_wait3A_227 = arith.constant 0 : i32
        %dma_wait3A_228 = arith.constant 0 : i32
        %dma_wait3A_229 = tpu.memref_slice %arg4[%dma_wait3A_224, %dma_wait3A_225, %dma_wait3A_226, %dma_wait3A_227, %dma_wait3A_228] : memref<26x8x128x8x128xf32, #tpu.memory_space<hbm>> -> memref<1x1x4x8x128xf32, #tpu.memory_space<hbm>>
        %dma_wait3A_230 = tpu.memref_squeeze %dma_wait3A_229 : memref<1x1x4x8x128xf32, #tpu.memory_space<hbm>> -> memref<4x8x128xf32, #tpu.memory_space<hbm>>
        %dma_wait3A_231 = arith.constant 0 : i32
        %dma_wait3A_232 = arith.constant 0 : i32
        %dma_wait3A_233 = arith.constant 0 : i32
        %dma_wait3A_234 = tpu.memref_slice %arg4[%dma_wait3A_224, %dma_wait3A_225, %dma_wait3A_231, %dma_wait3A_232, %dma_wait3A_233] : memref<26x8x128x8x128xf32, #tpu.memory_space<hbm>> -> memref<1x1x4x8x128xf32, #tpu.memory_space<hbm>>
        %dma_wait3A_235 = tpu.memref_squeeze %dma_wait3A_234 : memref<1x1x4x8x128xf32, #tpu.memory_space<hbm>> -> memref<4x8x128xf32, #tpu.memory_space<hbm>>
        tpu.wait_dma2 semaphore(%arg9 : memref<!tpu.dma_semaphore, #tpu.memory_space<semaphore_mem>>) src(%arg8 : memref<4x8x128xf32, #tpu.memory_space<vmem>>) dst(%dma_wait3A_235 : memref<4x8x128xf32, #tpu.memory_space<hbm>>)
      } else {
      }
      %parallel_loop3A_54 = arith.constant 0 : i32
      %parallel_loop3A_55 = arith.constant 32 : i32
      %parallel_loop3A_56 = arith.constant 1 : i32
      scf.for %parallel_loop3A_224 = %parallel_loop3A_54 to %parallel_loop3A_55 step %parallel_loop3A_56  : i32 {
        %parallel_loop3A_225 = arith.constant 3 : i32
        %parallel_loop3A_226 = arith.shrui %parallel_loop3A_224, %parallel_loop3A_225 : i32
        %parallel_loop3A_227 = arith.constant 7 : i32
        %parallel_loop3A_228 = arith.andi %parallel_loop3A_224, %parallel_loop3A_227 : i32
        %parallel_loop3A_229 = arith.constant 16 : i32
        %parallel_loop3A_230 = arith.muli %parallel_loop3A_228, %parallel_loop3A_229 : i32
        %parallel_loop3A_231 = arith.constant 16 : i32
        %parallel_loop3A_232 = arith.muli %parallel_loop3A_224, %parallel_loop3A_231 : i32
        %parallel_loop3A_233 = arith.index_cast %parallel_loop3A_232 : i32 to index
        %parallel_loop3A_234 = tpu.vector_load %arg6[%parallel_loop3A_233] {strides = array<i32>} : memref<512xi32, #tpu.memory_space<vmem>>, vector<16xi32>,
        %parallel_loop3A_235 = arith.constant 8192 : i32
        %parallel_loop3A_236 = vector.broadcast %parallel_loop3A_235 : i32 to vector<16xi32>
        %parallel_loop3A_237 = arith.addi %parallel_loop3A_234, %parallel_loop3A_236 : vector<16xi32>
        %parallel_loop3A_238 = tpu.vector_load_idx %arg5[%parallel_loop3A_237] : memref<65536xf32, #tpu.memory_space<vmem>>[vector<16xi32>], vector<16xf32>,
        %parallel_loop3A_239 = arith.constant 0 : i32
        %parallel_loop3A_240 = arith.index_cast %parallel_loop3A_226 : i32 to index
        %parallel_loop3A_241 = arith.index_cast %parallel_loop3A_239 : i32 to index
        %parallel_loop3A_242 = arith.index_cast %parallel_loop3A_230 : i32 to index
        %parallel_loop3A_243 = tpu.vector_load %arg8[%parallel_loop3A_240, %parallel_loop3A_241, %parallel_loop3A_242] {strides = array<i32>} : memref<4x8x128xf32, #tpu.memory_space<vmem>>, vector<16xf32>,
        tpu.vector_store %arg8[%parallel_loop3A_240, %parallel_loop3A_241, %parallel_loop3A_242], %parallel_loop3A_238 {strides = array<i32>} : memref<4x8x128xf32, #tpu.memory_space<vmem>>, vector<16xf32>,
        %parallel_loop3A_244 = arith.constant 9216 : i32
        %parallel_loop3A_245 = vector.broadcast %parallel_loop3A_244 : i32 to vector<16xi32>
        %parallel_loop3A_246 = arith.addi %parallel_loop3A_234, %parallel_loop3A_245 : vector<16xi32>
        %parallel_loop3A_247 = tpu.vector_load_idx %arg5[%parallel_loop3A_246] : memref<65536xf32, #tpu.memory_space<vmem>>[vector<16xi32>], vector<16xf32>,
        %parallel_loop3A_248 = arith.constant 1 : i32
        %parallel_loop3A_249 = arith.index_cast %parallel_loop3A_226 : i32 to index
        %parallel_loop3A_250 = arith.index_cast %parallel_loop3A_248 : i32 to index
        %parallel_loop3A_251 = arith.index_cast %parallel_loop3A_230 : i32 to index
        %parallel_loop3A_252 = tpu.vector_load %arg8[%parallel_loop3A_249, %parallel_loop3A_250, %parallel_loop3A_251] {strides = array<i32>} : memref<4x8x128xf32, #tpu.memory_space<vmem>>, vector<16xf32>,
        tpu.vector_store %arg8[%parallel_loop3A_249, %parallel_loop3A_250, %parallel_loop3A_251], %parallel_loop3A_247 {strides = array<i32>} : memref<4x8x128xf32, #tpu.memory_space<vmem>>, vector<16xf32>,
        %parallel_loop3A_253 = arith.constant 10240 : i32
        %parallel_loop3A_254 = vector.broadcast %parallel_loop3A_253 : i32 to vector<16xi32>
        %parallel_loop3A_255 = arith.addi %parallel_loop3A_234, %parallel_loop3A_254 : vector<16xi32>
        %parallel_loop3A_256 = tpu.vector_load_idx %arg5[%parallel_loop3A_255] : memref<65536xf32, #tpu.memory_space<vmem>>[vector<16xi32>], vector<16xf32>,
        %parallel_loop3A_257 = arith.constant 2 : i32
        %parallel_loop3A_258 = arith.index_cast %parallel_loop3A_226 : i32 to index
        %parallel_loop3A_259 = arith.index_cast %parallel_loop3A_257 : i32 to index
        %parallel_loop3A_260 = arith.index_cast %parallel_loop3A_230 : i32 to index
        %parallel_loop3A_261 = tpu.vector_load %arg8[%parallel_loop3A_258, %parallel_loop3A_259, %parallel_loop3A_260] {strides = array<i32>} : memref<4x8x128xf32, #tpu.memory_space<vmem>>, vector<16xf32>,
        tpu.vector_store %arg8[%parallel_loop3A_258, %parallel_loop3A_259, %parallel_loop3A_260], %parallel_loop3A_256 {strides = array<i32>} : memref<4x8x128xf32, #tpu.memory_space<vmem>>, vector<16xf32>,
        %parallel_loop3A_262 = arith.constant 11264 : i32
        %parallel_loop3A_263 = vector.broadcast %parallel_loop3A_262 : i32 to vector<16xi32>
        %parallel_loop3A_264 = arith.addi %parallel_loop3A_234, %parallel_loop3A_263 : vector<16xi32>
        %parallel_loop3A_265 = tpu.vector_load_idx %arg5[%parallel_loop3A_264] : memref<65536xf32, #tpu.memory_space<vmem>>[vector<16xi32>], vector<16xf32>,
        %parallel_loop3A_266 = arith.constant 3 : i32
        %parallel_loop3A_267 = arith.index_cast %parallel_loop3A_226 : i32 to index
        %parallel_loop3A_268 = arith.index_cast %parallel_loop3A_266 : i32 to index
        %parallel_loop3A_269 = arith.index_cast %parallel_loop3A_230 : i32 to index
        %parallel_loop3A_270 = tpu.vector_load %arg8[%parallel_loop3A_267, %parallel_loop3A_268, %parallel_loop3A_269] {strides = array<i32>} : memref<4x8x128xf32, #tpu.memory_space<vmem>>, vector<16xf32>,
        tpu.vector_store %arg8[%parallel_loop3A_267, %parallel_loop3A_268, %parallel_loop3A_269], %parallel_loop3A_265 {strides = array<i32>} : memref<4x8x128xf32, #tpu.memory_space<vmem>>, vector<16xf32>,
        %parallel_loop3A_271 = arith.constant 12288 : i32
        %parallel_loop3A_272 = vector.broadcast %parallel_loop3A_271 : i32 to vector<16xi32>
        %parallel_loop3A_273 = arith.addi %parallel_loop3A_234, %parallel_loop3A_272 : vector<16xi32>
        %parallel_loop3A_274 = tpu.vector_load_idx %arg5[%parallel_loop3A_273] : memref<65536xf32, #tpu.memory_space<vmem>>[vector<16xi32>], vector<16xf32>,
        %parallel_loop3A_275 = arith.constant 4 : i32
        %parallel_loop3A_276 = arith.index_cast %parallel_loop3A_226 : i32 to index
        %parallel_loop3A_277 = arith.index_cast %parallel_loop3A_275 : i32 to index
        %parallel_loop3A_278 = arith.index_cast %parallel_loop3A_230 : i32 to index
        %parallel_loop3A_279 = tpu.vector_load %arg8[%parallel_loop3A_276, %parallel_loop3A_277, %parallel_loop3A_278] {strides = array<i32>} : memref<4x8x128xf32, #tpu.memory_space<vmem>>, vector<16xf32>,
        tpu.vector_store %arg8[%parallel_loop3A_276, %parallel_loop3A_277, %parallel_loop3A_278], %parallel_loop3A_274 {strides = array<i32>} : memref<4x8x128xf32, #tpu.memory_space<vmem>>, vector<16xf32>,
        %parallel_loop3A_280 = arith.constant 13312 : i32
        %parallel_loop3A_281 = vector.broadcast %parallel_loop3A_280 : i32 to vector<16xi32>
        %parallel_loop3A_282 = arith.addi %parallel_loop3A_234, %parallel_loop3A_281 : vector<16xi32>
        %parallel_loop3A_283 = tpu.vector_load_idx %arg5[%parallel_loop3A_282] : memref<65536xf32, #tpu.memory_space<vmem>>[vector<16xi32>], vector<16xf32>,
        %parallel_loop3A_284 = arith.constant 5 : i32
        %parallel_loop3A_285 = arith.index_cast %parallel_loop3A_226 : i32 to index
        %parallel_loop3A_286 = arith.index_cast %parallel_loop3A_284 : i32 to index
        %parallel_loop3A_287 = arith.index_cast %parallel_loop3A_230 : i32 to index
        %parallel_loop3A_288 = tpu.vector_load %arg8[%parallel_loop3A_285, %parallel_loop3A_286, %parallel_loop3A_287] {strides = array<i32>} : memref<4x8x128xf32, #tpu.memory_space<vmem>>, vector<16xf32>,
        tpu.vector_store %arg8[%parallel_loop3A_285, %parallel_loop3A_286, %parallel_loop3A_287], %parallel_loop3A_283 {strides = array<i32>} : memref<4x8x128xf32, #tpu.memory_space<vmem>>, vector<16xf32>,
        %parallel_loop3A_289 = arith.constant 14336 : i32
        %parallel_loop3A_290 = vector.broadcast %parallel_loop3A_289 : i32 to vector<16xi32>
        %parallel_loop3A_291 = arith.addi %parallel_loop3A_234, %parallel_loop3A_290 : vector<16xi32>
        %parallel_loop3A_292 = tpu.vector_load_idx %arg5[%parallel_loop3A_291] : memref<65536xf32, #tpu.memory_space<vmem>>[vector<16xi32>], vector<16xf32>,
        %parallel_loop3A_293 = arith.constant 6 : i32
        %parallel_loop3A_294 = arith.index_cast %parallel_loop3A_226 : i32 to index
        %parallel_loop3A_295 = arith.index_cast %parallel_loop3A_293 : i32 to index
        %parallel_loop3A_296 = arith.index_cast %parallel_loop3A_230 : i32 to index
        %parallel_loop3A_297 = tpu.vector_load %arg8[%parallel_loop3A_294, %parallel_loop3A_295, %parallel_loop3A_296] {strides = array<i32>} : memref<4x8x128xf32, #tpu.memory_space<vmem>>, vector<16xf32>,
        tpu.vector_store %arg8[%parallel_loop3A_294, %parallel_loop3A_295, %parallel_loop3A_296], %parallel_loop3A_292 {strides = array<i32>} : memref<4x8x128xf32, #tpu.memory_space<vmem>>, vector<16xf32>,
        %parallel_loop3A_298 = arith.constant 15360 : i32
        %parallel_loop3A_299 = vector.broadcast %parallel_loop3A_298 : i32 to vector<16xi32>
        %parallel_loop3A_300 = arith.addi %parallel_loop3A_234, %parallel_loop3A_299 : vector<16xi32>
        %parallel_loop3A_301 = tpu.vector_load_idx %arg5[%parallel_loop3A_300] : memref<65536xf32, #tpu.memory_space<vmem>>[vector<16xi32>], vector<16xf32>,
        %parallel_loop3A_302 = arith.constant 7 : i32
        %parallel_loop3A_303 = arith.index_cast %parallel_loop3A_226 : i32 to index
        %parallel_loop3A_304 = arith.index_cast %parallel_loop3A_302 : i32 to index
        %parallel_loop3A_305 = arith.index_cast %parallel_loop3A_230 : i32 to index
        %parallel_loop3A_306 = tpu.vector_load %arg8[%parallel_loop3A_303, %parallel_loop3A_304, %parallel_loop3A_305] {strides = array<i32>} : memref<4x8x128xf32, #tpu.memory_space<vmem>>, vector<16xf32>,
        tpu.vector_store %arg8[%parallel_loop3A_303, %parallel_loop3A_304, %parallel_loop3A_305], %parallel_loop3A_301 {strides = array<i32>} : memref<4x8x128xf32, #tpu.memory_space<vmem>>, vector<16xf32>,
      } {sc.loop_unroll_factor = 8 : i64, sc.parallel_access}
      %mul3A_57 = arith.constant 4 : i32
      %mul3A_58 = arith.muli %add3A, %mul3A_57 : i32
      %dma_start3A_59 = arith.constant 1 : i32
      %dma_start3A_60 = arith.constant 0 : i32
      %dma_start3A_61 = arith.constant 0 : i32
      %dma_start3A_62 = tpu.memref_slice %arg4[%scan3A_29, %dma_start3A_59, %mul3A_58, %dma_start3A_60, %dma_start3A_61] : memref<26x8x128x8x128xf32, #tpu.memory_space<hbm>> -> memref<1x1x4x8x128xf32, #tpu.memory_space<hbm>>
      %dma_start3A_63 = tpu.memref_squeeze %dma_start3A_62 : memref<1x1x4x8x128xf32, #tpu.memory_space<hbm>> -> memref<4x8x128xf32, #tpu.memory_space<hbm>>
      %dma_start3A_64 = arith.constant 0 : i32
      %dma_start3A_65 = arith.constant 0 : i32
      %dma_start3A_66 = tpu.memref_slice %arg4[%scan3A_29, %dma_start3A_59, %mul3A_58, %dma_start3A_64, %dma_start3A_65] : memref<26x8x128x8x128xf32, #tpu.memory_space<hbm>> -> memref<1x1x4x8x128xf32, #tpu.memory_space<hbm>>
      %dma_start3A_67 = tpu.memref_squeeze %dma_start3A_66 : memref<1x1x4x8x128xf32, #tpu.memory_space<hbm>> -> memref<4x8x128xf32, #tpu.memory_space<hbm>>
      tpu.enqueue_dma source(%arg8 : memref<4x8x128xf32, #tpu.memory_space<vmem>>) target(%dma_start3A_67 : memref<4x8x128xf32, #tpu.memory_space<hbm>>) target_semaphore(%arg9 : memref<!tpu.dma_semaphore, #tpu.memory_space<semaphore_mem>>)
      %dma_wait3A_68 = arith.constant 0 : i32
      %dma_wait3A_69 = arith.constant 0 : i32
      %dma_wait3A_70 = arith.constant 0 : i32
      %dma_wait3A_71 = arith.constant 0 : i32
      %dma_wait3A_72 = arith.constant 0 : i32
      %dma_wait3A_73 = tpu.memref_slice %arg4[%dma_wait3A_68, %dma_wait3A_69, %dma_wait3A_70, %dma_wait3A_71, %dma_wait3A_72] : memref<26x8x128x8x128xf32, #tpu.memory_space<hbm>> -> memref<1x1x4x8x128xf32, #tpu.memory_space<hbm>>
      %dma_wait3A_74 = tpu.memref_squeeze %dma_wait3A_73 : memref<1x1x4x8x128xf32, #tpu.memory_space<hbm>> -> memref<4x8x128xf32, #tpu.memory_space<hbm>>
      %dma_wait3A_75 = arith.constant 0 : i32
      %dma_wait3A_76 = arith.constant 0 : i32
      %dma_wait3A_77 = arith.constant 0 : i32
      %dma_wait3A_78 = tpu.memref_slice %arg4[%dma_wait3A_68, %dma_wait3A_69, %dma_wait3A_75, %dma_wait3A_76, %dma_wait3A_77] : memref<26x8x128x8x128xf32, #tpu.memory_space<hbm>> -> memref<1x1x4x8x128xf32, #tpu.memory_space<hbm>>
      %dma_wait3A_79 = tpu.memref_squeeze %dma_wait3A_78 : memref<1x1x4x8x128xf32, #tpu.memory_space<hbm>> -> memref<4x8x128xf32, #tpu.memory_space<hbm>>
      tpu.wait_dma2 semaphore(%arg9 : memref<!tpu.dma_semaphore, #tpu.memory_space<semaphore_mem>>) src(%arg7 : memref<4x8x128xf32, #tpu.memory_space<vmem>>) dst(%dma_wait3A_79 : memref<4x8x128xf32, #tpu.memory_space<hbm>>)
      %parallel_loop3A_80 = arith.constant 0 : i32
      %parallel_loop3A_81 = arith.constant 32 : i32
      %parallel_loop3A_82 = arith.constant 1 : i32
      scf.for %parallel_loop3A_224 = %parallel_loop3A_80 to %parallel_loop3A_81 step %parallel_loop3A_82  : i32 {
        %parallel_loop3A_225 = arith.constant 3 : i32
        %parallel_loop3A_226 = arith.shrui %parallel_loop3A_224, %parallel_loop3A_225 : i32
        %parallel_loop3A_227 = arith.constant 7 : i32
        %parallel_loop3A_228 = arith.andi %parallel_loop3A_224, %parallel_loop3A_227 : i32
        %parallel_loop3A_229 = arith.constant 16 : i32
        %parallel_loop3A_230 = arith.muli %parallel_loop3A_228, %parallel_loop3A_229 : i32
        %parallel_loop3A_231 = arith.constant 16 : i32
        %parallel_loop3A_232 = arith.muli %parallel_loop3A_224, %parallel_loop3A_231 : i32
        %parallel_loop3A_233 = arith.index_cast %parallel_loop3A_232 : i32 to index
        %parallel_loop3A_234 = tpu.vector_load %arg6[%parallel_loop3A_233] {strides = array<i32>} : memref<512xi32, #tpu.memory_space<vmem>>, vector<16xi32>,
        %parallel_loop3A_235 = arith.constant 16384 : i32
        %parallel_loop3A_236 = vector.broadcast %parallel_loop3A_235 : i32 to vector<16xi32>
        %parallel_loop3A_237 = arith.addi %parallel_loop3A_234, %parallel_loop3A_236 : vector<16xi32>
        %parallel_loop3A_238 = tpu.vector_load_idx %arg5[%parallel_loop3A_237] : memref<65536xf32, #tpu.memory_space<vmem>>[vector<16xi32>], vector<16xf32>,
        %parallel_loop3A_239 = arith.constant 0 : i32
        %parallel_loop3A_240 = arith.index_cast %parallel_loop3A_226 : i32 to index
        %parallel_loop3A_241 = arith.index_cast %parallel_loop3A_239 : i32 to index
        %parallel_loop3A_242 = arith.index_cast %parallel_loop3A_230 : i32 to index
        %parallel_loop3A_243 = tpu.vector_load %arg7[%parallel_loop3A_240, %parallel_loop3A_241, %parallel_loop3A_242] {strides = array<i32>} : memref<4x8x128xf32, #tpu.memory_space<vmem>>, vector<16xf32>,
        tpu.vector_store %arg7[%parallel_loop3A_240, %parallel_loop3A_241, %parallel_loop3A_242], %parallel_loop3A_238 {strides = array<i32>} : memref<4x8x128xf32, #tpu.memory_space<vmem>>, vector<16xf32>,
        %parallel_loop3A_244 = arith.constant 17408 : i32
        %parallel_loop3A_245 = vector.broadcast %parallel_loop3A_244 : i32 to vector<16xi32>
        %parallel_loop3A_246 = arith.addi %parallel_loop3A_234, %parallel_loop3A_245 : vector<16xi32>
        %parallel_loop3A_247 = tpu.vector_load_idx %arg5[%parallel_loop3A_246] : memref<65536xf32, #tpu.memory_space<vmem>>[vector<16xi32>], vector<16xf32>,
        %parallel_loop3A_248 = arith.constant 1 : i32
        %parallel_loop3A_249 = arith.index_cast %parallel_loop3A_226 : i32 to index
        %parallel_loop3A_250 = arith.index_cast %parallel_loop3A_248 : i32 to index
        %parallel_loop3A_251 = arith.index_cast %parallel_loop3A_230 : i32 to index
        %parallel_loop3A_252 = tpu.vector_load %arg7[%parallel_loop3A_249, %parallel_loop3A_250, %parallel_loop3A_251] {strides = array<i32>} : memref<4x8x128xf32, #tpu.memory_space<vmem>>, vector<16xf32>,
        tpu.vector_store %arg7[%parallel_loop3A_249, %parallel_loop3A_250, %parallel_loop3A_251], %parallel_loop3A_247 {strides = array<i32>} : memref<4x8x128xf32, #tpu.memory_space<vmem>>, vector<16xf32>,
        %parallel_loop3A_253 = arith.constant 18432 : i32
        %parallel_loop3A_254 = vector.broadcast %parallel_loop3A_253 : i32 to vector<16xi32>
        %parallel_loop3A_255 = arith.addi %parallel_loop3A_234, %parallel_loop3A_254 : vector<16xi32>
        %parallel_loop3A_256 = tpu.vector_load_idx %arg5[%parallel_loop3A_255] : memref<65536xf32, #tpu.memory_space<vmem>>[vector<16xi32>], vector<16xf32>,
        %parallel_loop3A_257 = arith.constant 2 : i32
        %parallel_loop3A_258 = arith.index_cast %parallel_loop3A_226 : i32 to index
        %parallel_loop3A_259 = arith.index_cast %parallel_loop3A_257 : i32 to index
        %parallel_loop3A_260 = arith.index_cast %parallel_loop3A_230 : i32 to index
        %parallel_loop3A_261 = tpu.vector_load %arg7[%parallel_loop3A_258, %parallel_loop3A_259, %parallel_loop3A_260] {strides = array<i32>} : memref<4x8x128xf32, #tpu.memory_space<vmem>>, vector<16xf32>,
        tpu.vector_store %arg7[%parallel_loop3A_258, %parallel_loop3A_259, %parallel_loop3A_260], %parallel_loop3A_256 {strides = array<i32>} : memref<4x8x128xf32, #tpu.memory_space<vmem>>, vector<16xf32>,
        %parallel_loop3A_262 = arith.constant 19456 : i32
        %parallel_loop3A_263 = vector.broadcast %parallel_loop3A_262 : i32 to vector<16xi32>
        %parallel_loop3A_264 = arith.addi %parallel_loop3A_234, %parallel_loop3A_263 : vector<16xi32>
        %parallel_loop3A_265 = tpu.vector_load_idx %arg5[%parallel_loop3A_264] : memref<65536xf32, #tpu.memory_space<vmem>>[vector<16xi32>], vector<16xf32>,
        %parallel_loop3A_266 = arith.constant 3 : i32
        %parallel_loop3A_267 = arith.index_cast %parallel_loop3A_226 : i32 to index
        %parallel_loop3A_268 = arith.index_cast %parallel_loop3A_266 : i32 to index
        %parallel_loop3A_269 = arith.index_cast %parallel_loop3A_230 : i32 to index
        %parallel_loop3A_270 = tpu.vector_load %arg7[%parallel_loop3A_267, %parallel_loop3A_268, %parallel_loop3A_269] {strides = array<i32>} : memref<4x8x128xf32, #tpu.memory_space<vmem>>, vector<16xf32>,
        tpu.vector_store %arg7[%parallel_loop3A_267, %parallel_loop3A_268, %parallel_loop3A_269], %parallel_loop3A_265 {strides = array<i32>} : memref<4x8x128xf32, #tpu.memory_space<vmem>>, vector<16xf32>,
        %parallel_loop3A_271 = arith.constant 20480 : i32
        %parallel_loop3A_272 = vector.broadcast %parallel_loop3A_271 : i32 to vector<16xi32>
        %parallel_loop3A_273 = arith.addi %parallel_loop3A_234, %parallel_loop3A_272 : vector<16xi32>
        %parallel_loop3A_274 = tpu.vector_load_idx %arg5[%parallel_loop3A_273] : memref<65536xf32, #tpu.memory_space<vmem>>[vector<16xi32>], vector<16xf32>,
        %parallel_loop3A_275 = arith.constant 4 : i32
        %parallel_loop3A_276 = arith.index_cast %parallel_loop3A_226 : i32 to index
        %parallel_loop3A_277 = arith.index_cast %parallel_loop3A_275 : i32 to index
        %parallel_loop3A_278 = arith.index_cast %parallel_loop3A_230 : i32 to index
        %parallel_loop3A_279 = tpu.vector_load %arg7[%parallel_loop3A_276, %parallel_loop3A_277, %parallel_loop3A_278] {strides = array<i32>} : memref<4x8x128xf32, #tpu.memory_space<vmem>>, vector<16xf32>,
        tpu.vector_store %arg7[%parallel_loop3A_276, %parallel_loop3A_277, %parallel_loop3A_278], %parallel_loop3A_274 {strides = array<i32>} : memref<4x8x128xf32, #tpu.memory_space<vmem>>, vector<16xf32>,
        %parallel_loop3A_280 = arith.constant 21504 : i32
        %parallel_loop3A_281 = vector.broadcast %parallel_loop3A_280 : i32 to vector<16xi32>
        %parallel_loop3A_282 = arith.addi %parallel_loop3A_234, %parallel_loop3A_281 : vector<16xi32>
        %parallel_loop3A_283 = tpu.vector_load_idx %arg5[%parallel_loop3A_282] : memref<65536xf32, #tpu.memory_space<vmem>>[vector<16xi32>], vector<16xf32>,
        %parallel_loop3A_284 = arith.constant 5 : i32
        %parallel_loop3A_285 = arith.index_cast %parallel_loop3A_226 : i32 to index
        %parallel_loop3A_286 = arith.index_cast %parallel_loop3A_284 : i32 to index
        %parallel_loop3A_287 = arith.index_cast %parallel_loop3A_230 : i32 to index
        %parallel_loop3A_288 = tpu.vector_load %arg7[%parallel_loop3A_285, %parallel_loop3A_286, %parallel_loop3A_287] {strides = array<i32>} : memref<4x8x128xf32, #tpu.memory_space<vmem>>, vector<16xf32>,
        tpu.vector_store %arg7[%parallel_loop3A_285, %parallel_loop3A_286, %parallel_loop3A_287], %parallel_loop3A_283 {strides = array<i32>} : memref<4x8x128xf32, #tpu.memory_space<vmem>>, vector<16xf32>,
        %parallel_loop3A_289 = arith.constant 22528 : i32
        %parallel_loop3A_290 = vector.broadcast %parallel_loop3A_289 : i32 to vector<16xi32>
        %parallel_loop3A_291 = arith.addi %parallel_loop3A_234, %parallel_loop3A_290 : vector<16xi32>
        %parallel_loop3A_292 = tpu.vector_load_idx %arg5[%parallel_loop3A_291] : memref<65536xf32, #tpu.memory_space<vmem>>[vector<16xi32>], vector<16xf32>,
        %parallel_loop3A_293 = arith.constant 6 : i32
        %parallel_loop3A_294 = arith.index_cast %parallel_loop3A_226 : i32 to index
        %parallel_loop3A_295 = arith.index_cast %parallel_loop3A_293 : i32 to index
        %parallel_loop3A_296 = arith.index_cast %parallel_loop3A_230 : i32 to index
        %parallel_loop3A_297 = tpu.vector_load %arg7[%parallel_loop3A_294, %parallel_loop3A_295, %parallel_loop3A_296] {strides = array<i32>} : memref<4x8x128xf32, #tpu.memory_space<vmem>>, vector<16xf32>,
        tpu.vector_store %arg7[%parallel_loop3A_294, %parallel_loop3A_295, %parallel_loop3A_296], %parallel_loop3A_292 {strides = array<i32>} : memref<4x8x128xf32, #tpu.memory_space<vmem>>, vector<16xf32>,
        %parallel_loop3A_298 = arith.constant 23552 : i32
        %parallel_loop3A_299 = vector.broadcast %parallel_loop3A_298 : i32 to vector<16xi32>
        %parallel_loop3A_300 = arith.addi %parallel_loop3A_234, %parallel_loop3A_299 : vector<16xi32>
        %parallel_loop3A_301 = tpu.vector_load_idx %arg5[%parallel_loop3A_300] : memref<65536xf32, #tpu.memory_space<vmem>>[vector<16xi32>], vector<16xf32>,
        %parallel_loop3A_302 = arith.constant 7 : i32
        %parallel_loop3A_303 = arith.index_cast %parallel_loop3A_226 : i32 to index
        %parallel_loop3A_304 = arith.index_cast %parallel_loop3A_302 : i32 to index
        %parallel_loop3A_305 = arith.index_cast %parallel_loop3A_230 : i32 to index
        %parallel_loop3A_306 = tpu.vector_load %arg7[%parallel_loop3A_303, %parallel_loop3A_304, %parallel_loop3A_305] {strides = array<i32>} : memref<4x8x128xf32, #tpu.memory_space<vmem>>, vector<16xf32>,
        tpu.vector_store %arg7[%parallel_loop3A_303, %parallel_loop3A_304, %parallel_loop3A_305], %parallel_loop3A_301 {strides = array<i32>} : memref<4x8x128xf32, #tpu.memory_space<vmem>>, vector<16xf32>,
      } {sc.loop_unroll_factor = 8 : i64, sc.parallel_access}
      %mul3A_83 = arith.constant 4 : i32
      %mul3A_84 = arith.muli %add3A, %mul3A_83 : i32
      %dma_start3A_85 = arith.constant 2 : i32
      %dma_start3A_86 = arith.constant 0 : i32
      %dma_start3A_87 = arith.constant 0 : i32
      %dma_start3A_88 = tpu.memref_slice %arg4[%scan3A_29, %dma_start3A_85, %mul3A_84, %dma_start3A_86, %dma_start3A_87] : memref<26x8x128x8x128xf32, #tpu.memory_space<hbm>> -> memref<1x1x4x8x128xf32, #tpu.memory_space<hbm>>
      %dma_start3A_89 = tpu.memref_squeeze %dma_start3A_88 : memref<1x1x4x8x128xf32, #tpu.memory_space<hbm>> -> memref<4x8x128xf32, #tpu.memory_space<hbm>>
      %dma_start3A_90 = arith.constant 0 : i32
      %dma_start3A_91 = arith.constant 0 : i32
      %dma_start3A_92 = tpu.memref_slice %arg4[%scan3A_29, %dma_start3A_85, %mul3A_84, %dma_start3A_90, %dma_start3A_91] : memref<26x8x128x8x128xf32, #tpu.memory_space<hbm>> -> memref<1x1x4x8x128xf32, #tpu.memory_space<hbm>>
      %dma_start3A_93 = tpu.memref_squeeze %dma_start3A_92 : memref<1x1x4x8x128xf32, #tpu.memory_space<hbm>> -> memref<4x8x128xf32, #tpu.memory_space<hbm>>
      tpu.enqueue_dma source(%arg7 : memref<4x8x128xf32, #tpu.memory_space<vmem>>) target(%dma_start3A_93 : memref<4x8x128xf32, #tpu.memory_space<hbm>>) target_semaphore(%arg9 : memref<!tpu.dma_semaphore, #tpu.memory_space<semaphore_mem>>)
      %dma_wait3A_94 = arith.constant 0 : i32
      %dma_wait3A_95 = arith.constant 0 : i32
      %dma_wait3A_96 = arith.constant 0 : i32
      %dma_wait3A_97 = arith.constant 0 : i32
      %dma_wait3A_98 = arith.constant 0 : i32
      %dma_wait3A_99 = tpu.memref_slice %arg4[%dma_wait3A_94, %dma_wait3A_95, %dma_wait3A_96, %dma_wait3A_97, %dma_wait3A_98] : memref<26x8x128x8x128xf32, #tpu.memory_space<hbm>> -> memref<1x1x4x8x128xf32, #tpu.memory_space<hbm>>
      %dma_wait3A_100 = tpu.memref_squeeze %dma_wait3A_99 : memref<1x1x4x8x128xf32, #tpu.memory_space<hbm>> -> memref<4x8x128xf32, #tpu.memory_space<hbm>>
      %dma_wait3A_101 = arith.constant 0 : i32
      %dma_wait3A_102 = arith.constant 0 : i32
      %dma_wait3A_103 = arith.constant 0 : i32
      %dma_wait3A_104 = tpu.memref_slice %arg4[%dma_wait3A_94, %dma_wait3A_95, %dma_wait3A_101, %dma_wait3A_102, %dma_wait3A_103] : memref<26x8x128x8x128xf32, #tpu.memory_space<hbm>> -> memref<1x1x4x8x128xf32, #tpu.memory_space<hbm>>
      %dma_wait3A_105 = tpu.memref_squeeze %dma_wait3A_104 : memref<1x1x4x8x128xf32, #tpu.memory_space<hbm>> -> memref<4x8x128xf32, #tpu.memory_space<hbm>>
      tpu.wait_dma2 semaphore(%arg9 : memref<!tpu.dma_semaphore, #tpu.memory_space<semaphore_mem>>) src(%arg8 : memref<4x8x128xf32, #tpu.memory_space<vmem>>) dst(%dma_wait3A_105 : memref<4x8x128xf32, #tpu.memory_space<hbm>>)
      %parallel_loop3A_106 = arith.constant 0 : i32
      %parallel_loop3A_107 = arith.constant 32 : i32
      %parallel_loop3A_108 = arith.constant 1 : i32
      scf.for %parallel_loop3A_224 = %parallel_loop3A_106 to %parallel_loop3A_107 step %parallel_loop3A_108  : i32 {
        %parallel_loop3A_225 = arith.constant 3 : i32
        %parallel_loop3A_226 = arith.shrui %parallel_loop3A_224, %parallel_loop3A_225 : i32
        %parallel_loop3A_227 = arith.constant 7 : i32
        %parallel_loop3A_228 = arith.andi %parallel_loop3A_224, %parallel_loop3A_227 : i32
        %parallel_loop3A_229 = arith.constant 16 : i32
        %parallel_loop3A_230 = arith.muli %parallel_loop3A_228, %parallel_loop3A_229 : i32
        %parallel_loop3A_231 = arith.constant 16 : i32
        %parallel_loop3A_232 = arith.muli %parallel_loop3A_224, %parallel_loop3A_231 : i32
        %parallel_loop3A_233 = arith.index_cast %parallel_loop3A_232 : i32 to index
        %parallel_loop3A_234 = tpu.vector_load %arg6[%parallel_loop3A_233] {strides = array<i32>} : memref<512xi32, #tpu.memory_space<vmem>>, vector<16xi32>,
        %parallel_loop3A_235 = arith.constant 24576 : i32
        %parallel_loop3A_236 = vector.broadcast %parallel_loop3A_235 : i32 to vector<16xi32>
        %parallel_loop3A_237 = arith.addi %parallel_loop3A_234, %parallel_loop3A_236 : vector<16xi32>
        %parallel_loop3A_238 = tpu.vector_load_idx %arg5[%parallel_loop3A_237] : memref<65536xf32, #tpu.memory_space<vmem>>[vector<16xi32>], vector<16xf32>,
        %parallel_loop3A_239 = arith.constant 0 : i32
        %parallel_loop3A_240 = arith.index_cast %parallel_loop3A_226 : i32 to index
        %parallel_loop3A_241 = arith.index_cast %parallel_loop3A_239 : i32 to index
        %parallel_loop3A_242 = arith.index_cast %parallel_loop3A_230 : i32 to index
        %parallel_loop3A_243 = tpu.vector_load %arg8[%parallel_loop3A_240, %parallel_loop3A_241, %parallel_loop3A_242] {strides = array<i32>} : memref<4x8x128xf32, #tpu.memory_space<vmem>>, vector<16xf32>,
        tpu.vector_store %arg8[%parallel_loop3A_240, %parallel_loop3A_241, %parallel_loop3A_242], %parallel_loop3A_238 {strides = array<i32>} : memref<4x8x128xf32, #tpu.memory_space<vmem>>, vector<16xf32>,
        %parallel_loop3A_244 = arith.constant 25600 : i32
        %parallel_loop3A_245 = vector.broadcast %parallel_loop3A_244 : i32 to vector<16xi32>
        %parallel_loop3A_246 = arith.addi %parallel_loop3A_234, %parallel_loop3A_245 : vector<16xi32>
        %parallel_loop3A_247 = tpu.vector_load_idx %arg5[%parallel_loop3A_246] : memref<65536xf32, #tpu.memory_space<vmem>>[vector<16xi32>], vector<16xf32>,
        %parallel_loop3A_248 = arith.constant 1 : i32
        %parallel_loop3A_249 = arith.index_cast %parallel_loop3A_226 : i32 to index
        %parallel_loop3A_250 = arith.index_cast %parallel_loop3A_248 : i32 to index
        %parallel_loop3A_251 = arith.index_cast %parallel_loop3A_230 : i32 to index
        %parallel_loop3A_252 = tpu.vector_load %arg8[%parallel_loop3A_249, %parallel_loop3A_250, %parallel_loop3A_251] {strides = array<i32>} : memref<4x8x128xf32, #tpu.memory_space<vmem>>, vector<16xf32>,
        tpu.vector_store %arg8[%parallel_loop3A_249, %parallel_loop3A_250, %parallel_loop3A_251], %parallel_loop3A_247 {strides = array<i32>} : memref<4x8x128xf32, #tpu.memory_space<vmem>>, vector<16xf32>,
        %parallel_loop3A_253 = arith.constant 26624 : i32
        %parallel_loop3A_254 = vector.broadcast %parallel_loop3A_253 : i32 to vector<16xi32>
        %parallel_loop3A_255 = arith.addi %parallel_loop3A_234, %parallel_loop3A_254 : vector<16xi32>
        %parallel_loop3A_256 = tpu.vector_load_idx %arg5[%parallel_loop3A_255] : memref<65536xf32, #tpu.memory_space<vmem>>[vector<16xi32>], vector<16xf32>,
        %parallel_loop3A_257 = arith.constant 2 : i32
        %parallel_loop3A_258 = arith.index_cast %parallel_loop3A_226 : i32 to index
        %parallel_loop3A_259 = arith.index_cast %parallel_loop3A_257 : i32 to index
        %parallel_loop3A_260 = arith.index_cast %parallel_loop3A_230 : i32 to index
        %parallel_loop3A_261 = tpu.vector_load %arg8[%parallel_loop3A_258, %parallel_loop3A_259, %parallel_loop3A_260] {strides = array<i32>} : memref<4x8x128xf32, #tpu.memory_space<vmem>>, vector<16xf32>,
        tpu.vector_store %arg8[%parallel_loop3A_258, %parallel_loop3A_259, %parallel_loop3A_260], %parallel_loop3A_256 {strides = array<i32>} : memref<4x8x128xf32, #tpu.memory_space<vmem>>, vector<16xf32>,
        %parallel_loop3A_262 = arith.constant 27648 : i32
        %parallel_loop3A_263 = vector.broadcast %parallel_loop3A_262 : i32 to vector<16xi32>
        %parallel_loop3A_264 = arith.addi %parallel_loop3A_234, %parallel_loop3A_263 : vector<16xi32>
        %parallel_loop3A_265 = tpu.vector_load_idx %arg5[%parallel_loop3A_264] : memref<65536xf32, #tpu.memory_space<vmem>>[vector<16xi32>], vector<16xf32>,
        %parallel_loop3A_266 = arith.constant 3 : i32
        %parallel_loop3A_267 = arith.index_cast %parallel_loop3A_226 : i32 to index
        %parallel_loop3A_268 = arith.index_cast %parallel_loop3A_266 : i32 to index
        %parallel_loop3A_269 = arith.index_cast %parallel_loop3A_230 : i32 to index
        %parallel_loop3A_270 = tpu.vector_load %arg8[%parallel_loop3A_267, %parallel_loop3A_268, %parallel_loop3A_269] {strides = array<i32>} : memref<4x8x128xf32, #tpu.memory_space<vmem>>, vector<16xf32>,
        tpu.vector_store %arg8[%parallel_loop3A_267, %parallel_loop3A_268, %parallel_loop3A_269], %parallel_loop3A_265 {strides = array<i32>} : memref<4x8x128xf32, #tpu.memory_space<vmem>>, vector<16xf32>,
        %parallel_loop3A_271 = arith.constant 28672 : i32
        %parallel_loop3A_272 = vector.broadcast %parallel_loop3A_271 : i32 to vector<16xi32>
        %parallel_loop3A_273 = arith.addi %parallel_loop3A_234, %parallel_loop3A_272 : vector<16xi32>
        %parallel_loop3A_274 = tpu.vector_load_idx %arg5[%parallel_loop3A_273] : memref<65536xf32, #tpu.memory_space<vmem>>[vector<16xi32>], vector<16xf32>,
        %parallel_loop3A_275 = arith.constant 4 : i32
        %parallel_loop3A_276 = arith.index_cast %parallel_loop3A_226 : i32 to index
        %parallel_loop3A_277 = arith.index_cast %parallel_loop3A_275 : i32 to index
        %parallel_loop3A_278 = arith.index_cast %parallel_loop3A_230 : i32 to index
        %parallel_loop3A_279 = tpu.vector_load %arg8[%parallel_loop3A_276, %parallel_loop3A_277, %parallel_loop3A_278] {strides = array<i32>} : memref<4x8x128xf32, #tpu.memory_space<vmem>>, vector<16xf32>,
        tpu.vector_store %arg8[%parallel_loop3A_276, %parallel_loop3A_277, %parallel_loop3A_278], %parallel_loop3A_274 {strides = array<i32>} : memref<4x8x128xf32, #tpu.memory_space<vmem>>, vector<16xf32>,
        %parallel_loop3A_280 = arith.constant 29696 : i32
        %parallel_loop3A_281 = vector.broadcast %parallel_loop3A_280 : i32 to vector<16xi32>
        %parallel_loop3A_282 = arith.addi %parallel_loop3A_234, %parallel_loop3A_281 : vector<16xi32>
        %parallel_loop3A_283 = tpu.vector_load_idx %arg5[%parallel_loop3A_282] : memref<65536xf32, #tpu.memory_space<vmem>>[vector<16xi32>], vector<16xf32>,
        %parallel_loop3A_284 = arith.constant 5 : i32
        %parallel_loop3A_285 = arith.index_cast %parallel_loop3A_226 : i32 to index
        %parallel_loop3A_286 = arith.index_cast %parallel_loop3A_284 : i32 to index
        %parallel_loop3A_287 = arith.index_cast %parallel_loop3A_230 : i32 to index
        %parallel_loop3A_288 = tpu.vector_load %arg8[%parallel_loop3A_285, %parallel_loop3A_286, %parallel_loop3A_287] {strides = array<i32>} : memref<4x8x128xf32, #tpu.memory_space<vmem>>, vector<16xf32>,
        tpu.vector_store %arg8[%parallel_loop3A_285, %parallel_loop3A_286, %parallel_loop3A_287], %parallel_loop3A_283 {strides = array<i32>} : memref<4x8x128xf32, #tpu.memory_space<vmem>>, vector<16xf32>,
        %parallel_loop3A_289 = arith.constant 30720 : i32
        %parallel_loop3A_290 = vector.broadcast %parallel_loop3A_289 : i32 to vector<16xi32>
        %parallel_loop3A_291 = arith.addi %parallel_loop3A_234, %parallel_loop3A_290 : vector<16xi32>
        %parallel_loop3A_292 = tpu.vector_load_idx %arg5[%parallel_loop3A_291] : memref<65536xf32, #tpu.memory_space<vmem>>[vector<16xi32>], vector<16xf32>,
        %parallel_loop3A_293 = arith.constant 6 : i32
        %parallel_loop3A_294 = arith.index_cast %parallel_loop3A_226 : i32 to index
        %parallel_loop3A_295 = arith.index_cast %parallel_loop3A_293 : i32 to index
        %parallel_loop3A_296 = arith.index_cast %parallel_loop3A_230 : i32 to index
        %parallel_loop3A_297 = tpu.vector_load %arg8[%parallel_loop3A_294, %parallel_loop3A_295, %parallel_loop3A_296] {strides = array<i32>} : memref<4x8x128xf32, #tpu.memory_space<vmem>>, vector<16xf32>,
        tpu.vector_store %arg8[%parallel_loop3A_294, %parallel_loop3A_295, %parallel_loop3A_296], %parallel_loop3A_292 {strides = array<i32>} : memref<4x8x128xf32, #tpu.memory_space<vmem>>, vector<16xf32>,
        %parallel_loop3A_298 = arith.constant 31744 : i32
        %parallel_loop3A_299 = vector.broadcast %parallel_loop3A_298 : i32 to vector<16xi32>
        %parallel_loop3A_300 = arith.addi %parallel_loop3A_234, %parallel_loop3A_299 : vector<16xi32>
        %parallel_loop3A_301 = tpu.vector_load_idx %arg5[%parallel_loop3A_300] : memref<65536xf32, #tpu.memory_space<vmem>>[vector<16xi32>], vector<16xf32>,
        %parallel_loop3A_302 = arith.constant 7 : i32
        %parallel_loop3A_303 = arith.index_cast %parallel_loop3A_226 : i32 to index
        %parallel_loop3A_304 = arith.index_cast %parallel_loop3A_302 : i32 to index
        %parallel_loop3A_305 = arith.index_cast %parallel_loop3A_230 : i32 to index
        %parallel_loop3A_306 = tpu.vector_load %arg8[%parallel_loop3A_303, %parallel_loop3A_304, %parallel_loop3A_305] {strides = array<i32>} : memref<4x8x128xf32, #tpu.memory_space<vmem>>, vector<16xf32>,
        tpu.vector_store %arg8[%parallel_loop3A_303, %parallel_loop3A_304, %parallel_loop3A_305], %parallel_loop3A_301 {strides = array<i32>} : memref<4x8x128xf32, #tpu.memory_space<vmem>>, vector<16xf32>,
      } {sc.loop_unroll_factor = 8 : i64, sc.parallel_access}
      %mul3A_109 = arith.constant 4 : i32
      %mul3A_110 = arith.muli %add3A, %mul3A_109 : i32
      %dma_start3A_111 = arith.constant 3 : i32
      %dma_start3A_112 = arith.constant 0 : i32
      %dma_start3A_113 = arith.constant 0 : i32
      %dma_start3A_114 = tpu.memref_slice %arg4[%scan3A_29, %dma_start3A_111, %mul3A_110, %dma_start3A_112, %dma_start3A_113] : memref<26x8x128x8x128xf32, #tpu.memory_space<hbm>> -> memref<1x1x4x8x128xf32, #tpu.memory_space<hbm>>
      %dma_start3A_115 = tpu.memref_squeeze %dma_start3A_114 : memref<1x1x4x8x128xf32, #tpu.memory_space<hbm>> -> memref<4x8x128xf32, #tpu.memory_space<hbm>>
      %dma_start3A_116 = arith.constant 0 : i32
      %dma_start3A_117 = arith.constant 0 : i32
      %dma_start3A_118 = tpu.memref_slice %arg4[%scan3A_29, %dma_start3A_111, %mul3A_110, %dma_start3A_116, %dma_start3A_117] : memref<26x8x128x8x128xf32, #tpu.memory_space<hbm>> -> memref<1x1x4x8x128xf32, #tpu.memory_space<hbm>>
      %dma_start3A_119 = tpu.memref_squeeze %dma_start3A_118 : memref<1x1x4x8x128xf32, #tpu.memory_space<hbm>> -> memref<4x8x128xf32, #tpu.memory_space<hbm>>
      tpu.enqueue_dma source(%arg8 : memref<4x8x128xf32, #tpu.memory_space<vmem>>) target(%dma_start3A_119 : memref<4x8x128xf32, #tpu.memory_space<hbm>>) target_semaphore(%arg9 : memref<!tpu.dma_semaphore, #tpu.memory_space<semaphore_mem>>)
      %dma_wait3A_120 = arith.constant 0 : i32
      %dma_wait3A_121 = arith.constant 0 : i32
      %dma_wait3A_122 = arith.constant 0 : i32
      %dma_wait3A_123 = arith.constant 0 : i32
      %dma_wait3A_124 = arith.constant 0 : i32
      %dma_wait3A_125 = tpu.memref_slice %arg4[%dma_wait3A_120, %dma_wait3A_121, %dma_wait3A_122, %dma_wait3A_123, %dma_wait3A_124] : memref<26x8x128x8x128xf32, #tpu.memory_space<hbm>> -> memref<1x1x4x8x128xf32, #tpu.memory_space<hbm>>
      %dma_wait3A_126 = tpu.memref_squeeze %dma_wait3A_125 : memref<1x1x4x8x128xf32, #tpu.memory_space<hbm>> -> memref<4x8x128xf32, #tpu.memory_space<hbm>>
      %dma_wait3A_127 = arith.constant 0 : i32
      %dma_wait3A_128 = arith.constant 0 : i32
      %dma_wait3A_129 = arith.constant 0 : i32
      %dma_wait3A_130 = tpu.memref_slice %arg4[%dma_wait3A_120, %dma_wait3A_121, %dma_wait3A_127, %dma_wait3A_128, %dma_wait3A_129] : memref<26x8x128x8x128xf32, #tpu.memory_space<hbm>> -> memref<1x1x4x8x128xf32, #tpu.memory_space<hbm>>
      %dma_wait3A_131 = tpu.memref_squeeze %dma_wait3A_130 : memref<1x1x4x8x128xf32, #tpu.memory_space<hbm>> -> memref<4x8x128xf32, #tpu.memory_space<hbm>>
      tpu.wait_dma2 semaphore(%arg9 : memref<!tpu.dma_semaphore, #tpu.memory_space<semaphore_mem>>) src(%arg7 : memref<4x8x128xf32, #tpu.memory_space<vmem>>) dst(%dma_wait3A_131 : memref<4x8x128xf32, #tpu.memory_space<hbm>>)
      %parallel_loop3A_132 = arith.constant 0 : i32
      %parallel_loop3A_133 = arith.constant 32 : i32
      %parallel_loop3A_134 = arith.constant 1 : i32
      scf.for %parallel_loop3A_224 = %parallel_loop3A_132 to %parallel_loop3A_133 step %parallel_loop3A_134  : i32 {
        %parallel_loop3A_225 = arith.constant 3 : i32
        %parallel_loop3A_226 = arith.shrui %parallel_loop3A_224, %parallel_loop3A_225 : i32
        %parallel_loop3A_227 = arith.constant 7 : i32
        %parallel_loop3A_228 = arith.andi %parallel_loop3A_224, %parallel_loop3A_227 : i32
        %parallel_loop3A_229 = arith.constant 16 : i32
        %parallel_loop3A_230 = arith.muli %parallel_loop3A_228, %parallel_loop3A_229 : i32
        %parallel_loop3A_231 = arith.constant 16 : i32
        %parallel_loop3A_232 = arith.muli %parallel_loop3A_224, %parallel_loop3A_231 : i32
        %parallel_loop3A_233 = arith.index_cast %parallel_loop3A_232 : i32 to index
        %parallel_loop3A_234 = tpu.vector_load %arg6[%parallel_loop3A_233] {strides = array<i32>} : memref<512xi32, #tpu.memory_space<vmem>>, vector<16xi32>,
        %parallel_loop3A_235 = arith.constant 32768 : i32
        %parallel_loop3A_236 = vector.broadcast %parallel_loop3A_235 : i32 to vector<16xi32>
        %parallel_loop3A_237 = arith.addi %parallel_loop3A_234, %parallel_loop3A_236 : vector<16xi32>
        %parallel_loop3A_238 = tpu.vector_load_idx %arg5[%parallel_loop3A_237] : memref<65536xf32, #tpu.memory_space<vmem>>[vector<16xi32>], vector<16xf32>,
        %parallel_loop3A_239 = arith.constant 0 : i32
        %parallel_loop3A_240 = arith.index_cast %parallel_loop3A_226 : i32 to index
        %parallel_loop3A_241 = arith.index_cast %parallel_loop3A_239 : i32 to index
        %parallel_loop3A_242 = arith.index_cast %parallel_loop3A_230 : i32 to index
        %parallel_loop3A_243 = tpu.vector_load %arg7[%parallel_loop3A_240, %parallel_loop3A_241, %parallel_loop3A_242] {strides = array<i32>} : memref<4x8x128xf32, #tpu.memory_space<vmem>>, vector<16xf32>,
        tpu.vector_store %arg7[%parallel_loop3A_240, %parallel_loop3A_241, %parallel_loop3A_242], %parallel_loop3A_238 {strides = array<i32>} : memref<4x8x128xf32, #tpu.memory_space<vmem>>, vector<16xf32>,
        %parallel_loop3A_244 = arith.constant 33792 : i32
        %parallel_loop3A_245 = vector.broadcast %parallel_loop3A_244 : i32 to vector<16xi32>
        %parallel_loop3A_246 = arith.addi %parallel_loop3A_234, %parallel_loop3A_245 : vector<16xi32>
        %parallel_loop3A_247 = tpu.vector_load_idx %arg5[%parallel_loop3A_246] : memref<65536xf32, #tpu.memory_space<vmem>>[vector<16xi32>], vector<16xf32>,
        %parallel_loop3A_248 = arith.constant 1 : i32
        %parallel_loop3A_249 = arith.index_cast %parallel_loop3A_226 : i32 to index
        %parallel_loop3A_250 = arith.index_cast %parallel_loop3A_248 : i32 to index
        %parallel_loop3A_251 = arith.index_cast %parallel_loop3A_230 : i32 to index
        %parallel_loop3A_252 = tpu.vector_load %arg7[%parallel_loop3A_249, %parallel_loop3A_250, %parallel_loop3A_251] {strides = array<i32>} : memref<4x8x128xf32, #tpu.memory_space<vmem>>, vector<16xf32>,
        tpu.vector_store %arg7[%parallel_loop3A_249, %parallel_loop3A_250, %parallel_loop3A_251], %parallel_loop3A_247 {strides = array<i32>} : memref<4x8x128xf32, #tpu.memory_space<vmem>>, vector<16xf32>,
        %parallel_loop3A_253 = arith.constant 34816 : i32
        %parallel_loop3A_254 = vector.broadcast %parallel_loop3A_253 : i32 to vector<16xi32>
        %parallel_loop3A_255 = arith.addi %parallel_loop3A_234, %parallel_loop3A_254 : vector<16xi32>
        %parallel_loop3A_256 = tpu.vector_load_idx %arg5[%parallel_loop3A_255] : memref<65536xf32, #tpu.memory_space<vmem>>[vector<16xi32>], vector<16xf32>,
        %parallel_loop3A_257 = arith.constant 2 : i32
        %parallel_loop3A_258 = arith.index_cast %parallel_loop3A_226 : i32 to index
        %parallel_loop3A_259 = arith.index_cast %parallel_loop3A_257 : i32 to index
        %parallel_loop3A_260 = arith.index_cast %parallel_loop3A_230 : i32 to index
        %parallel_loop3A_261 = tpu.vector_load %arg7[%parallel_loop3A_258, %parallel_loop3A_259, %parallel_loop3A_260] {strides = array<i32>} : memref<4x8x128xf32, #tpu.memory_space<vmem>>, vector<16xf32>,
        tpu.vector_store %arg7[%parallel_loop3A_258, %parallel_loop3A_259, %parallel_loop3A_260], %parallel_loop3A_256 {strides = array<i32>} : memref<4x8x128xf32, #tpu.memory_space<vmem>>, vector<16xf32>,
        %parallel_loop3A_262 = arith.constant 35840 : i32
        %parallel_loop3A_263 = vector.broadcast %parallel_loop3A_262 : i32 to vector<16xi32>
        %parallel_loop3A_264 = arith.addi %parallel_loop3A_234, %parallel_loop3A_263 : vector<16xi32>
        %parallel_loop3A_265 = tpu.vector_load_idx %arg5[%parallel_loop3A_264] : memref<65536xf32, #tpu.memory_space<vmem>>[vector<16xi32>], vector<16xf32>,
        %parallel_loop3A_266 = arith.constant 3 : i32
        %parallel_loop3A_267 = arith.index_cast %parallel_loop3A_226 : i32 to index
        %parallel_loop3A_268 = arith.index_cast %parallel_loop3A_266 : i32 to index
        %parallel_loop3A_269 = arith.index_cast %parallel_loop3A_230 : i32 to index
        %parallel_loop3A_270 = tpu.vector_load %arg7[%parallel_loop3A_267, %parallel_loop3A_268, %parallel_loop3A_269] {strides = array<i32>} : memref<4x8x128xf32, #tpu.memory_space<vmem>>, vector<16xf32>,
        tpu.vector_store %arg7[%parallel_loop3A_267, %parallel_loop3A_268, %parallel_loop3A_269], %parallel_loop3A_265 {strides = array<i32>} : memref<4x8x128xf32, #tpu.memory_space<vmem>>, vector<16xf32>,
        %parallel_loop3A_271 = arith.constant 36864 : i32
        %parallel_loop3A_272 = vector.broadcast %parallel_loop3A_271 : i32 to vector<16xi32>
        %parallel_loop3A_273 = arith.addi %parallel_loop3A_234, %parallel_loop3A_272 : vector<16xi32>
        %parallel_loop3A_274 = tpu.vector_load_idx %arg5[%parallel_loop3A_273] : memref<65536xf32, #tpu.memory_space<vmem>>[vector<16xi32>], vector<16xf32>,
        %parallel_loop3A_275 = arith.constant 4 : i32
        %parallel_loop3A_276 = arith.index_cast %parallel_loop3A_226 : i32 to index
        %parallel_loop3A_277 = arith.index_cast %parallel_loop3A_275 : i32 to index
        %parallel_loop3A_278 = arith.index_cast %parallel_loop3A_230 : i32 to index
        %parallel_loop3A_279 = tpu.vector_load %arg7[%parallel_loop3A_276, %parallel_loop3A_277, %parallel_loop3A_278] {strides = array<i32>} : memref<4x8x128xf32, #tpu.memory_space<vmem>>, vector<16xf32>,
        tpu.vector_store %arg7[%parallel_loop3A_276, %parallel_loop3A_277, %parallel_loop3A_278], %parallel_loop3A_274 {strides = array<i32>} : memref<4x8x128xf32, #tpu.memory_space<vmem>>, vector<16xf32>,
        %parallel_loop3A_280 = arith.constant 37888 : i32
        %parallel_loop3A_281 = vector.broadcast %parallel_loop3A_280 : i32 to vector<16xi32>
        %parallel_loop3A_282 = arith.addi %parallel_loop3A_234, %parallel_loop3A_281 : vector<16xi32>
        %parallel_loop3A_283 = tpu.vector_load_idx %arg5[%parallel_loop3A_282] : memref<65536xf32, #tpu.memory_space<vmem>>[vector<16xi32>], vector<16xf32>,
        %parallel_loop3A_284 = arith.constant 5 : i32
        %parallel_loop3A_285 = arith.index_cast %parallel_loop3A_226 : i32 to index
        %parallel_loop3A_286 = arith.index_cast %parallel_loop3A_284 : i32 to index
        %parallel_loop3A_287 = arith.index_cast %parallel_loop3A_230 : i32 to index
        %parallel_loop3A_288 = tpu.vector_load %arg7[%parallel_loop3A_285, %parallel_loop3A_286, %parallel_loop3A_287] {strides = array<i32>} : memref<4x8x128xf32, #tpu.memory_space<vmem>>, vector<16xf32>,
        tpu.vector_store %arg7[%parallel_loop3A_285, %parallel_loop3A_286, %parallel_loop3A_287], %parallel_loop3A_283 {strides = array<i32>} : memref<4x8x128xf32, #tpu.memory_space<vmem>>, vector<16xf32>,
        %parallel_loop3A_289 = arith.constant 38912 : i32
        %parallel_loop3A_290 = vector.broadcast %parallel_loop3A_289 : i32 to vector<16xi32>
        %parallel_loop3A_291 = arith.addi %parallel_loop3A_234, %parallel_loop3A_290 : vector<16xi32>
        %parallel_loop3A_292 = tpu.vector_load_idx %arg5[%parallel_loop3A_291] : memref<65536xf32, #tpu.memory_space<vmem>>[vector<16xi32>], vector<16xf32>,
        %parallel_loop3A_293 = arith.constant 6 : i32
        %parallel_loop3A_294 = arith.index_cast %parallel_loop3A_226 : i32 to index
        %parallel_loop3A_295 = arith.index_cast %parallel_loop3A_293 : i32 to index
        %parallel_loop3A_296 = arith.index_cast %parallel_loop3A_230 : i32 to index
        %parallel_loop3A_297 = tpu.vector_load %arg7[%parallel_loop3A_294, %parallel_loop3A_295, %parallel_loop3A_296] {strides = array<i32>} : memref<4x8x128xf32, #tpu.memory_space<vmem>>, vector<16xf32>,
        tpu.vector_store %arg7[%parallel_loop3A_294, %parallel_loop3A_295, %parallel_loop3A_296], %parallel_loop3A_292 {strides = array<i32>} : memref<4x8x128xf32, #tpu.memory_space<vmem>>, vector<16xf32>,
        %parallel_loop3A_298 = arith.constant 39936 : i32
        %parallel_loop3A_299 = vector.broadcast %parallel_loop3A_298 : i32 to vector<16xi32>
        %parallel_loop3A_300 = arith.addi %parallel_loop3A_234, %parallel_loop3A_299 : vector<16xi32>
        %parallel_loop3A_301 = tpu.vector_load_idx %arg5[%parallel_loop3A_300] : memref<65536xf32, #tpu.memory_space<vmem>>[vector<16xi32>], vector<16xf32>,
        %parallel_loop3A_302 = arith.constant 7 : i32
        %parallel_loop3A_303 = arith.index_cast %parallel_loop3A_226 : i32 to index
        %parallel_loop3A_304 = arith.index_cast %parallel_loop3A_302 : i32 to index
        %parallel_loop3A_305 = arith.index_cast %parallel_loop3A_230 : i32 to index
        %parallel_loop3A_306 = tpu.vector_load %arg7[%parallel_loop3A_303, %parallel_loop3A_304, %parallel_loop3A_305] {strides = array<i32>} : memref<4x8x128xf32, #tpu.memory_space<vmem>>, vector<16xf32>,
        tpu.vector_store %arg7[%parallel_loop3A_303, %parallel_loop3A_304, %parallel_loop3A_305], %parallel_loop3A_301 {strides = array<i32>} : memref<4x8x128xf32, #tpu.memory_space<vmem>>, vector<16xf32>,
      } {sc.loop_unroll_factor = 8 : i64, sc.parallel_access}
      %mul3A_135 = arith.constant 4 : i32
      %mul3A_136 = arith.muli %add3A, %mul3A_135 : i32
      %dma_start3A_137 = arith.constant 4 : i32
      %dma_start3A_138 = arith.constant 0 : i32
      %dma_start3A_139 = arith.constant 0 : i32
      %dma_start3A_140 = tpu.memref_slice %arg4[%scan3A_29, %dma_start3A_137, %mul3A_136, %dma_start3A_138, %dma_start3A_139] : memref<26x8x128x8x128xf32, #tpu.memory_space<hbm>> -> memref<1x1x4x8x128xf32, #tpu.memory_space<hbm>>
      %dma_start3A_141 = tpu.memref_squeeze %dma_start3A_140 : memref<1x1x4x8x128xf32, #tpu.memory_space<hbm>> -> memref<4x8x128xf32, #tpu.memory_space<hbm>>
      %dma_start3A_142 = arith.constant 0 : i32
      %dma_start3A_143 = arith.constant 0 : i32
      %dma_start3A_144 = tpu.memref_slice %arg4[%scan3A_29, %dma_start3A_137, %mul3A_136, %dma_start3A_142, %dma_start3A_143] : memref<26x8x128x8x128xf32, #tpu.memory_space<hbm>> -> memref<1x1x4x8x128xf32, #tpu.memory_space<hbm>>
      %dma_start3A_145 = tpu.memref_squeeze %dma_start3A_144 : memref<1x1x4x8x128xf32, #tpu.memory_space<hbm>> -> memref<4x8x128xf32, #tpu.memory_space<hbm>>
      tpu.enqueue_dma source(%arg7 : memref<4x8x128xf32, #tpu.memory_space<vmem>>) target(%dma_start3A_145 : memref<4x8x128xf32, #tpu.memory_space<hbm>>) target_semaphore(%arg9 : memref<!tpu.dma_semaphore, #tpu.memory_space<semaphore_mem>>)
      %dma_wait3A_146 = arith.constant 0 : i32
      %dma_wait3A_147 = arith.constant 0 : i32
      %dma_wait3A_148 = arith.constant 0 : i32
      %dma_wait3A_149 = arith.constant 0 : i32
      %dma_wait3A_150 = arith.constant 0 : i32
      %dma_wait3A_151 = tpu.memref_slice %arg4[%dma_wait3A_146, %dma_wait3A_147, %dma_wait3A_148, %dma_wait3A_149, %dma_wait3A_150] : memref<26x8x128x8x128xf32, #tpu.memory_space<hbm>> -> memref<1x1x4x8x128xf32, #tpu.memory_space<hbm>>
      %dma_wait3A_152 = tpu.memref_squeeze %dma_wait3A_151 : memref<1x1x4x8x128xf32, #tpu.memory_space<hbm>> -> memref<4x8x128xf32, #tpu.memory_space<hbm>>
      %dma_wait3A_153 = arith.constant 0 : i32
      %dma_wait3A_154 = arith.constant 0 : i32
      %dma_wait3A_155 = arith.constant 0 : i32
      %dma_wait3A_156 = tpu.memref_slice %arg4[%dma_wait3A_146, %dma_wait3A_147, %dma_wait3A_153, %dma_wait3A_154, %dma_wait3A_155] : memref<26x8x128x8x128xf32, #tpu.memory_space<hbm>> -> memref<1x1x4x8x128xf32, #tpu.memory_space<hbm>>
      %dma_wait3A_157 = tpu.memref_squeeze %dma_wait3A_156 : memref<1x1x4x8x128xf32, #tpu.memory_space<hbm>> -> memref<4x8x128xf32, #tpu.memory_space<hbm>>
      tpu.wait_dma2 semaphore(%arg9 : memref<!tpu.dma_semaphore, #tpu.memory_space<semaphore_mem>>) src(%arg8 : memref<4x8x128xf32, #tpu.memory_space<vmem>>) dst(%dma_wait3A_157 : memref<4x8x128xf32, #tpu.memory_space<hbm>>)
      %parallel_loop3A_158 = arith.constant 0 : i32
      %parallel_loop3A_159 = arith.constant 32 : i32
      %parallel_loop3A_160 = arith.constant 1 : i32
      scf.for %parallel_loop3A_224 = %parallel_loop3A_158 to %parallel_loop3A_159 step %parallel_loop3A_160  : i32 {
        %parallel_loop3A_225 = arith.constant 3 : i32
        %parallel_loop3A_226 = arith.shrui %parallel_loop3A_224, %parallel_loop3A_225 : i32
        %parallel_loop3A_227 = arith.constant 7 : i32
        %parallel_loop3A_228 = arith.andi %parallel_loop3A_224, %parallel_loop3A_227 : i32
        %parallel_loop3A_229 = arith.constant 16 : i32
        %parallel_loop3A_230 = arith.muli %parallel_loop3A_228, %parallel_loop3A_229 : i32
        %parallel_loop3A_231 = arith.constant 16 : i32
        %parallel_loop3A_232 = arith.muli %parallel_loop3A_224, %parallel_loop3A_231 : i32
        %parallel_loop3A_233 = arith.index_cast %parallel_loop3A_232 : i32 to index
        %parallel_loop3A_234 = tpu.vector_load %arg6[%parallel_loop3A_233] {strides = array<i32>} : memref<512xi32, #tpu.memory_space<vmem>>, vector<16xi32>,
        %parallel_loop3A_235 = arith.constant 40960 : i32
        %parallel_loop3A_236 = vector.broadcast %parallel_loop3A_235 : i32 to vector<16xi32>
        %parallel_loop3A_237 = arith.addi %parallel_loop3A_234, %parallel_loop3A_236 : vector<16xi32>
        %parallel_loop3A_238 = tpu.vector_load_idx %arg5[%parallel_loop3A_237] : memref<65536xf32, #tpu.memory_space<vmem>>[vector<16xi32>], vector<16xf32>,
        %parallel_loop3A_239 = arith.constant 0 : i32
        %parallel_loop3A_240 = arith.index_cast %parallel_loop3A_226 : i32 to index
        %parallel_loop3A_241 = arith.index_cast %parallel_loop3A_239 : i32 to index
        %parallel_loop3A_242 = arith.index_cast %parallel_loop3A_230 : i32 to index
        %parallel_loop3A_243 = tpu.vector_load %arg8[%parallel_loop3A_240, %parallel_loop3A_241, %parallel_loop3A_242] {strides = array<i32>} : memref<4x8x128xf32, #tpu.memory_space<vmem>>, vector<16xf32>,
        tpu.vector_store %arg8[%parallel_loop3A_240, %parallel_loop3A_241, %parallel_loop3A_242], %parallel_loop3A_238 {strides = array<i32>} : memref<4x8x128xf32, #tpu.memory_space<vmem>>, vector<16xf32>,
        %parallel_loop3A_244 = arith.constant 41984 : i32
        %parallel_loop3A_245 = vector.broadcast %parallel_loop3A_244 : i32 to vector<16xi32>
        %parallel_loop3A_246 = arith.addi %parallel_loop3A_234, %parallel_loop3A_245 : vector<16xi32>
        %parallel_loop3A_247 = tpu.vector_load_idx %arg5[%parallel_loop3A_246] : memref<65536xf32, #tpu.memory_space<vmem>>[vector<16xi32>], vector<16xf32>,
        %parallel_loop3A_248 = arith.constant 1 : i32
        %parallel_loop3A_249 = arith.index_cast %parallel_loop3A_226 : i32 to index
        %parallel_loop3A_250 = arith.index_cast %parallel_loop3A_248 : i32 to index
        %parallel_loop3A_251 = arith.index_cast %parallel_loop3A_230 : i32 to index
        %parallel_loop3A_252 = tpu.vector_load %arg8[%parallel_loop3A_249, %parallel_loop3A_250, %parallel_loop3A_251] {strides = array<i32>} : memref<4x8x128xf32, #tpu.memory_space<vmem>>, vector<16xf32>,
        tpu.vector_store %arg8[%parallel_loop3A_249, %parallel_loop3A_250, %parallel_loop3A_251], %parallel_loop3A_247 {strides = array<i32>} : memref<4x8x128xf32, #tpu.memory_space<vmem>>, vector<16xf32>,
        %parallel_loop3A_253 = arith.constant 43008 : i32
        %parallel_loop3A_254 = vector.broadcast %parallel_loop3A_253 : i32 to vector<16xi32>
        %parallel_loop3A_255 = arith.addi %parallel_loop3A_234, %parallel_loop3A_254 : vector<16xi32>
        %parallel_loop3A_256 = tpu.vector_load_idx %arg5[%parallel_loop3A_255] : memref<65536xf32, #tpu.memory_space<vmem>>[vector<16xi32>], vector<16xf32>,
        %parallel_loop3A_257 = arith.constant 2 : i32
        %parallel_loop3A_258 = arith.index_cast %parallel_loop3A_226 : i32 to index
        %parallel_loop3A_259 = arith.index_cast %parallel_loop3A_257 : i32 to index
        %parallel_loop3A_260 = arith.index_cast %parallel_loop3A_230 : i32 to index
        %parallel_loop3A_261 = tpu.vector_load %arg8[%parallel_loop3A_258, %parallel_loop3A_259, %parallel_loop3A_260] {strides = array<i32>} : memref<4x8x128xf32, #tpu.memory_space<vmem>>, vector<16xf32>,
        tpu.vector_store %arg8[%parallel_loop3A_258, %parallel_loop3A_259, %parallel_loop3A_260], %parallel_loop3A_256 {strides = array<i32>} : memref<4x8x128xf32, #tpu.memory_space<vmem>>, vector<16xf32>,
        %parallel_loop3A_262 = arith.constant 44032 : i32
        %parallel_loop3A_263 = vector.broadcast %parallel_loop3A_262 : i32 to vector<16xi32>
        %parallel_loop3A_264 = arith.addi %parallel_loop3A_234, %parallel_loop3A_263 : vector<16xi32>
        %parallel_loop3A_265 = tpu.vector_load_idx %arg5[%parallel_loop3A_264] : memref<65536xf32, #tpu.memory_space<vmem>>[vector<16xi32>], vector<16xf32>,
        %parallel_loop3A_266 = arith.constant 3 : i32
        %parallel_loop3A_267 = arith.index_cast %parallel_loop3A_226 : i32 to index
        %parallel_loop3A_268 = arith.index_cast %parallel_loop3A_266 : i32 to index
        %parallel_loop3A_269 = arith.index_cast %parallel_loop3A_230 : i32 to index
        %parallel_loop3A_270 = tpu.vector_load %arg8[%parallel_loop3A_267, %parallel_loop3A_268, %parallel_loop3A_269] {strides = array<i32>} : memref<4x8x128xf32, #tpu.memory_space<vmem>>, vector<16xf32>,
        tpu.vector_store %arg8[%parallel_loop3A_267, %parallel_loop3A_268, %parallel_loop3A_269], %parallel_loop3A_265 {strides = array<i32>} : memref<4x8x128xf32, #tpu.memory_space<vmem>>, vector<16xf32>,
        %parallel_loop3A_271 = arith.constant 45056 : i32
        %parallel_loop3A_272 = vector.broadcast %parallel_loop3A_271 : i32 to vector<16xi32>
        %parallel_loop3A_273 = arith.addi %parallel_loop3A_234, %parallel_loop3A_272 : vector<16xi32>
        %parallel_loop3A_274 = tpu.vector_load_idx %arg5[%parallel_loop3A_273] : memref<65536xf32, #tpu.memory_space<vmem>>[vector<16xi32>], vector<16xf32>,
        %parallel_loop3A_275 = arith.constant 4 : i32
        %parallel_loop3A_276 = arith.index_cast %parallel_loop3A_226 : i32 to index
        %parallel_loop3A_277 = arith.index_cast %parallel_loop3A_275 : i32 to index
        %parallel_loop3A_278 = arith.index_cast %parallel_loop3A_230 : i32 to index
        %parallel_loop3A_279 = tpu.vector_load %arg8[%parallel_loop3A_276, %parallel_loop3A_277, %parallel_loop3A_278] {strides = array<i32>} : memref<4x8x128xf32, #tpu.memory_space<vmem>>, vector<16xf32>,
        tpu.vector_store %arg8[%parallel_loop3A_276, %parallel_loop3A_277, %parallel_loop3A_278], %parallel_loop3A_274 {strides = array<i32>} : memref<4x8x128xf32, #tpu.memory_space<vmem>>, vector<16xf32>,
        %parallel_loop3A_280 = arith.constant 46080 : i32
        %parallel_loop3A_281 = vector.broadcast %parallel_loop3A_280 : i32 to vector<16xi32>
        %parallel_loop3A_282 = arith.addi %parallel_loop3A_234, %parallel_loop3A_281 : vector<16xi32>
        %parallel_loop3A_283 = tpu.vector_load_idx %arg5[%parallel_loop3A_282] : memref<65536xf32, #tpu.memory_space<vmem>>[vector<16xi32>], vector<16xf32>,
        %parallel_loop3A_284 = arith.constant 5 : i32
        %parallel_loop3A_285 = arith.index_cast %parallel_loop3A_226 : i32 to index
        %parallel_loop3A_286 = arith.index_cast %parallel_loop3A_284 : i32 to index
        %parallel_loop3A_287 = arith.index_cast %parallel_loop3A_230 : i32 to index
        %parallel_loop3A_288 = tpu.vector_load %arg8[%parallel_loop3A_285, %parallel_loop3A_286, %parallel_loop3A_287] {strides = array<i32>} : memref<4x8x128xf32, #tpu.memory_space<vmem>>, vector<16xf32>,
        tpu.vector_store %arg8[%parallel_loop3A_285, %parallel_loop3A_286, %parallel_loop3A_287], %parallel_loop3A_283 {strides = array<i32>} : memref<4x8x128xf32, #tpu.memory_space<vmem>>, vector<16xf32>,
        %parallel_loop3A_289 = arith.constant 47104 : i32
        %parallel_loop3A_290 = vector.broadcast %parallel_loop3A_289 : i32 to vector<16xi32>
        %parallel_loop3A_291 = arith.addi %parallel_loop3A_234, %parallel_loop3A_290 : vector<16xi32>
        %parallel_loop3A_292 = tpu.vector_load_idx %arg5[%parallel_loop3A_291] : memref<65536xf32, #tpu.memory_space<vmem>>[vector<16xi32>], vector<16xf32>,
        %parallel_loop3A_293 = arith.constant 6 : i32
        %parallel_loop3A_294 = arith.index_cast %parallel_loop3A_226 : i32 to index
        %parallel_loop3A_295 = arith.index_cast %parallel_loop3A_293 : i32 to index
        %parallel_loop3A_296 = arith.index_cast %parallel_loop3A_230 : i32 to index
        %parallel_loop3A_297 = tpu.vector_load %arg8[%parallel_loop3A_294, %parallel_loop3A_295, %parallel_loop3A_296] {strides = array<i32>} : memref<4x8x128xf32, #tpu.memory_space<vmem>>, vector<16xf32>,
        tpu.vector_store %arg8[%parallel_loop3A_294, %parallel_loop3A_295, %parallel_loop3A_296], %parallel_loop3A_292 {strides = array<i32>} : memref<4x8x128xf32, #tpu.memory_space<vmem>>, vector<16xf32>,
        %parallel_loop3A_298 = arith.constant 48128 : i32
        %parallel_loop3A_299 = vector.broadcast %parallel_loop3A_298 : i32 to vector<16xi32>
        %parallel_loop3A_300 = arith.addi %parallel_loop3A_234, %parallel_loop3A_299 : vector<16xi32>
        %parallel_loop3A_301 = tpu.vector_load_idx %arg5[%parallel_loop3A_300] : memref<65536xf32, #tpu.memory_space<vmem>>[vector<16xi32>], vector<16xf32>,
        %parallel_loop3A_302 = arith.constant 7 : i32
        %parallel_loop3A_303 = arith.index_cast %parallel_loop3A_226 : i32 to index
        %parallel_loop3A_304 = arith.index_cast %parallel_loop3A_302 : i32 to index
        %parallel_loop3A_305 = arith.index_cast %parallel_loop3A_230 : i32 to index
        %parallel_loop3A_306 = tpu.vector_load %arg8[%parallel_loop3A_303, %parallel_loop3A_304, %parallel_loop3A_305] {strides = array<i32>} : memref<4x8x128xf32, #tpu.memory_space<vmem>>, vector<16xf32>,
        tpu.vector_store %arg8[%parallel_loop3A_303, %parallel_loop3A_304, %parallel_loop3A_305], %parallel_loop3A_301 {strides = array<i32>} : memref<4x8x128xf32, #tpu.memory_space<vmem>>, vector<16xf32>,
      } {sc.loop_unroll_factor = 8 : i64, sc.parallel_access}
      %mul3A_161 = arith.constant 4 : i32
      %mul3A_162 = arith.muli %add3A, %mul3A_161 : i32
      %dma_start3A_163 = arith.constant 5 : i32
      %dma_start3A_164 = arith.constant 0 : i32
      %dma_start3A_165 = arith.constant 0 : i32
      %dma_start3A_166 = tpu.memref_slice %arg4[%scan3A_29, %dma_start3A_163, %mul3A_162, %dma_start3A_164, %dma_start3A_165] : memref<26x8x128x8x128xf32, #tpu.memory_space<hbm>> -> memref<1x1x4x8x128xf32, #tpu.memory_space<hbm>>
      %dma_start3A_167 = tpu.memref_squeeze %dma_start3A_166 : memref<1x1x4x8x128xf32, #tpu.memory_space<hbm>> -> memref<4x8x128xf32, #tpu.memory_space<hbm>>
      %dma_start3A_168 = arith.constant 0 : i32
      %dma_start3A_169 = arith.constant 0 : i32
      %dma_start3A_170 = tpu.memref_slice %arg4[%scan3A_29, %dma_start3A_163, %mul3A_162, %dma_start3A_168, %dma_start3A_169] : memref<26x8x128x8x128xf32, #tpu.memory_space<hbm>> -> memref<1x1x4x8x128xf32, #tpu.memory_space<hbm>>
      %dma_start3A_171 = tpu.memref_squeeze %dma_start3A_170 : memref<1x1x4x8x128xf32, #tpu.memory_space<hbm>> -> memref<4x8x128xf32, #tpu.memory_space<hbm>>
      tpu.enqueue_dma source(%arg8 : memref<4x8x128xf32, #tpu.memory_space<vmem>>) target(%dma_start3A_171 : memref<4x8x128xf32, #tpu.memory_space<hbm>>) target_semaphore(%arg9 : memref<!tpu.dma_semaphore, #tpu.memory_space<semaphore_mem>>)
      %dma_wait3A_172 = arith.constant 0 : i32
      %dma_wait3A_173 = arith.constant 0 : i32
      %dma_wait3A_174 = arith.constant 0 : i32
      %dma_wait3A_175 = arith.constant 0 : i32
      %dma_wait3A_176 = arith.constant 0 : i32
      %dma_wait3A_177 = tpu.memref_slice %arg4[%dma_wait3A_172, %dma_wait3A_173, %dma_wait3A_174, %dma_wait3A_175, %dma_wait3A_176] : memref<26x8x128x8x128xf32, #tpu.memory_space<hbm>> -> memref<1x1x4x8x128xf32, #tpu.memory_space<hbm>>
      %dma_wait3A_178 = tpu.memref_squeeze %dma_wait3A_177 : memref<1x1x4x8x128xf32, #tpu.memory_space<hbm>> -> memref<4x8x128xf32, #tpu.memory_space<hbm>>
      %dma_wait3A_179 = arith.constant 0 : i32
      %dma_wait3A_180 = arith.constant 0 : i32
      %dma_wait3A_181 = arith.constant 0 : i32
      %dma_wait3A_182 = tpu.memref_slice %arg4[%dma_wait3A_172, %dma_wait3A_173, %dma_wait3A_179, %dma_wait3A_180, %dma_wait3A_181] : memref<26x8x128x8x128xf32, #tpu.memory_space<hbm>> -> memref<1x1x4x8x128xf32, #tpu.memory_space<hbm>>
      %dma_wait3A_183 = tpu.memref_squeeze %dma_wait3A_182 : memref<1x1x4x8x128xf32, #tpu.memory_space<hbm>> -> memref<4x8x128xf32, #tpu.memory_space<hbm>>
      tpu.wait_dma2 semaphore(%arg9 : memref<!tpu.dma_semaphore, #tpu.memory_space<semaphore_mem>>) src(%arg7 : memref<4x8x128xf32, #tpu.memory_space<vmem>>) dst(%dma_wait3A_183 : memref<4x8x128xf32, #tpu.memory_space<hbm>>)
      %parallel_loop3A_184 = arith.constant 0 : i32
      %parallel_loop3A_185 = arith.constant 32 : i32
      %parallel_loop3A_186 = arith.constant 1 : i32
      scf.for %parallel_loop3A_224 = %parallel_loop3A_184 to %parallel_loop3A_185 step %parallel_loop3A_186  : i32 {
        %parallel_loop3A_225 = arith.constant 3 : i32
        %parallel_loop3A_226 = arith.shrui %parallel_loop3A_224, %parallel_loop3A_225 : i32
        %parallel_loop3A_227 = arith.constant 7 : i32
        %parallel_loop3A_228 = arith.andi %parallel_loop3A_224, %parallel_loop3A_227 : i32
        %parallel_loop3A_229 = arith.constant 16 : i32
        %parallel_loop3A_230 = arith.muli %parallel_loop3A_228, %parallel_loop3A_229 : i32
        %parallel_loop3A_231 = arith.constant 16 : i32
        %parallel_loop3A_232 = arith.muli %parallel_loop3A_224, %parallel_loop3A_231 : i32
        %parallel_loop3A_233 = arith.index_cast %parallel_loop3A_232 : i32 to index
        %parallel_loop3A_234 = tpu.vector_load %arg6[%parallel_loop3A_233] {strides = array<i32>} : memref<512xi32, #tpu.memory_space<vmem>>, vector<16xi32>,
        %parallel_loop3A_235 = arith.constant 49152 : i32
        %parallel_loop3A_236 = vector.broadcast %parallel_loop3A_235 : i32 to vector<16xi32>
        %parallel_loop3A_237 = arith.addi %parallel_loop3A_234, %parallel_loop3A_236 : vector<16xi32>
        %parallel_loop3A_238 = tpu.vector_load_idx %arg5[%parallel_loop3A_237] : memref<65536xf32, #tpu.memory_space<vmem>>[vector<16xi32>], vector<16xf32>,
        %parallel_loop3A_239 = arith.constant 0 : i32
        %parallel_loop3A_240 = arith.index_cast %parallel_loop3A_226 : i32 to index
        %parallel_loop3A_241 = arith.index_cast %parallel_loop3A_239 : i32 to index
        %parallel_loop3A_242 = arith.index_cast %parallel_loop3A_230 : i32 to index
        %parallel_loop3A_243 = tpu.vector_load %arg7[%parallel_loop3A_240, %parallel_loop3A_241, %parallel_loop3A_242] {strides = array<i32>} : memref<4x8x128xf32, #tpu.memory_space<vmem>>, vector<16xf32>,
        tpu.vector_store %arg7[%parallel_loop3A_240, %parallel_loop3A_241, %parallel_loop3A_242], %parallel_loop3A_238 {strides = array<i32>} : memref<4x8x128xf32, #tpu.memory_space<vmem>>, vector<16xf32>,
        %parallel_loop3A_244 = arith.constant 50176 : i32
        %parallel_loop3A_245 = vector.broadcast %parallel_loop3A_244 : i32 to vector<16xi32>
        %parallel_loop3A_246 = arith.addi %parallel_loop3A_234, %parallel_loop3A_245 : vector<16xi32>
        %parallel_loop3A_247 = tpu.vector_load_idx %arg5[%parallel_loop3A_246] : memref<65536xf32, #tpu.memory_space<vmem>>[vector<16xi32>], vector<16xf32>,
        %parallel_loop3A_248 = arith.constant 1 : i32
        %parallel_loop3A_249 = arith.index_cast %parallel_loop3A_226 : i32 to index
        %parallel_loop3A_250 = arith.index_cast %parallel_loop3A_248 : i32 to index
        %parallel_loop3A_251 = arith.index_cast %parallel_loop3A_230 : i32 to index
        %parallel_loop3A_252 = tpu.vector_load %arg7[%parallel_loop3A_249, %parallel_loop3A_250, %parallel_loop3A_251] {strides = array<i32>} : memref<4x8x128xf32, #tpu.memory_space<vmem>>, vector<16xf32>,
        tpu.vector_store %arg7[%parallel_loop3A_249, %parallel_loop3A_250, %parallel_loop3A_251], %parallel_loop3A_247 {strides = array<i32>} : memref<4x8x128xf32, #tpu.memory_space<vmem>>, vector<16xf32>,
        %parallel_loop3A_253 = arith.constant 51200 : i32
        %parallel_loop3A_254 = vector.broadcast %parallel_loop3A_253 : i32 to vector<16xi32>
        %parallel_loop3A_255 = arith.addi %parallel_loop3A_234, %parallel_loop3A_254 : vector<16xi32>
        %parallel_loop3A_256 = tpu.vector_load_idx %arg5[%parallel_loop3A_255] : memref<65536xf32, #tpu.memory_space<vmem>>[vector<16xi32>], vector<16xf32>,
        %parallel_loop3A_257 = arith.constant 2 : i32
        %parallel_loop3A_258 = arith.index_cast %parallel_loop3A_226 : i32 to index
        %parallel_loop3A_259 = arith.index_cast %parallel_loop3A_257 : i32 to index
        %parallel_loop3A_260 = arith.index_cast %parallel_loop3A_230 : i32 to index
        %parallel_loop3A_261 = tpu.vector_load %arg7[%parallel_loop3A_258, %parallel_loop3A_259, %parallel_loop3A_260] {strides = array<i32>} : memref<4x8x128xf32, #tpu.memory_space<vmem>>, vector<16xf32>,
        tpu.vector_store %arg7[%parallel_loop3A_258, %parallel_loop3A_259, %parallel_loop3A_260], %parallel_loop3A_256 {strides = array<i32>} : memref<4x8x128xf32, #tpu.memory_space<vmem>>, vector<16xf32>,
        %parallel_loop3A_262 = arith.constant 52224 : i32
        %parallel_loop3A_263 = vector.broadcast %parallel_loop3A_262 : i32 to vector<16xi32>
        %parallel_loop3A_264 = arith.addi %parallel_loop3A_234, %parallel_loop3A_263 : vector<16xi32>
        %parallel_loop3A_265 = tpu.vector_load_idx %arg5[%parallel_loop3A_264] : memref<65536xf32, #tpu.memory_space<vmem>>[vector<16xi32>], vector<16xf32>,
        %parallel_loop3A_266 = arith.constant 3 : i32
        %parallel_loop3A_267 = arith.index_cast %parallel_loop3A_226 : i32 to index
        %parallel_loop3A_268 = arith.index_cast %parallel_loop3A_266 : i32 to index
        %parallel_loop3A_269 = arith.index_cast %parallel_loop3A_230 : i32 to index
        %parallel_loop3A_270 = tpu.vector_load %arg7[%parallel_loop3A_267, %parallel_loop3A_268, %parallel_loop3A_269] {strides = array<i32>} : memref<4x8x128xf32, #tpu.memory_space<vmem>>, vector<16xf32>,
        tpu.vector_store %arg7[%parallel_loop3A_267, %parallel_loop3A_268, %parallel_loop3A_269], %parallel_loop3A_265 {strides = array<i32>} : memref<4x8x128xf32, #tpu.memory_space<vmem>>, vector<16xf32>,
        %parallel_loop3A_271 = arith.constant 53248 : i32
        %parallel_loop3A_272 = vector.broadcast %parallel_loop3A_271 : i32 to vector<16xi32>
        %parallel_loop3A_273 = arith.addi %parallel_loop3A_234, %parallel_loop3A_272 : vector<16xi32>
        %parallel_loop3A_274 = tpu.vector_load_idx %arg5[%parallel_loop3A_273] : memref<65536xf32, #tpu.memory_space<vmem>>[vector<16xi32>], vector<16xf32>,
        %parallel_loop3A_275 = arith.constant 4 : i32
        %parallel_loop3A_276 = arith.index_cast %parallel_loop3A_226 : i32 to index
        %parallel_loop3A_277 = arith.index_cast %parallel_loop3A_275 : i32 to index
        %parallel_loop3A_278 = arith.index_cast %parallel_loop3A_230 : i32 to index
        %parallel_loop3A_279 = tpu.vector_load %arg7[%parallel_loop3A_276, %parallel_loop3A_277, %parallel_loop3A_278] {strides = array<i32>} : memref<4x8x128xf32, #tpu.memory_space<vmem>>, vector<16xf32>,
        tpu.vector_store %arg7[%parallel_loop3A_276, %parallel_loop3A_277, %parallel_loop3A_278], %parallel_loop3A_274 {strides = array<i32>} : memref<4x8x128xf32, #tpu.memory_space<vmem>>, vector<16xf32>,
        %parallel_loop3A_280 = arith.constant 54272 : i32
        %parallel_loop3A_281 = vector.broadcast %parallel_loop3A_280 : i32 to vector<16xi32>
        %parallel_loop3A_282 = arith.addi %parallel_loop3A_234, %parallel_loop3A_281 : vector<16xi32>
        %parallel_loop3A_283 = tpu.vector_load_idx %arg5[%parallel_loop3A_282] : memref<65536xf32, #tpu.memory_space<vmem>>[vector<16xi32>], vector<16xf32>,
        %parallel_loop3A_284 = arith.constant 5 : i32
        %parallel_loop3A_285 = arith.index_cast %parallel_loop3A_226 : i32 to index
        %parallel_loop3A_286 = arith.index_cast %parallel_loop3A_284 : i32 to index
        %parallel_loop3A_287 = arith.index_cast %parallel_loop3A_230 : i32 to index
        %parallel_loop3A_288 = tpu.vector_load %arg7[%parallel_loop3A_285, %parallel_loop3A_286, %parallel_loop3A_287] {strides = array<i32>} : memref<4x8x128xf32, #tpu.memory_space<vmem>>, vector<16xf32>,
        tpu.vector_store %arg7[%parallel_loop3A_285, %parallel_loop3A_286, %parallel_loop3A_287], %parallel_loop3A_283 {strides = array<i32>} : memref<4x8x128xf32, #tpu.memory_space<vmem>>, vector<16xf32>,
        %parallel_loop3A_289 = arith.constant 55296 : i32
        %parallel_loop3A_290 = vector.broadcast %parallel_loop3A_289 : i32 to vector<16xi32>
        %parallel_loop3A_291 = arith.addi %parallel_loop3A_234, %parallel_loop3A_290 : vector<16xi32>
        %parallel_loop3A_292 = tpu.vector_load_idx %arg5[%parallel_loop3A_291] : memref<65536xf32, #tpu.memory_space<vmem>>[vector<16xi32>], vector<16xf32>,
        %parallel_loop3A_293 = arith.constant 6 : i32
        %parallel_loop3A_294 = arith.index_cast %parallel_loop3A_226 : i32 to index
        %parallel_loop3A_295 = arith.index_cast %parallel_loop3A_293 : i32 to index
        %parallel_loop3A_296 = arith.index_cast %parallel_loop3A_230 : i32 to index
        %parallel_loop3A_297 = tpu.vector_load %arg7[%parallel_loop3A_294, %parallel_loop3A_295, %parallel_loop3A_296] {strides = array<i32>} : memref<4x8x128xf32, #tpu.memory_space<vmem>>, vector<16xf32>,
        tpu.vector_store %arg7[%parallel_loop3A_294, %parallel_loop3A_295, %parallel_loop3A_296], %parallel_loop3A_292 {strides = array<i32>} : memref<4x8x128xf32, #tpu.memory_space<vmem>>, vector<16xf32>,
        %parallel_loop3A_298 = arith.constant 56320 : i32
        %parallel_loop3A_299 = vector.broadcast %parallel_loop3A_298 : i32 to vector<16xi32>
        %parallel_loop3A_300 = arith.addi %parallel_loop3A_234, %parallel_loop3A_299 : vector<16xi32>
        %parallel_loop3A_301 = tpu.vector_load_idx %arg5[%parallel_loop3A_300] : memref<65536xf32, #tpu.memory_space<vmem>>[vector<16xi32>], vector<16xf32>,
        %parallel_loop3A_302 = arith.constant 7 : i32
        %parallel_loop3A_303 = arith.index_cast %parallel_loop3A_226 : i32 to index
        %parallel_loop3A_304 = arith.index_cast %parallel_loop3A_302 : i32 to index
        %parallel_loop3A_305 = arith.index_cast %parallel_loop3A_230 : i32 to index
        %parallel_loop3A_306 = tpu.vector_load %arg7[%parallel_loop3A_303, %parallel_loop3A_304, %parallel_loop3A_305] {strides = array<i32>} : memref<4x8x128xf32, #tpu.memory_space<vmem>>, vector<16xf32>,
        tpu.vector_store %arg7[%parallel_loop3A_303, %parallel_loop3A_304, %parallel_loop3A_305], %parallel_loop3A_301 {strides = array<i32>} : memref<4x8x128xf32, #tpu.memory_space<vmem>>, vector<16xf32>,
      } {sc.loop_unroll_factor = 8 : i64, sc.parallel_access}
      %mul3A_187 = arith.constant 4 : i32
      %mul3A_188 = arith.muli %add3A, %mul3A_187 : i32
      %dma_start3A_189 = arith.constant 6 : i32
      %dma_start3A_190 = arith.constant 0 : i32
      %dma_start3A_191 = arith.constant 0 : i32
      %dma_start3A_192 = tpu.memref_slice %arg4[%scan3A_29, %dma_start3A_189, %mul3A_188, %dma_start3A_190, %dma_start3A_191] : memref<26x8x128x8x128xf32, #tpu.memory_space<hbm>> -> memref<1x1x4x8x128xf32, #tpu.memory_space<hbm>>
      %dma_start3A_193 = tpu.memref_squeeze %dma_start3A_192 : memref<1x1x4x8x128xf32, #tpu.memory_space<hbm>> -> memref<4x8x128xf32, #tpu.memory_space<hbm>>
      %dma_start3A_194 = arith.constant 0 : i32
      %dma_start3A_195 = arith.constant 0 : i32
      %dma_start3A_196 = tpu.memref_slice %arg4[%scan3A_29, %dma_start3A_189, %mul3A_188, %dma_start3A_194, %dma_start3A_195] : memref<26x8x128x8x128xf32, #tpu.memory_space<hbm>> -> memref<1x1x4x8x128xf32, #tpu.memory_space<hbm>>
      %dma_start3A_197 = tpu.memref_squeeze %dma_start3A_196 : memref<1x1x4x8x128xf32, #tpu.memory_space<hbm>> -> memref<4x8x128xf32, #tpu.memory_space<hbm>>
      tpu.enqueue_dma source(%arg7 : memref<4x8x128xf32, #tpu.memory_space<vmem>>) target(%dma_start3A_197 : memref<4x8x128xf32, #tpu.memory_space<hbm>>) target_semaphore(%arg9 : memref<!tpu.dma_semaphore, #tpu.memory_space<semaphore_mem>>)
      %dma_wait3A_198 = arith.constant 0 : i32
      %dma_wait3A_199 = arith.constant 0 : i32
      %dma_wait3A_200 = arith.constant 0 : i32
      %dma_wait3A_201 = arith.constant 0 : i32
      %dma_wait3A_202 = arith.constant 0 : i32
      %dma_wait3A_203 = tpu.memref_slice %arg4[%dma_wait3A_198, %dma_wait3A_199, %dma_wait3A_200, %dma_wait3A_201, %dma_wait3A_202] : memref<26x8x128x8x128xf32, #tpu.memory_space<hbm>> -> memref<1x1x4x8x128xf32, #tpu.memory_space<hbm>>
      %dma_wait3A_204 = tpu.memref_squeeze %dma_wait3A_203 : memref<1x1x4x8x128xf32, #tpu.memory_space<hbm>> -> memref<4x8x128xf32, #tpu.memory_space<hbm>>
      %dma_wait3A_205 = arith.constant 0 : i32
      %dma_wait3A_206 = arith.constant 0 : i32
      %dma_wait3A_207 = arith.constant 0 : i32
      %dma_wait3A_208 = tpu.memref_slice %arg4[%dma_wait3A_198, %dma_wait3A_199, %dma_wait3A_205, %dma_wait3A_206, %dma_wait3A_207] : memref<26x8x128x8x128xf32, #tpu.memory_space<hbm>> -> memref<1x1x4x8x128xf32, #tpu.memory_space<hbm>>
      %dma_wait3A_209 = tpu.memref_squeeze %dma_wait3A_208 : memref<1x1x4x8x128xf32, #tpu.memory_space<hbm>> -> memref<4x8x128xf32, #tpu.memory_space<hbm>>
      tpu.wait_dma2 semaphore(%arg9 : memref<!tpu.dma_semaphore, #tpu.memory_space<semaphore_mem>>) src(%arg8 : memref<4x8x128xf32, #tpu.memory_space<vmem>>) dst(%dma_wait3A_209 : memref<4x8x128xf32, #tpu.memory_space<hbm>>)
      %parallel_loop3A_210 = arith.constant 0 : i32
      %parallel_loop3A_211 = arith.constant 32 : i32
      %parallel_loop3A_212 = arith.constant 1 : i32
      scf.for %parallel_loop3A_224 = %parallel_loop3A_210 to %parallel_loop3A_211 step %parallel_loop3A_212  : i32 {
        %parallel_loop3A_225 = arith.constant 3 : i32
        %parallel_loop3A_226 = arith.shrui %parallel_loop3A_224, %parallel_loop3A_225 : i32
        %parallel_loop3A_227 = arith.constant 7 : i32
        %parallel_loop3A_228 = arith.andi %parallel_loop3A_224, %parallel_loop3A_227 : i32
        %parallel_loop3A_229 = arith.constant 16 : i32
        %parallel_loop3A_230 = arith.muli %parallel_loop3A_228, %parallel_loop3A_229 : i32
        %parallel_loop3A_231 = arith.constant 16 : i32
        %parallel_loop3A_232 = arith.muli %parallel_loop3A_224, %parallel_loop3A_231 : i32
        %parallel_loop3A_233 = arith.index_cast %parallel_loop3A_232 : i32 to index
        %parallel_loop3A_234 = tpu.vector_load %arg6[%parallel_loop3A_233] {strides = array<i32>} : memref<512xi32, #tpu.memory_space<vmem>>, vector<16xi32>,
        %parallel_loop3A_235 = arith.constant 57344 : i32
        %parallel_loop3A_236 = vector.broadcast %parallel_loop3A_235 : i32 to vector<16xi32>
        %parallel_loop3A_237 = arith.addi %parallel_loop3A_234, %parallel_loop3A_236 : vector<16xi32>
        %parallel_loop3A_238 = tpu.vector_load_idx %arg5[%parallel_loop3A_237] : memref<65536xf32, #tpu.memory_space<vmem>>[vector<16xi32>], vector<16xf32>,
        %parallel_loop3A_239 = arith.constant 0 : i32
        %parallel_loop3A_240 = arith.index_cast %parallel_loop3A_226 : i32 to index
        %parallel_loop3A_241 = arith.index_cast %parallel_loop3A_239 : i32 to index
        %parallel_loop3A_242 = arith.index_cast %parallel_loop3A_230 : i32 to index
        %parallel_loop3A_243 = tpu.vector_load %arg8[%parallel_loop3A_240, %parallel_loop3A_241, %parallel_loop3A_242] {strides = array<i32>} : memref<4x8x128xf32, #tpu.memory_space<vmem>>, vector<16xf32>,
        tpu.vector_store %arg8[%parallel_loop3A_240, %parallel_loop3A_241, %parallel_loop3A_242], %parallel_loop3A_238 {strides = array<i32>} : memref<4x8x128xf32, #tpu.memory_space<vmem>>, vector<16xf32>,
        %parallel_loop3A_244 = arith.constant 58368 : i32
        %parallel_loop3A_245 = vector.broadcast %parallel_loop3A_244 : i32 to vector<16xi32>
        %parallel_loop3A_246 = arith.addi %parallel_loop3A_234, %parallel_loop3A_245 : vector<16xi32>
        %parallel_loop3A_247 = tpu.vector_load_idx %arg5[%parallel_loop3A_246] : memref<65536xf32, #tpu.memory_space<vmem>>[vector<16xi32>], vector<16xf32>,
        %parallel_loop3A_248 = arith.constant 1 : i32
        %parallel_loop3A_249 = arith.index_cast %parallel_loop3A_226 : i32 to index
        %parallel_loop3A_250 = arith.index_cast %parallel_loop3A_248 : i32 to index
        %parallel_loop3A_251 = arith.index_cast %parallel_loop3A_230 : i32 to index
        %parallel_loop3A_252 = tpu.vector_load %arg8[%parallel_loop3A_249, %parallel_loop3A_250, %parallel_loop3A_251] {strides = array<i32>} : memref<4x8x128xf32, #tpu.memory_space<vmem>>, vector<16xf32>,
        tpu.vector_store %arg8[%parallel_loop3A_249, %parallel_loop3A_250, %parallel_loop3A_251], %parallel_loop3A_247 {strides = array<i32>} : memref<4x8x128xf32, #tpu.memory_space<vmem>>, vector<16xf32>,
        %parallel_loop3A_253 = arith.constant 59392 : i32
        %parallel_loop3A_254 = vector.broadcast %parallel_loop3A_253 : i32 to vector<16xi32>
        %parallel_loop3A_255 = arith.addi %parallel_loop3A_234, %parallel_loop3A_254 : vector<16xi32>
        %parallel_loop3A_256 = tpu.vector_load_idx %arg5[%parallel_loop3A_255] : memref<65536xf32, #tpu.memory_space<vmem>>[vector<16xi32>], vector<16xf32>,
        %parallel_loop3A_257 = arith.constant 2 : i32
        %parallel_loop3A_258 = arith.index_cast %parallel_loop3A_226 : i32 to index
        %parallel_loop3A_259 = arith.index_cast %parallel_loop3A_257 : i32 to index
        %parallel_loop3A_260 = arith.index_cast %parallel_loop3A_230 : i32 to index
        %parallel_loop3A_261 = tpu.vector_load %arg8[%parallel_loop3A_258, %parallel_loop3A_259, %parallel_loop3A_260] {strides = array<i32>} : memref<4x8x128xf32, #tpu.memory_space<vmem>>, vector<16xf32>,
        tpu.vector_store %arg8[%parallel_loop3A_258, %parallel_loop3A_259, %parallel_loop3A_260], %parallel_loop3A_256 {strides = array<i32>} : memref<4x8x128xf32, #tpu.memory_space<vmem>>, vector<16xf32>,
        %parallel_loop3A_262 = arith.constant 60416 : i32
        %parallel_loop3A_263 = vector.broadcast %parallel_loop3A_262 : i32 to vector<16xi32>
        %parallel_loop3A_264 = arith.addi %parallel_loop3A_234, %parallel_loop3A_263 : vector<16xi32>
        %parallel_loop3A_265 = tpu.vector_load_idx %arg5[%parallel_loop3A_264] : memref<65536xf32, #tpu.memory_space<vmem>>[vector<16xi32>], vector<16xf32>,
        %parallel_loop3A_266 = arith.constant 3 : i32
        %parallel_loop3A_267 = arith.index_cast %parallel_loop3A_226 : i32 to index
        %parallel_loop3A_268 = arith.index_cast %parallel_loop3A_266 : i32 to index
        %parallel_loop3A_269 = arith.index_cast %parallel_loop3A_230 : i32 to index
        %parallel_loop3A_270 = tpu.vector_load %arg8[%parallel_loop3A_267, %parallel_loop3A_268, %parallel_loop3A_269] {strides = array<i32>} : memref<4x8x128xf32, #tpu.memory_space<vmem>>, vector<16xf32>,
        tpu.vector_store %arg8[%parallel_loop3A_267, %parallel_loop3A_268, %parallel_loop3A_269], %parallel_loop3A_265 {strides = array<i32>} : memref<4x8x128xf32, #tpu.memory_space<vmem>>, vector<16xf32>,
        %parallel_loop3A_271 = arith.constant 61440 : i32
        %parallel_loop3A_272 = vector.broadcast %parallel_loop3A_271 : i32 to vector<16xi32>
        %parallel_loop3A_273 = arith.addi %parallel_loop3A_234, %parallel_loop3A_272 : vector<16xi32>
        %parallel_loop3A_274 = tpu.vector_load_idx %arg5[%parallel_loop3A_273] : memref<65536xf32, #tpu.memory_space<vmem>>[vector<16xi32>], vector<16xf32>,
        %parallel_loop3A_275 = arith.constant 4 : i32
        %parallel_loop3A_276 = arith.index_cast %parallel_loop3A_226 : i32 to index
        %parallel_loop3A_277 = arith.index_cast %parallel_loop3A_275 : i32 to index
        %parallel_loop3A_278 = arith.index_cast %parallel_loop3A_230 : i32 to index
        %parallel_loop3A_279 = tpu.vector_load %arg8[%parallel_loop3A_276, %parallel_loop3A_277, %parallel_loop3A_278] {strides = array<i32>} : memref<4x8x128xf32, #tpu.memory_space<vmem>>, vector<16xf32>,
        tpu.vector_store %arg8[%parallel_loop3A_276, %parallel_loop3A_277, %parallel_loop3A_278], %parallel_loop3A_274 {strides = array<i32>} : memref<4x8x128xf32, #tpu.memory_space<vmem>>, vector<16xf32>,
        %parallel_loop3A_280 = arith.constant 62464 : i32
        %parallel_loop3A_281 = vector.broadcast %parallel_loop3A_280 : i32 to vector<16xi32>
        %parallel_loop3A_282 = arith.addi %parallel_loop3A_234, %parallel_loop3A_281 : vector<16xi32>
        %parallel_loop3A_283 = tpu.vector_load_idx %arg5[%parallel_loop3A_282] : memref<65536xf32, #tpu.memory_space<vmem>>[vector<16xi32>], vector<16xf32>,
        %parallel_loop3A_284 = arith.constant 5 : i32
        %parallel_loop3A_285 = arith.index_cast %parallel_loop3A_226 : i32 to index
        %parallel_loop3A_286 = arith.index_cast %parallel_loop3A_284 : i32 to index
        %parallel_loop3A_287 = arith.index_cast %parallel_loop3A_230 : i32 to index
        %parallel_loop3A_288 = tpu.vector_load %arg8[%parallel_loop3A_285, %parallel_loop3A_286, %parallel_loop3A_287] {strides = array<i32>} : memref<4x8x128xf32, #tpu.memory_space<vmem>>, vector<16xf32>,
        tpu.vector_store %arg8[%parallel_loop3A_285, %parallel_loop3A_286, %parallel_loop3A_287], %parallel_loop3A_283 {strides = array<i32>} : memref<4x8x128xf32, #tpu.memory_space<vmem>>, vector<16xf32>,
        %parallel_loop3A_289 = arith.constant 63488 : i32
        %parallel_loop3A_290 = vector.broadcast %parallel_loop3A_289 : i32 to vector<16xi32>
        %parallel_loop3A_291 = arith.addi %parallel_loop3A_234, %parallel_loop3A_290 : vector<16xi32>
        %parallel_loop3A_292 = tpu.vector_load_idx %arg5[%parallel_loop3A_291] : memref<65536xf32, #tpu.memory_space<vmem>>[vector<16xi32>], vector<16xf32>,
        %parallel_loop3A_293 = arith.constant 6 : i32
        %parallel_loop3A_294 = arith.index_cast %parallel_loop3A_226 : i32 to index
        %parallel_loop3A_295 = arith.index_cast %parallel_loop3A_293 : i32 to index
        %parallel_loop3A_296 = arith.index_cast %parallel_loop3A_230 : i32 to index
        %parallel_loop3A_297 = tpu.vector_load %arg8[%parallel_loop3A_294, %parallel_loop3A_295, %parallel_loop3A_296] {strides = array<i32>} : memref<4x8x128xf32, #tpu.memory_space<vmem>>, vector<16xf32>,
        tpu.vector_store %arg8[%parallel_loop3A_294, %parallel_loop3A_295, %parallel_loop3A_296], %parallel_loop3A_292 {strides = array<i32>} : memref<4x8x128xf32, #tpu.memory_space<vmem>>, vector<16xf32>,
        %parallel_loop3A_298 = arith.constant 64512 : i32
        %parallel_loop3A_299 = vector.broadcast %parallel_loop3A_298 : i32 to vector<16xi32>
        %parallel_loop3A_300 = arith.addi %parallel_loop3A_234, %parallel_loop3A_299 : vector<16xi32>
        %parallel_loop3A_301 = tpu.vector_load_idx %arg5[%parallel_loop3A_300] : memref<65536xf32, #tpu.memory_space<vmem>>[vector<16xi32>], vector<16xf32>,
        %parallel_loop3A_302 = arith.constant 7 : i32
        %parallel_loop3A_303 = arith.index_cast %parallel_loop3A_226 : i32 to index
        %parallel_loop3A_304 = arith.index_cast %parallel_loop3A_302 : i32 to index
        %parallel_loop3A_305 = arith.index_cast %parallel_loop3A_230 : i32 to index
        %parallel_loop3A_306 = tpu.vector_load %arg8[%parallel_loop3A_303, %parallel_loop3A_304, %parallel_loop3A_305] {strides = array<i32>} : memref<4x8x128xf32, #tpu.memory_space<vmem>>, vector<16xf32>,
        tpu.vector_store %arg8[%parallel_loop3A_303, %parallel_loop3A_304, %parallel_loop3A_305], %parallel_loop3A_301 {strides = array<i32>} : memref<4x8x128xf32, #tpu.memory_space<vmem>>, vector<16xf32>,
      } {sc.loop_unroll_factor = 8 : i64, sc.parallel_access}
      %mul3A_213 = arith.constant 4 : i32
      %mul3A_214 = arith.muli %add3A, %mul3A_213 : i32
      %dma_start3A_215 = arith.constant 7 : i32
      %dma_start3A_216 = arith.constant 0 : i32
      %dma_start3A_217 = arith.constant 0 : i32
      %dma_start3A_218 = tpu.memref_slice %arg4[%scan3A_29, %dma_start3A_215, %mul3A_214, %dma_start3A_216, %dma_start3A_217] : memref<26x8x128x8x128xf32, #tpu.memory_space<hbm>> -> memref<1x1x4x8x128xf32, #tpu.memory_space<hbm>>
      %dma_start3A_219 = tpu.memref_squeeze %dma_start3A_218 : memref<1x1x4x8x128xf32, #tpu.memory_space<hbm>> -> memref<4x8x128xf32, #tpu.memory_space<hbm>>
      %dma_start3A_220 = arith.constant 0 : i32
      %dma_start3A_221 = arith.constant 0 : i32
      %dma_start3A_222 = tpu.memref_slice %arg4[%scan3A_29, %dma_start3A_215, %mul3A_214, %dma_start3A_220, %dma_start3A_221] : memref<26x8x128x8x128xf32, #tpu.memory_space<hbm>> -> memref<1x1x4x8x128xf32, #tpu.memory_space<hbm>>
      %dma_start3A_223 = tpu.memref_squeeze %dma_start3A_222 : memref<1x1x4x8x128xf32, #tpu.memory_space<hbm>> -> memref<4x8x128xf32, #tpu.memory_space<hbm>>
      tpu.enqueue_dma source(%arg8 : memref<4x8x128xf32, #tpu.memory_space<vmem>>) target(%dma_start3A_223 : memref<4x8x128xf32, #tpu.memory_space<hbm>>) target_semaphore(%arg9 : memref<!tpu.dma_semaphore, #tpu.memory_space<semaphore_mem>>)
    }
    %scan3A_5 = arith.constant 26 : i32
    %dma_wait3A = arith.constant 0 : i32
    %dma_wait3A_6 = arith.constant 0 : i32
    %dma_wait3A_7 = arith.constant 0 : i32
    %dma_wait3A_8 = arith.constant 0 : i32
    %dma_wait3A_9 = arith.constant 0 : i32
    %dma_wait3A_10 = tpu.memref_slice %arg4[%dma_wait3A, %dma_wait3A_6, %dma_wait3A_7, %dma_wait3A_8, %dma_wait3A_9] : memref<26x8x128x8x128xf32, #tpu.memory_space<hbm>> -> memref<1x1x4x8x128xf32, #tpu.memory_space<hbm>>
    %dma_wait3A_11 = tpu.memref_squeeze %dma_wait3A_10 : memref<1x1x4x8x128xf32, #tpu.memory_space<hbm>> -> memref<4x8x128xf32, #tpu.memory_space<hbm>>
    %dma_wait3A_12 = arith.constant 0 : i32
    %dma_wait3A_13 = arith.constant 0 : i32
    %dma_wait3A_14 = arith.constant 0 : i32
    %dma_wait3A_15 = tpu.memref_slice %arg4[%dma_wait3A, %dma_wait3A_6, %dma_wait3A_12, %dma_wait3A_13, %dma_wait3A_14] : memref<26x8x128x8x128xf32, #tpu.memory_space<hbm>> -> memref<1x1x4x8x128xf32, #tpu.memory_space<hbm>>
    %dma_wait3A_16 = tpu.memref_squeeze %dma_wait3A_15 : memref<1x1x4x8x128xf32, #tpu.memory_space<hbm>> -> memref<4x8x128xf32, #tpu.memory_space<hbm>>
    tpu.wait_dma2 semaphore(%arg9 : memref<!tpu.dma_semaphore, #tpu.memory_space<semaphore_mem>>) src(%arg7 : memref<4x8x128xf32, #tpu.memory_space<vmem>>) dst(%dma_wait3A_16 : memref<4x8x128xf32, #tpu.memory_space<hbm>>)
    %dma_wait3A_17 = arith.constant 0 : i32
    %dma_wait3A_18 = arith.constant 0 : i32
    %dma_wait3A_19 = arith.constant 0 : i32
    %dma_wait3A_20 = arith.constant 0 : i32
    %dma_wait3A_21 = arith.constant 0 : i32
    %dma_wait3A_22 = tpu.memref_slice %arg4[%dma_wait3A_17, %dma_wait3A_18, %dma_wait3A_19, %dma_wait3A_20, %dma_wait3A_21] : memref<26x8x128x8x128xf32, #tpu.memory_space<hbm>> -> memref<1x1x4x8x128xf32, #tpu.memory_space<hbm>>
    %dma_wait3A_23 = tpu.memref_squeeze %dma_wait3A_22 : memref<1x1x4x8x128xf32, #tpu.memory_space<hbm>> -> memref<4x8x128xf32, #tpu.memory_space<hbm>>
    %dma_wait3A_24 = arith.constant 0 : i32
    %dma_wait3A_25 = arith.constant 0 : i32
    %dma_wait3A_26 = arith.constant 0 : i32
    %dma_wait3A_27 = tpu.memref_slice %arg4[%dma_wait3A_17, %dma_wait3A_18, %dma_wait3A_24, %dma_wait3A_25, %dma_wait3A_26] : memref<26x8x128x8x128xf32, #tpu.memory_space<hbm>> -> memref<1x1x4x8x128xf32, #tpu.memory_space<hbm>>
    %dma_wait3A_28 = tpu.memref_squeeze %dma_wait3A_27 : memref<1x1x4x8x128xf32, #tpu.memory_space<hbm>> -> memref<4x8x128xf32, #tpu.memory_space<hbm>>
    tpu.wait_dma2 semaphore(%arg9 : memref<!tpu.dma_semaphore, #tpu.memory_space<semaphore_mem>>) src(%arg8 : memref<4x8x128xf32, #tpu.memory_space<vmem>>) dst(%dma_wait3A_28 : memref<4x8x128xf32, #tpu.memory_space<hbm>>)
    return
  }
}

</mosaic_0001>

<sc_bundles>
// kernel: kernel.3.cloned.1.call-start
scs
__scs_entry_jumppad:
0x0: {  	(pc) =	sbr.rel $0x88, $3  }
0x1: {  	(tag) =	ssettag $0x0;
	lr =	simm.s32 $0x1  }
0x2: {  	[smem:$0x3F9F] =	sst lr;
	_ =	strace $0xD0000000  }
0x3: {  	_ = 	snop  }
0x4: {  	_ = 	snop  }
0x5: {  	_ = 	snop  }
0x6: {  	_ = 	snop  }
0x7: {  	_ = 	snop  }
__scs_overlays_trampoline_lowered:
0x8: {  	[smem:$0x3FAE] =	sst s0  }
0x9: {  	[smem:$0x3FAF] =	sst s1  }
0xa: {  	[smem:$0x3FB0] =	sst s2  }
0xb: {  	[smem:$0x3FB1] =	sst s3  }
0xc: {  	[smem:$0x3FB2] =	sst s4  }
0xd: {  	[smem:$0x3FB3] =	sst s5  }
0xe: {  	[smem:$0x3FB4] =	sst s6  }
0xf: {  	[smem:$0x3FB5] =	sst s7  }
0x10: {  	[smem:$0x3FB6] =	sst s8  }
0x11: {  	[smem:$0x3FB7] =	sst s9;
	s0 =	simm.s32 @!p0 $0x0  }
0x12: {  	s1 =	sld [smem:$0x3F9D];
	s0 =	simm.s32 @p0 $0x1  }
0x13: {  	[smem:$0x3FB8] =	sst s0;
	s0 =	simm.s32 @!p1 $0x0  }
0x14: {  	s2 =	sld [smem:$0x3F9C];
	s0 =	simm.s32 @p1 $0x1  }
0x15: {  	[smem:$0x3FB9] =	sst s0;
	s0 =	simm.s32 @!p2 $0x0  }
0x16: {  	s3 =	sld [smem:$0x3FDB];
	s0 =	simm.s32 @p2 $0x1  }
0x17: {  	s4 =	simm.s32 $0x1BF5;
	[smem:$0x3FBB] =	sst s0  }
0x18: {  	s0 =	sld [smem:$0x3F9E];
	_ =	swait.ge [sflag:s4], $0x0  }
0x19: {  	s7 =	sld [smem:$0x3F9F]  }
0x1a: {  	s8 =	sadd.s32 $0xFFFFE003, lr  }
0x1b: {  	s9 =	sadd.s32 $0xFFFFFEF7, lr;
	s5 =	simm.s32 $0xFFFFFFFF;
	p2 =	slt.u32 s8, $0xFFFFF086  }
0x1c: {  	p1 =	slt.u32 s9, $0xF7A;
	s5 =	simm.s32 @!p2 $0x0  }
0x1d: {  	s5 =	simm.s32 @p1 $0x1;
	p0 =	seq.s32 s7, s2  }
0x1e: {  	s7 =	smul.u32 @!p0 $0xF7A, s2;
	p2 =	seq.s32 @!p0 s5, $0x0  }
0x1f: {  	s9 =	smul.u32 $0xF7A, s1;
	s8 =	simm.s32 @!p0 $0x1BF5;
	p2 =	por !p2, p0  }
0x20: {  	[sflag:s8] =	ssyncset.s32 @!p0 $0xFFFFF086;
	s6 =	sadd.s32 @!p0 s3, s7;
	s7 =	simm.s32 @!p0 $0x108  }
0x21: {  	s3 =	sadd.s32 s3, s9;
	s6 =	sadd.s32 @!p0 $0x88, s6;
	s7 =	simm.s32 @p2 $0x1082  }
0x22: {  	[simem:s7], [sflag:s8] =	dma.local @!p0 [hbm:s6], $0xF7A  }
0x23: {  	s9 =	sor.u32 $0xD0000000, s2;
	s6 =	simm.s32 $0x108;
	_ =	swait.ge @!p0 [sflag:s8], $0x0  }
0x24: {  	s3 =	sadd.s32 $0x88, s3;
	s6 =	simm.s32 @!p1 $0x1082;
	[sflag:s4] =	ssyncset.s32 $0xFFFFF086  }
0x25: {  	[simem:s6], [sflag:s4] =	dma.local [hbm:s3], $0xF7A  }
0x26: {  	[smem:$0x3F9F] =	sst s1;
	(tag) =	ssettag s2;
	_ =	strace s9  }
0x27: {  	s1 =	sld [smem:$0x3FAF]  }
0x28: {  	s2 =	sld [smem:$0x3FB0]  }
0x29: {  	s4 =	sld [smem:$0x3FB2]  }
0x2a: {  	p0 =	seq.s32 s5, $0x0;
	s5 =	sld [smem:$0x3FB3]  }
0x2b: {  	s6 =	sld [smem:$0x3FB4]  }
0x2c: {  	s7 =	sld [smem:$0x3FB5]  }
0x2d: {  	s3 =	simm.s32 $0x108;
	s8 =	sld [smem:$0x3FB6]  }
0x2e: {  	s3 =	simm.s32 @!p0 $0x1082;
	s9 =	sld [smem:$0x3FB7]  }
0x2f: {  	lr =	sadd.s32 s0, s3;
	s0 =	sld [smem:$0x3FAE]  }
0x30: {  	s3 =	sld [smem:$0x3FB1]  }
0x31: {  	[smem:$0x3FBA] =	sst s10  }
0x32: {  	s10 =	sld [smem:$0x3FB8];
	_ =	sdelay $0x3  }
0x33: {  	p0 =	seq.s32 s10, $0x1;
	s10 =	sld [smem:$0x3FBA];
	_ =	sdelay $0x3  }
0x34: {  	[smem:$0x3FBA] =	sst s10  }
0x35: {  	s10 =	sld [smem:$0x3FB9];
	_ =	sdelay $0x3  }
0x36: {  	p1 =	seq.s32 s10, $0x1;
	s10 =	sld [smem:$0x3FBA];
	_ =	sdelay $0x3  }
0x37: {  	[smem:$0x3FBA] =	sst s10  }
0x38: {  	s10 =	sld [smem:$0x3FBB]  }
0x39: {  	_ = 	snop;
	(pc) =	sbr.ind lr, $3  }
0x3a: {  	_ = 	snop  }
0x3b: {  	_ = 	snop  }
0x3c: {  	p2 =	seq.s32 s10, $0x1;
	s10 =	sld [smem:$0x3FBA]  }
0x3d: {  	_ =	shalt  }
0x3e: {  	_ =	shalt  }
0x3f: {  	_ =	shalt  }
0x40: {  	_ =	shalt  }
0x41: {  	_ =	shalt  }
0x42: {  	_ =	shalt  }
0x43: {  	_ =	shalt  }
0x44: {  	_ =	shalt  }
0x45: {  	_ =	shalt  }
0x46: {  	_ =	shalt  }
0x47: {  	_ =	shalt  }
0x48: {  	_ =	shalt  }
0x49: {  	_ =	shalt  }
0x4a: {  	_ =	shalt  }
0x4b: {  	_ =	shalt  }
0x4c: {  	_ =	shalt  }
0x4d: {  	_ =	shalt  }
0x4e: {  	_ =	shalt  }
0x4f: {  	_ =	shalt  }
0x50: {  	_ =	shalt  }
0x51: {  	_ =	shalt  }
0x52: {  	_ =	shalt  }
0x53: {  	_ =	shalt  }
0x54: {  	_ =	shalt  }
0x55: {  	_ =	shalt  }
0x56: {  	_ =	shalt  }
0x57: {  	_ =	shalt  }
0x58: {  	_ =	shalt  }
0x59: {  	_ =	shalt  }
0x5a: {  	_ =	shalt  }
0x5b: {  	_ =	shalt  }
0x5c: {  	_ =	shalt  }
0x5d: {  	_ =	shalt  }
0x5e: {  	_ =	shalt  }
0x5f: {  	_ =	shalt  }
0x60: {  	_ =	shalt  }
0x61: {  	_ =	shalt  }
0x62: {  	_ =	shalt  }
0x63: {  	_ =	shalt  }
0x64: {  	_ =	shalt  }
0x65: {  	_ =	shalt  }
0x66: {  	_ =	shalt  }
0x67: {  	_ =	shalt  }
0x68: {  	_ =	shalt  }
0x69: {  	_ =	shalt  }
0x6a: {  	_ =	shalt  }
0x6b: {  	_ =	shalt  }
0x6c: {  	_ =	shalt  }
0x6d: {  	_ =	shalt  }
0x6e: {  	_ =	shalt  }
0x6f: {  	_ =	shalt  }
0x70: {  	_ =	shalt  }
0x71: {  	_ =	shalt  }
0x72: {  	_ =	shalt  }
0x73: {  	_ =	shalt  }
0x74: {  	_ =	shalt  }
0x75: {  	_ =	shalt  }
0x76: {  	_ =	shalt  }
0x77: {  	_ =	shalt  }
0x78: {  	_ =	shalt  }
0x79: {  	_ =	shalt  }
0x7a: {  	_ =	shalt  }
0x7b: {  	_ =	shalt  }
0x7c: {  	_ =	shalt  }
0x7d: {  	_ =	shalt  }
0x7e: {  	_ =	shalt  }
0x7f: {  	_ =	shalt  }
0x80: {  	_ =	shalt  }
0x81: {  	_ =	shalt  }
0x82: {  	_ =	shalt  }
0x83: {  	_ =	shalt  }
0x84: {  	_ =	shalt  }
0x85: {  	_ =	shalt  }
0x86: {  	_ =	shalt  }
0x87: {  	_ =	shalt  }
.Lfunc_end0:
.L_simem_size_0:
called_computation_lowered:
.L_overlay_start_0:
0x88: {  	s2 =	sld [smem:$0x3FD9]  }
0x89: {  	s3 =	sld [smem:$0x3FFE];
	_ =	sdelay $0x1  }
0x8a: {  	s1 =	srdreg.scid  }
0x8b: {  	s0 =	sand.u32 $0x1, s1  }
0x8c: {  	s17 =	sshll.u32 s0, $0xA;
	s2 =	sadd.s32 s3, s2  }
0x8d: {  	s2 =	sadd.s32 s2, s17  }
0x8e: {  	[smem:$0x3FC6] =	sst s2  }
0x8f: {  	_ = 	snop  }
0x90: {  	s2 =	sld [smem:$0x3FD0];
	(tm) =	ssettm $0x1  }
0x91: {  	s18 =	sld [smem:$0x3FFB];
	_ =	sdelay $0x3  }
0x92: {  	_ =	strace s18  }
0x93: {  	s3 =	sld [smem:$0x3FFC];
	_ =	sdelay $0x3  }
0x94: {  	_ =	strace s3  }
0x95: {  	s3 =	sld [smem:$0x3FFD];
	_ =	sdelay $0x3  }
0x96: {  	_ =	strace s3  }
0x97: {  	_ =	strace $0x8FFFFFFF  }
0x98: {  	s19 =	sld [smem:$0x3FDB];
	_ =	sdelay $0x1  }
0x99: {  	s4 =	simm.s32 $_scs_section_size  }
0x9a: {  	s5 =	simm.s32 $_size__tile_overlayer_lowered;
	s6 =	simm.s32 $_tile_overlayer_lowered  }
0x9b: {  	s22 =	simm.s32 $0x1BFF;
	s21 =	sshll.u32 s6, $0x1;
	s3 =	sadd.s32 s4, s19  }
0x9c: {  	s7 =	simm.s32 $0x0;
	s20 =	sshll.u32 s5, $0x1;
	s5 =	sadd.s32 s21, s3  }
0x9d: {  	[timem:s7], [sflag:s22] =	dma.local [hbm:s5], s20  }
0x9e: {  	_ =	swait.ge [sflag:s22], s20  }
0x9f: {  	s4 =	ssub.s32 $0x0, s20;
	[sflag:s22] =	ssyncset.done $0x0  }
0xa0: {  	[sflag:s22] =	ssyncadd.s32 s4;
	_ =	sdelay $0x1  }
0xa1: {  	s23 =	simm.s32 $0x1B8B  }
0xa2: {  	_ =	swait.ge [sflag:s23], $0x1  }
0xa3: {  	[sflag:s23] =	ssyncset.done $0x0  }
0xa4: {  	s25 =	simm.s32 $0x1B8E;
	s24 =	sld [smem:$0x3FFE];
	[sflag:s23] =	ssyncadd.s32 $0xFFFFFFFF  }
0xa5: {  	s26 =	simm.s32 $execute0_lowered;
	[smem:$0x3FD2] =	sst s25  }
0xa6: {  	s5 =	sshll.u32 s26, $0x1;
	_ =	strace $0x80000046;
	[dreg:$0x1] =	wrdreg $0xFFFFFFFF  }
0xa7: {  	s28 =	simm.s32 $_size_execute0_lowered;
	s3 =	sadd.s32 s3, s5;
	[dreg:$0x0] =	wrdreg $0x0  }
0xa8: {  	s5 =	sshll.u32 s28, $0x1;
	[dreg:$0x2] =	wrdreg s3  }
0xa9: {  	[dreg:$0x3] =	wrdreg s5  }
0xaa: {  	[dreg:$0x4] =	wrdreg $0xC0  }
0xab: {  	_ =	task [dreg:s7], $0x5FFFF  }
0xac: {  	[dreg:$0x1] =	wrdreg $0xFFFFFFFF  }
0xad: {  	[dreg:$0x0] =	wrdreg $0x60  }
0xae: {  	[dreg:$0x2] =	wrdreg s24  }
0xaf: {  	[dreg:$0x3] =	wrdreg s2  }
0xb0: {  	[dreg:$0x4] =	wrdreg $0x9  }
0xb1: {  	_ =	task.clear_ibuf [dreg:s7], $0x5FFFF;
	_ =	strace $0x90000046  }
0xb2: {  	s29 =	simm.s32 $0x9;
	_ =	strace $0x80000048  }
0xb3: {  	_ =	swait.ge [sflag:s29], $0x1  }
0xb4: {  	[sflag:s29] =	ssyncadd.s32 $0xFFFFFFFF  }
0xb5: {  	_ =	strace $0x90000048  }
0xb6: {  	_ =	sfence  }
0xb7: {  	s30 =	sld [smem:$0x0];
	_ =	sdelay $0x2  }
0xb8: {  	s31 =	sshll.u32 s1, $0xD;
	s1 =	sshrl.u32 s1, $0x2  }
0xb9: {  	s3 =	sand.u32 $0x4000, s31;
	s1 =	sadd.s32 s1, s30  }
0xba: {  	s0 =	sor.u32 s3, s0;
	s1 =	sshll.u32 s1, $0x11  }
0xbb: {  	s0 =	sor.u32 s1, s0  }
0xbc: {  	s0 =	sadd.s32 $0x8F2B, s0  }
0xbd: {  	[sflag:s0] =	ssyncadd.remote.s32 $0x1  }
0xbe: {  	_ =	sfence.sel $0xFFFF  }
0xbf: {  	[dreg:$0x0] =	wrdreg $0xFFFFFFFF;
	(pc) =	sbr.abs _section_cstart, $3  }
0xc0: {  	[dreg:$0x1] =	wrdreg $0xFFFFFFFF  }
0xc1: {  	_ =	task.clear_ibuf [dreg:s7], $0x2FFFF;
	_ =	strace $0x9FFFFFFF  }
0xc2: {  	(tm) =	ssettm $0x7FFFFFFF  }
0xc3: {  	_ =	shalt  }
tec
execute0_lowered:
.L_overlay_start_1:
0x0: {  	(tag) =	ssettag $0x1  }
0x1: {  	s4 =	rddreg [dreg:$0x0]  }
0x2: {  	s1 =	srdreg.scid;
	s0 =	stileid.u32  }
0x3: {  	s2 =	rddreg [dreg:$0x1];
	s3 =	simm.s32 $0x0;
	s15 =	simm.s32 $0x2  }
0x4: {  	s16 =	simm.s32 $0x10000;
	s17 =	simm.s32 $0x10200;
	s18 =	simm.s32 $0x11200  }
0x5: {  	s19 =	simm.s32 $0x1;
	s5 =	sand.u32 $0x1, s1;
	s1 =	rddreg [dreg:$0x2]  }
0x6: {  	s20 =	simm.s32 $0x0;
	s6 =	sshll.u32 s0, $0x1;
	[smem:$0x7FF] =	sst s3  }
0x7: {  	s9 =	sadd.s32 $0xC000, s2;
	s10 =	sadd.s32 $0x10000, s2;
	s11 =	sadd.s32 $0x14000, s2  }
0x8: {  	s12 =	sadd.s32 $0x18000, s2;
	s13 =	sadd.s32 $0x1C000, s2;
	s6 =	sor.u32 s5, s6  }
0x9: {  	s5 =	ssub.s32 $0x2, s5;
	_ =	strace $0x80000047;
	s7 =	sshll.u32 s6, $0x6  }
0xa: {  	s8 =	sshrl.u32 s5, $0x1;
	s6 =	sshll.u32 s6, $0x9;
	s7 =	sadd.s32 s7, s4  }
0xb: {  	s4 =	sadd.s32 $0x400, s4;
	s14 =	ssub.s32 s5, s8;
	s8 =	sadd.s32 $0x8000, s2  }
0xc: {  	s5 =	sadd.s32 $0x2400, s7;
	s7 =	sadd.s32 $0x4000, s2;
	s14 =	smax.u32 s14, $0x1  }
.LBB2_1:
0xd: {  	[tilespmem:s3], [sflag:$0x2] =	stream.linear.gather [hbm4b:s4+s3], $0x10000, $0x38;
	[tilespmem:$0x12200] =	vst v63  }
0xe: {  	_ =	swait.ge [sflag:s15], $0x10000  }
0xf: {  	[sflag:s15] =	ssyncset.done $0x0  }
0x10: {  	s21 =	simm.s32 $0x0;
	[sflag:s15] =	ssyncadd.s32 $0xFFFF0000  }
.LBB2_2:
0x11: {  	s22 =	sshll.u32 s21, $0xB  }
0x12: {  	s22 =	sadd.s32 s22, s5  }
0x13: {  	[tilespmem:s16], [sflag:$0x2] =	stream.linear.gather [hbm4b:s22+s3], $0x200, $0x38;
	[tilespmem:$0x12200] =	vst v63  }
0x14: {  	_ =	swait.ge [sflag:s15], $0x200  }
0x15: {  	p0 =	seq.s32 s21, $0x0;
	[sflag:s15] =	ssyncset.done $0x0  }
0x16: {  	s22 =	simm.s32 @!p0 $0x1;
	[sflag:s15] =	ssyncadd.s32 $0xFFFFFE00  }
0x17: {  	_ =	swait.ge @!p0 [sflag:s22], $0x1000  }
0x18: {  	[sflag:s22] =	ssyncset.done @!p0 $0x0  }
0x19: {  	s31 =	simm.s32 $0x10040;
	[sflag:s22] =	ssyncadd.s32 @!p0 $0xFFFFF000  }
0x1a: {  	v7 =	vld [tilespmem:s31+$0x30]  }
0x1b: {  	v5 =	vld [tilespmem:s31+$0xFFFFFFD0]  }
0x1c: {  	v4 =	vld [tilespmem:s31+$0xFFFFFFE0]  }
0x1d: {  	v3 =	vld [tilespmem:s31+$0xFFFFFFF0]  }
0x1e: {  	v2 =	vld [tilespmem:s31+$0x0]  }
0x1f: {  	v1 =	vld [tilespmem:s31+$0x10]  }
0x20: {  	v0 =	vld [tilespmem:s31+$0x20]  }
0x21: {  	v6 =	vld [tilespmem:s31+$0xFFFFFFC0]  }
0x22: {  	v8 =	vld.idx.msk [tilespmem:v7+s3+$0x0], $0xffff  }
0x23: {  	v9 =	vld.idx.msk [tilespmem:v5+s3+$0x0], $0xffff  }
0x24: {  	v10 =	vld.idx.msk [tilespmem:v4+s3+$0x0], $0xffff  }
0x25: {  	v11 =	vadd.s32 $0x400, v7;
	v12 =	vld.idx.msk [tilespmem:v3+s3+$0x0], $0xffff  }
0x26: {  	v13 =	vadd.s32 $0x400, v5;
	v14 =	vld.idx.msk [tilespmem:v2+s3+$0x0], $0xffff  }
0x27: {  	s23 =	simm.s32 $0x10400;
	v15 =	vadd.s32 $0x400, v4;
	v16 =	vld.idx.msk [tilespmem:v1+s3+$0x0], $0xffff  }
0x28: {  	v17 =	vadd.s32 $0x400, v3;
	v18 =	vld.idx.msk [tilespmem:v0+s3+$0x0], $0xffff;
	[tilespmem:s23+$0xFFFFFE70] =	vst v8  }
0x29: {  	v55 =	vadd.s32 $0x400, v1;
	v19 =	vld.idx.msk [tilespmem:v6+s3+$0x0], $0xffff;
	[tilespmem:s23+$0xFFFFFE10] =	vst v9  }
0x2a: {  	v58 =	vadd.s32 $0x400, v6;
	[tilespmem:s23+$0xFFFFFE20] =	vst v10;
	v54 =	vld.idx.msk [tilespmem:v11+s3+$0x0], $0xffff  }
0x2b: {  	v59 =	vadd.s32 $0x400, v0;
	[tilespmem:s23+$0xFFFFFE30] =	vst v12;
	v56 =	vld.idx.msk [tilespmem:v13+s3+$0x0], $0xffff  }
0x2c: {  	v8 =	vadd.s32 $0x400, v2;
	[tilespmem:s23+$0xFFFFFE40] =	vst v14;
	v15 =	vld.idx.msk [tilespmem:v15+s3+$0x0], $0xffff  }
0x2d: {  	v57 =	vadd.s32 $0x800, v7;
	[tilespmem:s23+$0xFFFFFE50] =	vst v16;
	v17 =	vld.idx.msk [tilespmem:v17+s3+$0x0], $0xffff  }
0x2e: {  	v60 =	vadd.s32 $0x800, v5;
	[tilespmem:s23+$0xFFFFFE00] =	vst v19;
	v11 =	vld.idx.msk [tilespmem:v55+s3+$0x0], $0xffff  }
0x2f: {  	v61 =	vadd.s32 $0x800, v4;
	[tilespmem:s23+$0xFFFFFE60] =	vst v18;
	v13 =	vld.idx.msk [tilespmem:v58+s3+$0x0], $0xffff  }
0x30: {  	v62 =	vadd.s32 $0x800, v3;
	v21 =	vld.idx.msk [tilespmem:v59+s3+$0x0], $0xffff;
	[tilespmem:s23+$0xFFFFFEF0] =	vst v54  }
0x31: {  	v23 =	vadd.s32 $0x800, v6;
	v8 =	vld.idx.msk [tilespmem:v8+s3+$0x0], $0xffff;
	[tilespmem:s23+$0xFFFFFE90] =	vst v56  }
0x32: {  	v24 =	vadd.s32 $0x800, v1;
	[tilespmem:s23+$0xFFFFFEA0] =	vst v15;
	v12 =	vld.idx.msk [tilespmem:v57+s3+$0x0], $0xffff  }
0x33: {  	v63 =	vadd.s32 $0x800, v2;
	[tilespmem:s23+$0xFFFFFEB0] =	vst v17;
	v16 =	vld.idx.msk [tilespmem:v60+s3+$0x0], $0xffff  }
0x34: {  	v22 =	vadd.s32 $0xC00, v7;
	[tilespmem:s23+$0xFFFFFED0] =	vst v11;
	v18 =	vld.idx.msk [tilespmem:v61+s3+$0x0], $0xffff  }
0x35: {  	v25 =	vadd.s32 $0xC00, v5;
	[tilespmem:s23+$0xFFFFFE80] =	vst v13;
	v9 =	vld.idx.msk [tilespmem:v62+s3+$0x0], $0xffff  }
0x36: {  	v26 =	vadd.s32 $0xC00, v4;
	[tilespmem:s23+$0xFFFFFEE0] =	vst v21;
	v15 =	vld.idx.msk [tilespmem:v23+s3+$0x0], $0xffff  }
0x37: {  	v28 =	vadd.s32 $0xC00, v3;
	v29 =	vld.idx.msk [tilespmem:v24+s3+$0x0], $0xffff;
	[tilespmem:s23+$0xFFFFFEC0] =	vst v8  }
0x38: {  	v31 =	vadd.s32 $0xC00, v6;
	v19 =	vld.idx.msk [tilespmem:v63+s3+$0x0], $0xffff;
	[tilespmem:s23+$0xFFFFFF70] =	vst v12  }
0x39: {  	v33 =	vadd.s32 $0xC00, v1;
	[tilespmem:s23+$0xFFFFFF10] =	vst v16;
	v27 =	vld.idx.msk [tilespmem:v22+s3+$0x0], $0xffff  }
0x3a: {  	v8 =	vadd.s32 $0x800, v0;
	[tilespmem:s23+$0xFFFFFF20] =	vst v18;
	v11 =	vld.idx.msk [tilespmem:v25+s3+$0x0], $0xffff  }
0x3b: {  	v32 =	vadd.s32 $0xC00, v2;
	[tilespmem:s23+$0xFFFFFF30] =	vst v9;
	v12 =	vld.idx.msk [tilespmem:v26+s3+$0x0], $0xffff  }
0x3c: {  	v30 =	vadd.s32 $0x1000, v7;
	[tilespmem:s23+$0xFFFFFF00] =	vst v15;
	v14 =	vld.idx.msk [tilespmem:v28+s3+$0x0], $0xffff  }
0x3d: {  	v35 =	vadd.s32 $0x1000, v5;
	[tilespmem:s23+$0xFFFFFF50] =	vst v29;
	v17 =	vld.idx.msk [tilespmem:v31+s3+$0x0], $0xffff  }
0x3e: {  	v37 =	vadd.s32 $0x1000, v4;
	v9 =	vld.idx.msk [tilespmem:v33+s3+$0x0], $0xffff;
	[tilespmem:s23+$0xFFFFFF40] =	vst v19  }
0x3f: {  	v39 =	vadd.s32 $0x1000, v6;
	v8 =	vld.idx.msk [tilespmem:v8+s3+$0x0], $0xffff;
	[tilespmem:s23+$0xFFFFFFF0] =	vst v27  }
0x40: {  	v40 =	vadd.s32 $0x1000, v3;
	v38 =	vld.idx.msk [tilespmem:v32+s3+$0x0], $0xffff;
	[tilespmem:s23+$0xFFFFFF90] =	vst v11  }
0x41: {  	v43 =	vadd.s32 $0x1000, v1;
	[tilespmem:s23+$0xFFFFFFA0] =	vst v12;
	v36 =	vld.idx.msk [tilespmem:v30+s3+$0x0], $0xffff  }
0x42: {  	v34 =	vadd.s32 $0xC00, v0;
	[tilespmem:s23+$0xFFFFFFB0] =	vst v14;
	v13 =	vld.idx.msk [tilespmem:v35+s3+$0x0], $0xffff  }
0x43: {  	v42 =	vadd.s32 $0x1000, v2;
	[tilespmem:s23+$0xFFFFFF80] =	vst v17;
	v16 =	vld.idx.msk [tilespmem:v37+s3+$0x0], $0xffff  }
0x44: {  	v18 =	vld.idx.msk [tilespmem:v39+s3+$0x0], $0xffff;
	[tilespmem:s23+$0xFFFFFF60] =	vst v8;
	v8 =	vadd.s32 $0x1400, v7  }
0x45: {  	v45 =	vadd.s32 $0x1400, v5;
	[tilespmem:s23+$0xFFFFFFD0] =	vst v9;
	v46 =	vld.idx.msk [tilespmem:v40+s3+$0x0], $0xffff  }
0x46: {  	v48 =	vadd.s32 $0x1400, v6;
	v50 =	vld.idx.msk [tilespmem:v43+s3+$0x0], $0xffff;
	[tilespmem:s23+$0xFFFFFFC0] =	vst v38  }
0x47: {  	v49 =	vadd.s32 $0x1400, v4;
	v41 =	vld.idx.msk [tilespmem:v34+s3+$0x0], $0xffff;
	[tilespmem:s23+$0x70] =	vst v36  }
0x48: {  	v44 =	vadd.s32 $0x1000, v0;
	v19 =	vld.idx.msk [tilespmem:v42+s3+$0x0], $0xffff;
	[tilespmem:s23+$0x10] =	vst v13  }
0x49: {  	v51 =	vadd.s32 $0x1400, v3;
	[tilespmem:s23+$0x20] =	vst v16;
	v8 =	vld.idx.msk [tilespmem:v8+s3+$0x0], $0xffff  }
0x4a: {  	v47 =	vadd.s32 $0x1800, v7;
	[tilespmem:s23+$0x0] =	vst v18;
	v17 =	vld.idx.msk [tilespmem:v45+s3+$0x0], $0xffff  }
0x4b: {  	v52 =	vadd.s32 $0x1400, v2;
	[tilespmem:s23+$0x30] =	vst v46;
	v11 =	vld.idx.msk [tilespmem:v48+s3+$0x0], $0xffff  }
0x4c: {  	v55 =	vadd.s32 $0x1800, v6;
	v54 =	vld.idx.msk [tilespmem:v49+s3+$0x0], $0xffff;
	[tilespmem:s23+$0xFFFFFFE0] =	vst v41  }
0x4d: {  	v56 =	vadd.s32 $0x1800, v5;
	[tilespmem:s23+$0x50] =	vst v50;
	v15 =	vld.idx.msk [tilespmem:v44+s3+$0x0], $0xffff  }
0x4e: {  	v53 =	vadd.s32 $0x1400, v0;
	v14 =	vld.idx.msk [tilespmem:v51+s3+$0x0], $0xffff;
	[tilespmem:s23+$0xF0] =	vst v8  }
0x4f: {  	[tilespmem:s23+$0x40] =	vst v19;
	v8 =	vadd.s32 $0x1400, v1;
	v9 =	vld.idx.msk [tilespmem:v47+s3+$0x0], $0xffff  }
0x50: {  	v7 =	vadd.s32 $0x1C00, v7;
	v16 =	vld.idx.msk [tilespmem:v52+s3+$0x0], $0xffff;
	[tilespmem:s23+$0x80] =	vst v11  }
0x51: {  	v57 =	vadd.s32 $0x1800, v4;
	[tilespmem:s23+$0x90] =	vst v17;
	v12 =	vld.idx.msk [tilespmem:v55+s3+$0x0], $0xffff  }
0x52: {  	v58 =	vadd.s32 $0x1800, v3;
	v13 =	vld.idx.msk [tilespmem:v56+s3+$0x0], $0xffff;
	[tilespmem:s23+$0x60] =	vst v15  }
0x53: {  	v59 =	vadd.s32 $0x1800, v2;
	[tilespmem:s23+$0xA0] =	vst v54;
	v18 =	vld.idx.msk [tilespmem:v53+s3+$0x0], $0xffff  }
0x54: {  	v6 =	vadd.s32 $0x1C00, v6;
	v8 =	vld.idx.msk [tilespmem:v8+s3+$0x0], $0xffff;
	[tilespmem:s23+$0x170] =	vst v9  }
0x55: {  	v60 =	vadd.s32 $0x1800, v1;
	[tilespmem:s23+$0xB0] =	vst v14;
	v7 =	vld.idx.msk [tilespmem:v7+s3+$0x0], $0xffff  }
0x56: {  	v61 =	vadd.s32 $0x1800, v0;
	v62 =	vld.idx.msk [tilespmem:v57+s3+$0x0], $0xffff;
	[tilespmem:s23+$0xC0] =	vst v16  }
0x57: {  	v5 =	vadd.s32 $0x1C00, v5;
	v63 =	vld.idx.msk [tilespmem:v58+s3+$0x0], $0xffff;
	[tilespmem:s23+$0x100] =	vst v12  }
0x58: {  	v3 =	vadd.s32 $0x1C00, v3;
	v9 =	vld.idx.msk [tilespmem:v59+s3+$0x0], $0xffff;
	[tilespmem:s23+$0xE0] =	vst v18  }
0x59: {  	v12 =	vld.idx.msk [tilespmem:v6+s3+$0x0], $0xffff;
	[tilespmem:s23+$0xD0] =	vst v8;
	v8 =	vadd.s32 $0x1C00, v4  }
0x5a: {  	v11 =	vld.idx.msk [tilespmem:v60+s3+$0x0], $0xffff;
	[tilespmem:s23+$0x1F0] =	vst v7;
	v7 =	vadd.s32 $0x1C00, v2  }
0x5b: {  	v1 =	vadd.s32 $0x1C00, v1;
	[tilespmem:s23+$0x110] =	vst v13;
	v10 =	vld.idx.msk [tilespmem:v61+s3+$0x0], $0xffff  }
0x5c: {  	v0 =	vadd.s32 $0x1C00, v0;
	[tilespmem:s23+$0x130] =	vst v63;
	v4 =	vld.idx.msk [tilespmem:v5+s3+$0x0], $0xffff  }
0x5d: {  	[tilespmem:s23+$0x120] =	vst v62;
	v2 =	vld.idx.msk [tilespmem:v3+s3+$0x0], $0xffff  }
0x5e: {  	[tilespmem:s23+$0x140] =	vst v9;
	v5 =	vld.idx.msk [tilespmem:v8+s3+$0x0], $0xffff  }
0x5f: {  	[tilespmem:s23+$0x150] =	vst v11;
	v6 =	vld.idx.msk [tilespmem:v7+s3+$0x0], $0xffff  }
0x60: {  	[tilespmem:s23+$0x160] =	vst v10;
	v3 =	vld.idx.msk [tilespmem:v1+s3+$0x0], $0xffff  }
0x61: {  	s24 =	simm.s32 $0x100C0;
	s22 =	simm.s32 $0x0;
	[tilespmem:s23+$0x180] =	vst v12;
	v1 =	vld.idx.msk [tilespmem:v0+s3+$0x0], $0xffff  }
.LBB2_3:
0x62: {  	v0 =	vld [tilespmem:s24+$0x30];
	s22 =	sadd.s32 $0x8, s22;
	[tilespmem:s23+$0x190] =	vst v4  }
0x63: {  	v7 =	vld [tilespmem:s24+$0xFFFFFFD0];
	p1 =	slt.u32 s22, $0x18;
	[tilespmem:s23+$0x1A0] =	vst v5  }
0x64: {  	v5 =	vld [tilespmem:s24+$0xFFFFFFE0];
	[tilespmem:s23+$0x1B0] =	vst v2  }
0x65: {  	v2 =	vld [tilespmem:s24+$0xFFFFFFF0];
	[tilespmem:s23+$0x1C0] =	vst v6  }
0x66: {  	v6 =	vld [tilespmem:s24+$0x0];
	[tilespmem:s23+$0x1D0] =	vst v3  }
0x67: {  	v3 =	vld [tilespmem:s24+$0x10];
	[tilespmem:s23+$0x1E0] =	vst v1  }
0x68: {  	v1 =	vadd.s32 $0x400, v7;
	v21 =	vadd.s32 $0x800, v7;
	v22 =	vadd.s32 $0xC00, v7;
	v23 =	vld [tilespmem:s24+$0x20]  }
0x69: {  	v4 =	vld [tilespmem:s24+$0xFFFFFFC0];
	v8 =	vadd.s32 $0x400, v5;
	v24 =	vadd.s32 $0x800, v5;
	v25 =	vadd.s32 $0xC00, v5  }
0x6a: {  	v9 =	vadd.s32 $0x400, v2;
	v26 =	vadd.s32 $0x800, v2;
	v27 =	vadd.s32 $0xC00, v2;
	v10 =	vld.idx.msk [tilespmem:v0+s3+$0x0], $0xffff  }
0x6b: {  	v11 =	vld.idx.msk [tilespmem:v7+s3+$0x0], $0xffff;
	v12 =	vadd.s32 $0x400, v6;
	v28 =	vadd.s32 $0x800, v6;
	v29 =	vadd.s32 $0xC00, v6  }
0x6c: {  	v14 =	vadd.s32 $0x400, v0;
	v13 =	vld.idx.msk [tilespmem:v5+s3+$0x0], $0xffff;
	v30 =	vadd.s32 $0x400, v3;
	v31 =	vadd.s32 $0x800, v3  }
0x6d: {  	v32 =	vadd.s32 $0xC00, v3;
	v16 =	vld.idx.msk [tilespmem:v2+s3+$0x0], $0xffff;
	v33 =	vadd.s32 $0x400, v23;
	v34 =	vadd.s32 $0x800, v23  }
0x6e: {  	v35 =	vadd.s32 $0x400, v4;
	v36 =	vadd.s32 $0x800, v4;
	v37 =	vadd.s32 $0xC00, v4;
	v20 =	vld.idx.msk [tilespmem:v6+s3+$0x0], $0xffff  }
0x6f: {  	s23 =	sadd.s32 $0x400, s23;
	v39 =	vadd.s32 $0x1000, v7;
	v41 =	vadd.s32 $0xC00, v23;
	v38 =	vadd.s32 $0x1000, v4;
	v40 =	vld.idx.msk [tilespmem:v3+s3+$0x0], $0xffff  }
0x70: {  	v42 =	vadd.s32 $0x1000, v5;
	v43 =	vadd.s32 $0x1000, v2;
	v44 =	vadd.s32 $0x1000, v6;
	v45 =	vld.idx.msk [tilespmem:v23+s3+$0x0], $0xffff;
	[tilespmem:s23+$0xFFFFFE70] =	vst v10  }
0x71: {  	v46 =	vadd.s32 $0x1000, v3;
	v47 =	vadd.s32 $0x1000, v23;
	v15 =	vadd.s32 $0x1400, v4;
	[tilespmem:s23+$0xFFFFFE10] =	vst v11;
	v48 =	vld.idx.msk [tilespmem:v14+s3+$0x0], $0xffff  }
0x72: {  	v50 =	vadd.s32 $0x1400, v7;
	v19 =	vadd.s32 $0x1400, v5;
	v17 =	vadd.s32 $0x1400, v2;
	v49 =	vld.idx.msk [tilespmem:v4+s3+$0x0], $0xffff;
	[tilespmem:s23+$0xFFFFFE20] =	vst v13  }
0x73: {  	v52 =	vadd.s32 $0x800, v0;
	v18 =	vadd.s32 $0x1400, v6;
	v51 =	vld.idx.msk [tilespmem:v1+s3+$0x0], $0xffff;
	[tilespmem:s23+$0xFFFFFE30] =	vst v16;
	v16 =	vadd.s32 $0x1400, v3  }
0x74: {  	v10 =	vadd.s32 $0x1800, v7;
	v13 =	vadd.s32 $0x1800, v4;
	v53 =	vld.idx.msk [tilespmem:v8+s3+$0x0], $0xffff;
	[tilespmem:s23+$0xFFFFFE40] =	vst v20;
	v20 =	vadd.s32 $0x1400, v23  }
0x75: {  	v14 =	vadd.s32 $0x1800, v5;
	v11 =	vadd.s32 $0x1800, v2;
	v8 =	vadd.s32 $0x1800, v6;
	v54 =	vld.idx.msk [tilespmem:v9+s3+$0x0], $0xffff;
	[tilespmem:s23+$0xFFFFFE50] =	vst v40  }
0x76: {  	v4 =	vadd.s32 $0x1C00, v4;
	v9 =	vadd.s32 $0x1800, v23;
	v40 =	vld.idx.msk [tilespmem:v12+s3+$0x0], $0xffff;
	v12 =	vadd.s32 $0x1800, v3;
	[tilespmem:s23+$0xFFFFFE60] =	vst v45  }
0x77: {  	v7 =	vadd.s32 $0x1C00, v7;
	v5 =	vadd.s32 $0x1C00, v5;
	v2 =	vadd.s32 $0x1C00, v2;
	v30 =	vld.idx.msk [tilespmem:v30+s3+$0x0], $0xffff;
	[tilespmem:s23+$0xFFFFFEF0] =	vst v48  }
0x78: {  	v1 =	vadd.s32 $0x1C00, v23;
	v6 =	vadd.s32 $0x1C00, v6;
	v3 =	vadd.s32 $0x1C00, v3;
	[tilespmem:s23+$0xFFFFFE00] =	vst v49;
	v23 =	vld.idx.msk [tilespmem:v52+s3+$0x0], $0xffff  }
0x79: {  	v35 =	vld.idx.msk [tilespmem:v35+s3+$0x0], $0xffff;
	[tilespmem:s23+$0xFFFFFE90] =	vst v51  }
0x7a: {  	v45 =	vadd.s32 $0xC00, v0;
	[tilespmem:s23+$0xFFFFFEA0] =	vst v53;
	v33 =	vld.idx.msk [tilespmem:v33+s3+$0x0], $0xffff  }
0x7b: {  	v21 =	vld.idx.msk [tilespmem:v21+s3+$0x0], $0xffff;
	[tilespmem:s23+$0xFFFFFEB0] =	vst v54  }
0x7c: {  	v24 =	vld.idx.msk [tilespmem:v24+s3+$0x0], $0xffff;
	[tilespmem:s23+$0xFFFFFEC0] =	vst v40  }
0x7d: {  	v26 =	vld.idx.msk [tilespmem:v26+s3+$0x0], $0xffff;
	[tilespmem:s23+$0xFFFFFED0] =	vst v30  }
0x7e: {  	v28 =	vld.idx.msk [tilespmem:v28+s3+$0x0], $0xffff;
	[tilespmem:s23+$0xFFFFFF70] =	vst v23  }
0x7f: {  	[tilespmem:s23+$0xFFFFFE80] =	vst v35;
	v23 =	vld.idx.msk [tilespmem:v45+s3+$0x0], $0xffff  }
0x80: {  	v30 =	vld.idx.msk [tilespmem:v36+s3+$0x0], $0xffff;
	[tilespmem:s23+$0xFFFFFEE0] =	vst v33  }
0x81: {  	[tilespmem:s23+$0xFFFFFF10] =	vst v21;
	v21 =	vld.idx.msk [tilespmem:v31+s3+$0x0], $0xffff;
	v31 =	vadd.s32 $0x1000, v0  }
0x82: {  	[tilespmem:s23+$0xFFFFFF20] =	vst v24;
	v24 =	vld.idx.msk [tilespmem:v34+s3+$0x0], $0xffff  }
0x83: {  	v22 =	vld.idx.msk [tilespmem:v22+s3+$0x0], $0xffff;
	[tilespmem:s23+$0xFFFFFF30] =	vst v26  }
0x84: {  	v25 =	vld.idx.msk [tilespmem:v25+s3+$0x0], $0xffff;
	[tilespmem:s23+$0xFFFFFF40] =	vst v28  }
0x85: {  	v26 =	vld.idx.msk [tilespmem:v27+s3+$0x0], $0xffff;
	[tilespmem:s23+$0xFFFFFFF0] =	vst v23  }
0x86: {  	[tilespmem:s23+$0xFFFFFF00] =	vst v30;
	v23 =	vld.idx.msk [tilespmem:v31+s3+$0x0], $0xffff  }
0x87: {  	v27 =	vld.idx.msk [tilespmem:v37+s3+$0x0], $0xffff;
	[tilespmem:s23+$0xFFFFFF50] =	vst v21  }
0x88: {  	v21 =	vld.idx.msk [tilespmem:v29+s3+$0x0], $0xffff;
	[tilespmem:s23+$0xFFFFFF60] =	vst v24;
	v24 =	vadd.s32 $0x1400, v0  }
0x89: {  	[tilespmem:s23+$0xFFFFFF90] =	vst v22;
	v22 =	vld.idx.msk [tilespmem:v32+s3+$0x0], $0xffff  }
0x8a: {  	[tilespmem:s23+$0xFFFFFFA0] =	vst v25;
	v25 =	vld.idx.msk [tilespmem:v41+s3+$0x0], $0xffff  }
0x8b: {  	v28 =	vld.idx.msk [tilespmem:v39+s3+$0x0], $0xffff;
	[tilespmem:s23+$0xFFFFFFB0] =	vst v26  }
0x8c: {  	v26 =	vld.idx.msk [tilespmem:v42+s3+$0x0], $0xffff;
	[tilespmem:s23+$0x70] =	vst v23  }
0x8d: {  	[tilespmem:s23+$0xFFFFFF80] =	vst v27;
	v23 =	vld.idx.msk [tilespmem:v24+s3+$0x0], $0xffff  }
0x8e: {  	v24 =	vld.idx.msk [tilespmem:v38+s3+$0x0], $0xffff;
	[tilespmem:s23+$0xFFFFFFC0] =	vst v21  }
0x8f: {  	v21 =	vld.idx.msk [tilespmem:v43+s3+$0x0], $0xffff;
	[tilespmem:s23+$0xFFFFFFD0] =	vst v22;
	v22 =	vadd.s32 $0x1800, v0  }
0x90: {  	v27 =	vld.idx.msk [tilespmem:v44+s3+$0x0], $0xffff;
	[tilespmem:s23+$0xFFFFFFE0] =	vst v25  }
0x91: {  	[tilespmem:s23+$0x10] =	vst v28;
	v25 =	vld.idx.msk [tilespmem:v46+s3+$0x0], $0xffff  }
0x92: {  	[tilespmem:s23+$0x20] =	vst v26;
	v26 =	vld.idx.msk [tilespmem:v47+s3+$0x0], $0xffff  }
0x93: {  	v28 =	vld.idx.msk [tilespmem:v50+s3+$0x0], $0xffff;
	[tilespmem:s23+$0xF0] =	vst v23  }
0x94: {  	[tilespmem:s23+$0x0] =	vst v24;
	v22 =	vld.idx.msk [tilespmem:v22+s3+$0x0], $0xffff  }
0x95: {  	v15 =	vld.idx.msk [tilespmem:v15+s3+$0x0], $0xffff;
	[tilespmem:s23+$0x30] =	vst v21  }
0x96: {  	v0 =	vadd.s32 $0x1C00, v0;
	v19 =	vld.idx.msk [tilespmem:v19+s3+$0x0], $0xffff;
	[tilespmem:s23+$0x40] =	vst v27  }
0x97: {  	v17 =	vld.idx.msk [tilespmem:v17+s3+$0x0], $0xffff;
	[tilespmem:s23+$0x50] =	vst v25  }
0x98: {  	v18 =	vld.idx.msk [tilespmem:v18+s3+$0x0], $0xffff;
	[tilespmem:s23+$0x60] =	vst v26  }
0x99: {  	[tilespmem:s23+$0x90] =	vst v28;
	v16 =	vld.idx.msk [tilespmem:v16+s3+$0x0], $0xffff  }
0x9a: {  	v20 =	vld.idx.msk [tilespmem:v20+s3+$0x0], $0xffff;
	[tilespmem:s23+$0x170] =	vst v22  }
0x9b: {  	[tilespmem:s23+$0x80] =	vst v15;
	v0 =	vld.idx.msk [tilespmem:v0+s3+$0x0], $0xffff  }
0x9c: {  	v13 =	vld.idx.msk [tilespmem:v13+s3+$0x0], $0xffff;
	[tilespmem:s23+$0xA0] =	vst v19  }
0x9d: {  	v10 =	vld.idx.msk [tilespmem:v10+s3+$0x0], $0xffff;
	[tilespmem:s23+$0xB0] =	vst v17  }
0x9e: {  	v14 =	vld.idx.msk [tilespmem:v14+s3+$0x0], $0xffff;
	[tilespmem:s23+$0xC0] =	vst v18  }
0x9f: {  	v11 =	vld.idx.msk [tilespmem:v11+s3+$0x0], $0xffff;
	[tilespmem:s23+$0xD0] =	vst v16  }
0xa0: {  	v8 =	vld.idx.msk [tilespmem:v8+s3+$0x0], $0xffff;
	[tilespmem:s23+$0xE0] =	vst v20  }
0xa1: {  	v12 =	vld.idx.msk [tilespmem:v12+s3+$0x0], $0xffff;
	[tilespmem:s23+$0x1F0] =	vst v0  }
0xa2: {  	[tilespmem:s23+$0x100] =	vst v13;
	v0 =	vld.idx.msk [tilespmem:v9+s3+$0x0], $0xffff  }
0xa3: {  	v9 =	vld.idx.msk [tilespmem:v4+s3+$0x0], $0xffff;
	[tilespmem:s23+$0x110] =	vst v10  }
0xa4: {  	v4 =	vld.idx.msk [tilespmem:v7+s3+$0x0], $0xffff;
	[tilespmem:s23+$0x120] =	vst v14  }
.Ltmp0:
0xa5: {  	v5 =	vld.idx.msk [tilespmem:v5+s3+$0x0], $0xffff;
	[tilespmem:s23+$0x130] =	vst v11;
	(pc) =	sbr.rel @p1 .LBB2_3-.Ltmp0, $4  }
0xa6: {  	v2 =	vld.idx.msk [tilespmem:v2+s3+$0x0], $0xffff;
	[tilespmem:s23+$0x140] =	vst v8  }
0xa7: {  	v6 =	vld.idx.msk [tilespmem:v6+s3+$0x0], $0xffff;
	[tilespmem:s23+$0x150] =	vst v12  }
0xa8: {  	v3 =	vld.idx.msk [tilespmem:v3+s3+$0x0], $0xffff;
	[tilespmem:s23+$0x160] =	vst v0  }
0xa9: {  	s24 =	sadd.s32 $0x80, s24;
	[tilespmem:s23+$0x180] =	vst v9;
	v1 =	vld.idx.msk [tilespmem:v1+s3+$0x0], $0xffff  }
0xaa: {  	[tilespmem:s23+$0x190] =	vst v4  }
0xab: {  	[tilespmem:s23+$0x1A0] =	vst v5  }
0xac: {  	[tilespmem:s23+$0x1B0] =	vst v2  }
0xad: {  	s22 =	sshll.u32 s21, $0x11;
	[tilespmem:s23+$0x1C0] =	vst v6  }
0xae: {  	s22 =	sor.u32 s6, s22;
	[tilespmem:s23+$0x1D0] =	vst v3  }
0xaf: {  	s30 =	sadd.s32 s2, s22;
	[tilespmem:s23+$0x1E0] =	vst v1;
	s23 =	simm.s32 @!p0 $0x1  }
0xb0: {  	[hbm4b:s30+s3] =	stream.linear.scatter [tilespmem:s17], [sflag:$0x1], $0x1000, $0x38;
	[tilespmem:$0x12200] =	vst v63  }
0xb1: {  	_ =	swait.ge @!p0 [sflag:s23], $0x1000  }
0xb2: {  	[sflag:s23] =	ssyncset.done @!p0 $0x0  }
0xb3: {  	s31 =	simm.s32 $0x10040;
	[sflag:s23] =	ssyncadd.s32 @!p0 $0xFFFFF000  }
0xb4: {  	v7 =	vld [tilespmem:s31+$0x30]  }
0xb5: {  	v5 =	vld [tilespmem:s31+$0xFFFFFFD0]  }
0xb6: {  	v4 =	vld [tilespmem:s31+$0xFFFFFFE0]  }
0xb7: {  	v3 =	vld [tilespmem:s31+$0xFFFFFFF0]  }
0xb8: {  	v2 =	vld [tilespmem:s31+$0x0]  }
0xb9: {  	v0 =	vld [tilespmem:s31+$0x10];
	v8 =	vadd.s32 $0x2000, v7  }
0xba: {  	v1 =	vld [tilespmem:s31+$0x20];
	v9 =	vadd.s32 $0x2000, v5  }
0xbb: {  	v6 =	vld [tilespmem:s31+$0xFFFFFFC0];
	v10 =	vadd.s32 $0x2000, v4  }
0xbc: {  	v11 =	vadd.s32 $0x2000, v3  }
0xbd: {  	v12 =	vadd.s32 $0x2000, v2  }
0xbe: {  	v13 =	vadd.s32 $0x2000, v0;
	v8 =	vld.idx.msk [tilespmem:v8+s3+$0x0], $0xffff  }
0xbf: {  	v14 =	vadd.s32 $0x2000, v1;
	v9 =	vld.idx.msk [tilespmem:v9+s3+$0x0], $0xffff  }
0xc0: {  	v16 =	vadd.s32 $0x2000, v6;
	v10 =	vld.idx.msk [tilespmem:v10+s3+$0x0], $0xffff  }
0xc1: {  	v15 =	vadd.s32 $0x2400, v7;
	v11 =	vld.idx.msk [tilespmem:v11+s3+$0x0], $0xffff  }
0xc2: {  	v17 =	vadd.s32 $0x2400, v5;
	v12 =	vld.idx.msk [tilespmem:v12+s3+$0x0], $0xffff  }
0xc3: {  	s23 =	simm.s32 $0x11400;
	v18 =	vadd.s32 $0x2400, v4;
	v13 =	vld.idx.msk [tilespmem:v13+s3+$0x0], $0xffff  }
0xc4: {  	v19 =	vadd.s32 $0x2400, v3;
	v14 =	vld.idx.msk [tilespmem:v14+s3+$0x0], $0xffff;
	[tilespmem:s23+$0xFFFFFE70] =	vst v8  }
0xc5: {  	v28 =	vadd.s32 $0x2400, v0;
	v16 =	vld.idx.msk [tilespmem:v16+s3+$0x0], $0xffff;
	[tilespmem:s23+$0xFFFFFE10] =	vst v9  }
0xc6: {  	v29 =	vadd.s32 $0x2400, v6;
	[tilespmem:s23+$0xFFFFFE20] =	vst v10;
	v9 =	vld.idx.msk [tilespmem:v15+s3+$0x0], $0xffff  }
0xc7: {  	v8 =	vadd.s32 $0x2400, v2;
	[tilespmem:s23+$0xFFFFFE30] =	vst v11;
	v10 =	vld.idx.msk [tilespmem:v17+s3+$0x0], $0xffff  }
0xc8: {  	v30 =	vadd.s32 $0x2400, v1;
	[tilespmem:s23+$0xFFFFFE40] =	vst v12;
	v18 =	vld.idx.msk [tilespmem:v18+s3+$0x0], $0xffff  }
0xc9: {  	v11 =	vadd.s32 $0x2800, v7;
	[tilespmem:s23+$0xFFFFFE50] =	vst v13;
	v19 =	vld.idx.msk [tilespmem:v19+s3+$0x0], $0xffff  }
0xca: {  	v31 =	vadd.s32 $0x2800, v5;
	[tilespmem:s23+$0xFFFFFE00] =	vst v16;
	v15 =	vld.idx.msk [tilespmem:v28+s3+$0x0], $0xffff  }
0xcb: {  	v32 =	vadd.s32 $0x2800, v4;
	[tilespmem:s23+$0xFFFFFE60] =	vst v14;
	v17 =	vld.idx.msk [tilespmem:v29+s3+$0x0], $0xffff  }
0xcc: {  	v35 =	vadd.s32 $0x2800, v6;
	v8 =	vld.idx.msk [tilespmem:v8+s3+$0x0], $0xffff;
	[tilespmem:s23+$0xFFFFFEF0] =	vst v9  }
0xcd: {  	v9 =	vadd.s32 $0x2800, v3;
	[tilespmem:s23+$0xFFFFFE90] =	vst v10;
	v10 =	vld.idx.msk [tilespmem:v30+s3+$0x0], $0xffff  }
0xce: {  	v33 =	vadd.s32 $0x2800, v2;
	[tilespmem:s23+$0xFFFFFEA0] =	vst v18;
	v11 =	vld.idx.msk [tilespmem:v11+s3+$0x0], $0xffff  }
0xcf: {  	v36 =	vadd.s32 $0x2800, v0;
	[tilespmem:s23+$0xFFFFFEB0] =	vst v19;
	v13 =	vld.idx.msk [tilespmem:v31+s3+$0x0], $0xffff  }
0xd0: {  	v34 =	vadd.s32 $0x2C00, v7;
	[tilespmem:s23+$0xFFFFFE80] =	vst v17;
	v14 =	vld.idx.msk [tilespmem:v32+s3+$0x0], $0xffff  }
0xd1: {  	v37 =	vadd.s32 $0x2C00, v5;
	[tilespmem:s23+$0xFFFFFED0] =	vst v15;
	v18 =	vld.idx.msk [tilespmem:v35+s3+$0x0], $0xffff  }
0xd2: {  	v40 =	vadd.s32 $0x2C00, v6;
	[tilespmem:s23+$0xFFFFFEC0] =	vst v8;
	v9 =	vld.idx.msk [tilespmem:v9+s3+$0x0], $0xffff  }
0xd3: {  	v8 =	vadd.s32 $0x2800, v1;
	v16 =	vld.idx.msk [tilespmem:v33+s3+$0x0], $0xffff;
	[tilespmem:s23+$0xFFFFFEE0] =	vst v10  }
0xd4: {  	v10 =	vld.idx.msk [tilespmem:v36+s3+$0x0], $0xffff;
	[tilespmem:s23+$0xFFFFFF70] =	vst v11;
	v11 =	vadd.s32 $0x2C00, v4  }
0xd5: {  	v38 =	vadd.s32 $0x2C00, v3;
	[tilespmem:s23+$0xFFFFFF10] =	vst v13;
	v12 =	vld.idx.msk [tilespmem:v34+s3+$0x0], $0xffff  }
0xd6: {  	v41 =	vadd.s32 $0x2C00, v2;
	[tilespmem:s23+$0xFFFFFF00] =	vst v18;
	v15 =	vld.idx.msk [tilespmem:v37+s3+$0x0], $0xffff  }
0xd7: {  	v39 =	vadd.s32 $0x3000, v7;
	[tilespmem:s23+$0xFFFFFF20] =	vst v14;
	v19 =	vld.idx.msk [tilespmem:v40+s3+$0x0], $0xffff  }
0xd8: {  	v43 =	vadd.s32 $0x3000, v5;
	v8 =	vld.idx.msk [tilespmem:v8+s3+$0x0], $0xffff;
	[tilespmem:s23+$0xFFFFFF30] =	vst v9  }
0xd9: {  	v45 =	vadd.s32 $0x3000, v6;
	[tilespmem:s23+$0xFFFFFF40] =	vst v16;
	v11 =	vld.idx.msk [tilespmem:v11+s3+$0x0], $0xffff  }
0xda: {  	v9 =	vadd.s32 $0x2C00, v0;
	[tilespmem:s23+$0xFFFFFF50] =	vst v10;
	v17 =	vld.idx.msk [tilespmem:v38+s3+$0x0], $0xffff  }
0xdb: {  	v42 =	vadd.s32 $0x2C00, v1;
	v10 =	vld.idx.msk [tilespmem:v41+s3+$0x0], $0xffff;
	[tilespmem:s23+$0xFFFFFFF0] =	vst v12  }
0xdc: {  	v44 =	vadd.s32 $0x3000, v4;
	[tilespmem:s23+$0xFFFFFF90] =	vst v15;
	v13 =	vld.idx.msk [tilespmem:v39+s3+$0x0], $0xffff  }
0xdd: {  	v46 =	vadd.s32 $0x3000, v3;
	[tilespmem:s23+$0xFFFFFF80] =	vst v19;
	v12 =	vld.idx.msk [tilespmem:v43+s3+$0x0], $0xffff  }
0xde: {  	v47 =	vadd.s32 $0x3000, v2;
	v14 =	vld.idx.msk [tilespmem:v45+s3+$0x0], $0xffff;
	[tilespmem:s23+$0xFFFFFF60] =	vst v8  }
0xdf: {  	v8 =	vadd.s32 $0x3400, v7;
	v9 =	vld.idx.msk [tilespmem:v9+s3+$0x0], $0xffff;
	[tilespmem:s23+$0xFFFFFFA0] =	vst v11  }
0xe0: {  	v50 =	vadd.s32 $0x3400, v5;
	v11 =	vld.idx.msk [tilespmem:v42+s3+$0x0], $0xffff;
	[tilespmem:s23+$0xFFFFFFB0] =	vst v17  }
0xe1: {  	v51 =	vadd.s32 $0x3400, v6;
	[tilespmem:s23+$0xFFFFFFC0] =	vst v10;
	v18 =	vld.idx.msk [tilespmem:v44+s3+$0x0], $0xffff  }
0xe2: {  	v48 =	vadd.s32 $0x3000, v0;
	v10 =	vld.idx.msk [tilespmem:v46+s3+$0x0], $0xffff;
	[tilespmem:s23+$0x70] =	vst v13  }
0xe3: {  	v49 =	vadd.s32 $0x3000, v1;
	v16 =	vld.idx.msk [tilespmem:v47+s3+$0x0], $0xffff;
	[tilespmem:s23+$0x10] =	vst v12  }
0xe4: {  	v53 =	vadd.s32 $0x3400, v3;
	[tilespmem:s23+$0x0] =	vst v14;
	v8 =	vld.idx.msk [tilespmem:v8+s3+$0x0], $0xffff  }
0xe5: {  	v54 =	vadd.s32 $0x3400, v2;
	v19 =	vld.idx.msk [tilespmem:v50+s3+$0x0], $0xffff;
	[tilespmem:s23+$0xFFFFFFD0] =	vst v9  }
0xe6: {  	v15 =	vld.idx.msk [tilespmem:v51+s3+$0x0], $0xffff;
	v9 =	vadd.s32 $0x3800, v7;
	[tilespmem:s23+$0xFFFFFFE0] =	vst v11  }
0xe7: {  	v57 =	vadd.s32 $0x3800, v5;
	v52 =	vld.idx.msk [tilespmem:v48+s3+$0x0], $0xffff;
	[tilespmem:s23+$0x20] =	vst v18  }
0xe8: {  	v11 =	vadd.s32 $0x3400, v4;
	v13 =	vld.idx.msk [tilespmem:v49+s3+$0x0], $0xffff;
	[tilespmem:s23+$0x30] =	vst v10  }
0xe9: {  	v55 =	vadd.s32 $0x3400, v1;
	[tilespmem:s23+$0x40] =	vst v16;
	v56 =	vld.idx.msk [tilespmem:v53+s3+$0x0], $0xffff  }
0xea: {  	v58 =	vld.idx.msk [tilespmem:v54+s3+$0x0], $0xffff;
	[tilespmem:s23+$0xF0] =	vst v8;
	v8 =	vadd.s32 $0x3400, v0  }
0xeb: {  	v60 =	vadd.s32 $0x3800, v3;
	[tilespmem:s23+$0x90] =	vst v19;
	v9 =	vld.idx.msk [tilespmem:v9+s3+$0x0], $0xffff  }
0xec: {  	v7 =	vadd.s32 $0x3C00, v7;
	[tilespmem:s23+$0x80] =	vst v15;
	v12 =	vld.idx.msk [tilespmem:v57+s3+$0x0], $0xffff  }
0xed: {  	v10 =	vld.idx.msk [tilespmem:v11+s3+$0x0], $0xffff;
	v11 =	vadd.s32 $0x3800, v6;
	[tilespmem:s23+$0x60] =	vst v13  }
0xee: {  	v5 =	vadd.s32 $0x3C00, v5;
	[tilespmem:s23+$0x50] =	vst v52;
	v14 =	vld.idx.msk [tilespmem:v55+s3+$0x0], $0xffff  }
0xef: {  	v59 =	vadd.s32 $0x3800, v4;
	[tilespmem:s23+$0xB0] =	vst v56;
	v8 =	vld.idx.msk [tilespmem:v8+s3+$0x0], $0xffff  }
0xf0: {  	v16 =	vld.idx.msk [tilespmem:v60+s3+$0x0], $0xffff;
	[tilespmem:s23+$0x170] =	vst v9;
	v9 =	vadd.s32 $0x3800, v2  }
0xf1: {  	v61 =	vadd.s32 $0x3800, v0;
	[tilespmem:s23+$0x110] =	vst v12;
	v7 =	vld.idx.msk [tilespmem:v7+s3+$0x0], $0xffff  }
0xf2: {  	v11 =	vld.idx.msk [tilespmem:v11+s3+$0x0], $0xffff;
	[tilespmem:s23+$0xA0] =	vst v10;
	v10 =	vadd.s32 $0x3800, v1  }
0xf3: {  	v6 =	vadd.s32 $0x3C00, v6;
	[tilespmem:s23+$0xC0] =	vst v58;
	v5 =	vld.idx.msk [tilespmem:v5+s3+$0x0], $0xffff  }
0xf4: {  	v62 =	vadd.s32 $0x3C00, v3;
	v13 =	vld.idx.msk [tilespmem:v59+s3+$0x0], $0xffff;
	[tilespmem:s23+$0xE0] =	vst v14  }
0xf5: {  	v4 =	vadd.s32 $0x3C00, v4;
	[tilespmem:s23+$0xD0] =	vst v8;
	v9 =	vld.idx.msk [tilespmem:v9+s3+$0x0], $0xffff  }
0xf6: {  	v63 =	vadd.s32 $0x3C00, v2;
	[tilespmem:s23+$0x130] =	vst v16;
	v15 =	vld.idx.msk [tilespmem:v61+s3+$0x0], $0xffff  }
0xf7: {  	[tilespmem:s23+$0x100] =	vst v11;
	v8 =	vld.idx.msk [tilespmem:v10+s3+$0x0], $0xffff  }
0xf8: {  	[tilespmem:s23+$0x1F0] =	vst v7;
	v7 =	vld.idx.msk [tilespmem:v6+s3+$0x0], $0xffff  }
0xf9: {  	[tilespmem:s23+$0x120] =	vst v13;
	v6 =	vld.idx.msk [tilespmem:v62+s3+$0x0], $0xffff  }
0xfa: {  	v3 =	vld.idx.msk [tilespmem:v4+s3+$0x0], $0xffff;
	[tilespmem:s23+$0x140] =	vst v9  }
0xfb: {  	s24 =	simm.s32 $0x0;
	s25 =	simm.s32 $0x100C0;
	v2 =	vadd.s32 $0x3C00, v0;
	v1 =	vadd.s32 $0x3C00, v1;
	[tilespmem:s23+$0x150] =	vst v15;
	v4 =	vld.idx.msk [tilespmem:v63+s3+$0x0], $0xffff  }
.LBB2_5:
0xfc: {  	v0 =	vld [tilespmem:s25+$0x30];
	s24 =	sadd.s32 $0x8, s24;
	[tilespmem:s23+$0x160] =	vst v8  }
0xfd: {  	v21 =	vld [tilespmem:s25+$0xFFFFFFD0];
	p0 =	slt.u32 s24, $0x18;
	[tilespmem:s23+$0x180] =	vst v7  }
0xfe: {  	v22 =	vld [tilespmem:s25+$0xFFFFFFE0];
	[tilespmem:s23+$0x190] =	vst v5  }
0xff: {  	v23 =	vld [tilespmem:s25+$0xFFFFFFF0];
	[tilespmem:s23+$0x1A0] =	vst v3  }
0x100: {  	v24 =	vld [tilespmem:s25+$0x0];
	[tilespmem:s23+$0x1B0] =	vst v6  }
0x101: {  	v25 =	vld [tilespmem:s25+$0x10];
	v3 =	vadd.s32 $0x2000, v0;
	[tilespmem:s23+$0x1C0] =	vst v4  }
0x102: {  	v4 =	vadd.s32 $0x2000, v21;
	v5 =	vadd.s32 $0x2400, v21;
	v26 =	vadd.s32 $0x2800, v21;
	v27 =	vld [tilespmem:s25+$0x20]  }
0x103: {  	v6 =	vld [tilespmem:s25+$0xFFFFFFC0];
	v7 =	vadd.s32 $0x2000, v22;
	v8 =	vadd.s32 $0x2400, v22;
	v28 =	vadd.s32 $0x2800, v22  }
0x104: {  	v9 =	vadd.s32 $0x2000, v23;
	v11 =	vadd.s32 $0x2400, v23;
	v29 =	vadd.s32 $0x2800, v23;
	v2 =	vld.idx.msk [tilespmem:v2+s3+$0x0], $0xffff  }
0x105: {  	v10 =	vadd.s32 $0x2000, v24;
	v13 =	vadd.s32 $0x2400, v24;
	v30 =	vadd.s32 $0x2800, v24;
	v1 =	vld.idx.msk [tilespmem:v1+s3+$0x0], $0xffff  }
0x106: {  	v12 =	vadd.s32 $0x2000, v25;
	v31 =	vadd.s32 $0x2400, v25;
	v32 =	vadd.s32 $0x2800, v25;
	v3 =	vld.idx.msk [tilespmem:v3+s3+$0x0], $0xffff  }
0x107: {  	v4 =	vld.idx.msk [tilespmem:v4+s3+$0x0], $0xffff;
	v14 =	vadd.s32 $0x2000, v27;
	v33 =	vadd.s32 $0x2400, v27;
	v34 =	vadd.s32 $0x2800, v27  }
0x108: {  	v16 =	vadd.s32 $0x2400, v0;
	v15 =	vadd.s32 $0x2000, v6;
	v35 =	vadd.s32 $0x2400, v6;
	v7 =	vld.idx.msk [tilespmem:v7+s3+$0x0], $0xffff  }
0x109: {  	v38 =	vadd.s32 $0x2C00, v21;
	v36 =	vadd.s32 $0x2800, v6;
	v37 =	vadd.s32 $0x2C00, v6;
	v9 =	vld.idx.msk [tilespmem:v9+s3+$0x0], $0xffff  }
0x10a: {  	v39 =	vadd.s32 $0x2C00, v22;
	v40 =	vadd.s32 $0x2C00, v23;
	v41 =	vadd.s32 $0x2C00, v24;
	v20 =	vld.idx.msk [tilespmem:v10+s3+$0x0], $0xffff;
	[tilespmem:s23+$0x1D0] =	vst v2  }
0x10b: {  	v43 =	vadd.s32 $0x2C00, v25;
	v44 =	vadd.s32 $0x2C00, v27;
	v42 =	vadd.s32 $0x3000, v6;
	v2 =	vld.idx.msk [tilespmem:v12+s3+$0x0], $0xffff;
	[tilespmem:s23+$0x1E0] =	vst v1;
	s23 =	sadd.s32 $0x400, s23  }
0x10c: {  	v45 =	vadd.s32 $0x3000, v21;
	v46 =	vadd.s32 $0x3000, v22;
	v47 =	vadd.s32 $0x3000, v23;
	v1 =	vld.idx.msk [tilespmem:v14+s3+$0x0], $0xffff;
	[tilespmem:s23+$0xFFFFFE70] =	vst v3  }
0x10d: {  	v48 =	vadd.s32 $0x3000, v24;
	v49 =	vadd.s32 $0x3000, v25;
	v50 =	vadd.s32 $0x3000, v27;
	[tilespmem:s23+$0xFFFFFE10] =	vst v4;
	v4 =	vld.idx.msk [tilespmem:v16+s3+$0x0], $0xffff  }
0x10e: {  	v52 =	vadd.s32 $0x3400, v21;
	v18 =	vadd.s32 $0x3400, v22;
	v17 =	vadd.s32 $0x3400, v6;
	v51 =	vld.idx.msk [tilespmem:v15+s3+$0x0], $0xffff;
	[tilespmem:s23+$0xFFFFFE20] =	vst v7  }
0x10f: {  	v54 =	vadd.s32 $0x2800, v0;
	v19 =	vadd.s32 $0x3400, v23;
	v15 =	vadd.s32 $0x3400, v24;
	v53 =	vld.idx.msk [tilespmem:v5+s3+$0x0], $0xffff;
	[tilespmem:s23+$0xFFFFFE30] =	vst v9  }
0x110: {  	v10 =	vadd.s32 $0x3800, v6;
	v16 =	vadd.s32 $0x3400, v27;
	v55 =	vld.idx.msk [tilespmem:v8+s3+$0x0], $0xffff;
	[tilespmem:s23+$0xFFFFFE40] =	vst v20;
	v20 =	vadd.s32 $0x3400, v25  }
0x111: {  	v12 =	vadd.s32 $0x3800, v22;
	v14 =	vadd.s32 $0x3800, v21;
	v56 =	vld.idx.msk [tilespmem:v11+s3+$0x0], $0xffff;
	v11 =	vadd.s32 $0x3800, v23;
	[tilespmem:s23+$0xFFFFFE50] =	vst v2  }
0x112: {  	v9 =	vadd.s32 $0x3800, v25;
	v8 =	vadd.s32 $0x3800, v27;
	v57 =	vld.idx.msk [tilespmem:v13+s3+$0x0], $0xffff;
	v13 =	vadd.s32 $0x3800, v24;
	[tilespmem:s23+$0xFFFFFE60] =	vst v1  }
0x113: {  	v3 =	vadd.s32 $0x3C00, v22;
	v7 =	vadd.s32 $0x3C00, v6;
	v5 =	vadd.s32 $0x3C00, v21;
	v21 =	vld.idx.msk [tilespmem:v31+s3+$0x0], $0xffff;
	[tilespmem:s23+$0xFFFFFEF0] =	vst v4  }
0x114: {  	v6 =	vadd.s32 $0x3C00, v23;
	v2 =	vadd.s32 $0x3C00, v25;
	v4 =	vadd.s32 $0x3C00, v24;
	[tilespmem:s23+$0xFFFFFE00] =	vst v51;
	v22 =	vld.idx.msk [tilespmem:v54+s3+$0x0], $0xffff  }
0x115: {  	v1 =	vadd.s32 $0x3C00, v27;
	v23 =	vld.idx.msk [tilespmem:v35+s3+$0x0], $0xffff;
	[tilespmem:s23+$0xFFFFFE90] =	vst v53  }
0x116: {  	v25 =	vadd.s32 $0x2C00, v0;
	[tilespmem:s23+$0xFFFFFEA0] =	vst v55;
	v24 =	vld.idx.msk [tilespmem:v33+s3+$0x0], $0xffff  }
0x117: {  	v26 =	vld.idx.msk [tilespmem:v26+s3+$0x0], $0xffff;
	[tilespmem:s23+$0xFFFFFEB0] =	vst v56  }
0x118: {  	v27 =	vld.idx.msk [tilespmem:v28+s3+$0x0], $0xffff;
	[tilespmem:s23+$0xFFFFFEC0] =	vst v57  }
0x119: {  	v28 =	vld.idx.msk [tilespmem:v29+s3+$0x0], $0xffff;
	[tilespmem:s23+$0xFFFFFED0] =	vst v21  }
0x11a: {  	v21 =	vld.idx.msk [tilespmem:v30+s3+$0x0], $0xffff;
	[tilespmem:s23+$0xFFFFFF70] =	vst v22  }
0x11b: {  	[tilespmem:s23+$0xFFFFFE80] =	vst v23;
	v22 =	vld.idx.msk [tilespmem:v25+s3+$0x0], $0xffff  }
0x11c: {  	v23 =	vld.idx.msk [tilespmem:v36+s3+$0x0], $0xffff;
	[tilespmem:s23+$0xFFFFFEE0] =	vst v24  }
0x11d: {  	v25 =	vadd.s32 $0x3000, v0;
	[tilespmem:s23+$0xFFFFFF10] =	vst v26;
	v24 =	vld.idx.msk [tilespmem:v32+s3+$0x0], $0xffff  }
0x11e: {  	[tilespmem:s23+$0xFFFFFF20] =	vst v27;
	v26 =	vld.idx.msk [tilespmem:v34+s3+$0x0], $0xffff  }
0x11f: {  	v27 =	vld.idx.msk [tilespmem:v38+s3+$0x0], $0xffff;
	[tilespmem:s23+$0xFFFFFF30] =	vst v28  }
0x120: {  	v28 =	vld.idx.msk [tilespmem:v39+s3+$0x0], $0xffff;
	[tilespmem:s23+$0xFFFFFF40] =	vst v21  }
0x121: {  	v21 =	vld.idx.msk [tilespmem:v40+s3+$0x0], $0xffff;
	[tilespmem:s23+$0xFFFFFFF0] =	vst v22  }
0x122: {  	[tilespmem:s23+$0xFFFFFF00] =	vst v23;
	v22 =	vld.idx.msk [tilespmem:v25+s3+$0x0], $0xffff  }
0x123: {  	v23 =	vld.idx.msk [tilespmem:v37+s3+$0x0], $0xffff;
	[tilespmem:s23+$0xFFFFFF50] =	vst v24  }
0x124: {  	v25 =	vadd.s32 $0x3400, v0;
	v24 =	vld.idx.msk [tilespmem:v41+s3+$0x0], $0xffff;
	[tilespmem:s23+$0xFFFFFF60] =	vst v26  }
0x125: {  	[tilespmem:s23+$0xFFFFFF90] =	vst v27;
	v26 =	vld.idx.msk [tilespmem:v43+s3+$0x0], $0xffff  }
0x126: {  	[tilespmem:s23+$0xFFFFFFA0] =	vst v28;
	v27 =	vld.idx.msk [tilespmem:v44+s3+$0x0], $0xffff  }
0x127: {  	v28 =	vld.idx.msk [tilespmem:v45+s3+$0x0], $0xffff;
	[tilespmem:s23+$0xFFFFFFB0] =	vst v21  }
0x128: {  	v21 =	vld.idx.msk [tilespmem:v46+s3+$0x0], $0xffff;
	[tilespmem:s23+$0x70] =	vst v22  }
0x129: {  	[tilespmem:s23+$0xFFFFFF80] =	vst v23;
	v22 =	vld.idx.msk [tilespmem:v25+s3+$0x0], $0xffff  }
0x12a: {  	v23 =	vld.idx.msk [tilespmem:v42+s3+$0x0], $0xffff;
	[tilespmem:s23+$0xFFFFFFC0] =	vst v24  }
0x12b: {  	v25 =	vadd.s32 $0x3800, v0;
	v24 =	vld.idx.msk [tilespmem:v47+s3+$0x0], $0xffff;
	[tilespmem:s23+$0xFFFFFFD0] =	vst v26  }
0x12c: {  	v26 =	vld.idx.msk [tilespmem:v48+s3+$0x0], $0xffff;
	[tilespmem:s23+$0xFFFFFFE0] =	vst v27  }
0x12d: {  	[tilespmem:s23+$0x10] =	vst v28;
	v27 =	vld.idx.msk [tilespmem:v49+s3+$0x0], $0xffff  }
0x12e: {  	[tilespmem:s23+$0x20] =	vst v21;
	v21 =	vld.idx.msk [tilespmem:v50+s3+$0x0], $0xffff  }
0x12f: {  	v28 =	vld.idx.msk [tilespmem:v52+s3+$0x0], $0xffff;
	[tilespmem:s23+$0xF0] =	vst v22  }
0x130: {  	[tilespmem:s23+$0x0] =	vst v23;
	v22 =	vld.idx.msk [tilespmem:v25+s3+$0x0], $0xffff  }
0x131: {  	v17 =	vld.idx.msk [tilespmem:v17+s3+$0x0], $0xffff;
	[tilespmem:s23+$0x30] =	vst v24  }
0x132: {  	v0 =	vadd.s32 $0x3C00, v0;
	v18 =	vld.idx.msk [tilespmem:v18+s3+$0x0], $0xffff;
	[tilespmem:s23+$0x40] =	vst v26  }
0x133: {  	v19 =	vld.idx.msk [tilespmem:v19+s3+$0x0], $0xffff;
	[tilespmem:s23+$0x50] =	vst v27  }
0x134: {  	v15 =	vld.idx.msk [tilespmem:v15+s3+$0x0], $0xffff;
	[tilespmem:s23+$0x60] =	vst v21  }
0x135: {  	[tilespmem:s23+$0x90] =	vst v28;
	v20 =	vld.idx.msk [tilespmem:v20+s3+$0x0], $0xffff  }
0x136: {  	v16 =	vld.idx.msk [tilespmem:v16+s3+$0x0], $0xffff;
	[tilespmem:s23+$0x170] =	vst v22  }
0x137: {  	[tilespmem:s23+$0x80] =	vst v17;
	v0 =	vld.idx.msk [tilespmem:v0+s3+$0x0], $0xffff  }
0x138: {  	v10 =	vld.idx.msk [tilespmem:v10+s3+$0x0], $0xffff;
	[tilespmem:s23+$0xA0] =	vst v18  }
0x139: {  	v14 =	vld.idx.msk [tilespmem:v14+s3+$0x0], $0xffff;
	[tilespmem:s23+$0xB0] =	vst v19  }
0x13a: {  	v12 =	vld.idx.msk [tilespmem:v12+s3+$0x0], $0xffff;
	[tilespmem:s23+$0xC0] =	vst v15  }
0x13b: {  	v11 =	vld.idx.msk [tilespmem:v11+s3+$0x0], $0xffff;
	[tilespmem:s23+$0xD0] =	vst v20  }
0x13c: {  	v13 =	vld.idx.msk [tilespmem:v13+s3+$0x0], $0xffff;
	[tilespmem:s23+$0xE0] =	vst v16  }
0x13d: {  	v9 =	vld.idx.msk [tilespmem:v9+s3+$0x0], $0xffff;
	[tilespmem:s23+$0x1F0] =	vst v0  }
0x13e: {  	[tilespmem:s23+$0x100] =	vst v10;
	v8 =	vld.idx.msk [tilespmem:v8+s3+$0x0], $0xffff  }
.Ltmp1:
0x13f: {  	v7 =	vld.idx.msk [tilespmem:v7+s3+$0x0], $0xffff;
	[tilespmem:s23+$0x110] =	vst v14;
	(pc) =	sbr.rel @p0 .LBB2_5-.Ltmp1, $4  }
0x140: {  	v5 =	vld.idx.msk [tilespmem:v5+s3+$0x0], $0xffff;
	[tilespmem:s23+$0x120] =	vst v12  }
0x141: {  	v3 =	vld.idx.msk [tilespmem:v3+s3+$0x0], $0xffff;
	[tilespmem:s23+$0x130] =	vst v11  }
0x142: {  	v6 =	vld.idx.msk [tilespmem:v6+s3+$0x0], $0xffff;
	[tilespmem:s23+$0x140] =	vst v13  }
0x143: {  	s25 =	sadd.s32 $0x80, s25;
	v4 =	vld.idx.msk [tilespmem:v4+s3+$0x0], $0xffff;
	[tilespmem:s23+$0x150] =	vst v9  }
0x144: {  	_ =	sdelay $0x2  }
0x145: {  	[tilespmem:s23+$0x160] =	vst v8  }
0x146: {  	[tilespmem:s23+$0x180] =	vst v7;
	v0 =	vld.idx.msk [tilespmem:v2+s3+$0x0], $0xffff  }
0x147: {  	[tilespmem:s23+$0x190] =	vst v5;
	v1 =	vld.idx.msk [tilespmem:v1+s3+$0x0], $0xffff  }
0x148: {  	[tilespmem:s23+$0x1A0] =	vst v3  }
0x149: {  	[tilespmem:s23+$0x1B0] =	vst v6  }
0x14a: {  	[tilespmem:s23+$0x1C0] =	vst v4  }
0x14b: {  	[tilespmem:s23+$0x1D0] =	vst v0  }
0x14c: {  	s30 =	sadd.s32 s22, s7;
	[tilespmem:s23+$0x1E0] =	vst v1  }
0x14d: {  	[hbm4b:s30+s3] =	stream.linear.scatter [tilespmem:s18], [sflag:$0x1], $0x1000, $0x38;
	[tilespmem:$0x12200] =	vst v63  }
0x14e: {  	_ =	swait.ge [sflag:s19], $0x1000  }
0x14f: {  	[sflag:s19] =	ssyncset.done $0x0  }
0x150: {  	s31 =	simm.s32 $0x10040;
	[sflag:s19] =	ssyncadd.s32 $0xFFFFF000  }
0x151: {  	v7 =	vld [tilespmem:s31+$0x30]  }
0x152: {  	v5 =	vld [tilespmem:s31+$0xFFFFFFD0]  }
0x153: {  	v4 =	vld [tilespmem:s31+$0xFFFFFFE0]  }
0x154: {  	v3 =	vld [tilespmem:s31+$0xFFFFFFF0]  }
0x155: {  	v2 =	vld [tilespmem:s31+$0x0]  }
0x156: {  	v0 =	vld [tilespmem:s31+$0x10];
	v8 =	vadd.s32 $0x4000, v7  }
0x157: {  	v1 =	vld [tilespmem:s31+$0x20];
	v9 =	vadd.s32 $0x4000, v5  }
0x158: {  	v6 =	vld [tilespmem:s31+$0xFFFFFFC0];
	v10 =	vadd.s32 $0x4000, v4  }
0x159: {  	v11 =	vadd.s32 $0x4000, v3  }
0x15a: {  	v12 =	vadd.s32 $0x4000, v2  }
0x15b: {  	v13 =	vadd.s32 $0x4000, v0;
	v8 =	vld.idx.msk [tilespmem:v8+s3+$0x0], $0xffff  }
0x15c: {  	v14 =	vadd.s32 $0x4000, v1;
	v9 =	vld.idx.msk [tilespmem:v9+s3+$0x0], $0xffff  }
0x15d: {  	v16 =	vadd.s32 $0x4000, v6;
	v10 =	vld.idx.msk [tilespmem:v10+s3+$0x0], $0xffff  }
0x15e: {  	v15 =	vadd.s32 $0x4400, v7;
	v11 =	vld.idx.msk [tilespmem:v11+s3+$0x0], $0xffff  }
0x15f: {  	v17 =	vadd.s32 $0x4400, v5;
	v12 =	vld.idx.msk [tilespmem:v12+s3+$0x0], $0xffff  }
0x160: {  	s23 =	simm.s32 $0x10400;
	v18 =	vadd.s32 $0x4400, v4;
	v13 =	vld.idx.msk [tilespmem:v13+s3+$0x0], $0xffff  }
0x161: {  	v19 =	vadd.s32 $0x4400, v3;
	v14 =	vld.idx.msk [tilespmem:v14+s3+$0x0], $0xffff;
	[tilespmem:s23+$0xFFFFFE70] =	vst v8  }
0x162: {  	v28 =	vadd.s32 $0x4400, v0;
	v16 =	vld.idx.msk [tilespmem:v16+s3+$0x0], $0xffff;
	[tilespmem:s23+$0xFFFFFE10] =	vst v9  }
0x163: {  	v29 =	vadd.s32 $0x4400, v6;
	[tilespmem:s23+$0xFFFFFE20] =	vst v10;
	v9 =	vld.idx.msk [tilespmem:v15+s3+$0x0], $0xffff  }
0x164: {  	v8 =	vadd.s32 $0x4400, v2;
	[tilespmem:s23+$0xFFFFFE30] =	vst v11;
	v10 =	vld.idx.msk [tilespmem:v17+s3+$0x0], $0xffff  }
0x165: {  	v30 =	vadd.s32 $0x4400, v1;
	[tilespmem:s23+$0xFFFFFE40] =	vst v12;
	v18 =	vld.idx.msk [tilespmem:v18+s3+$0x0], $0xffff  }
0x166: {  	v11 =	vadd.s32 $0x4800, v7;
	[tilespmem:s23+$0xFFFFFE50] =	vst v13;
	v19 =	vld.idx.msk [tilespmem:v19+s3+$0x0], $0xffff  }
0x167: {  	v31 =	vadd.s32 $0x4800, v5;
	[tilespmem:s23+$0xFFFFFE00] =	vst v16;
	v15 =	vld.idx.msk [tilespmem:v28+s3+$0x0], $0xffff  }
0x168: {  	v32 =	vadd.s32 $0x4800, v4;
	[tilespmem:s23+$0xFFFFFE60] =	vst v14;
	v17 =	vld.idx.msk [tilespmem:v29+s3+$0x0], $0xffff  }
0x169: {  	v35 =	vadd.s32 $0x4800, v6;
	v8 =	vld.idx.msk [tilespmem:v8+s3+$0x0], $0xffff;
	[tilespmem:s23+$0xFFFFFEF0] =	vst v9  }
0x16a: {  	v9 =	vadd.s32 $0x4800, v3;
	[tilespmem:s23+$0xFFFFFE90] =	vst v10;
	v10 =	vld.idx.msk [tilespmem:v30+s3+$0x0], $0xffff  }
0x16b: {  	v33 =	vadd.s32 $0x4800, v2;
	[tilespmem:s23+$0xFFFFFEA0] =	vst v18;
	v11 =	vld.idx.msk [tilespmem:v11+s3+$0x0], $0xffff  }
0x16c: {  	v36 =	vadd.s32 $0x4800, v0;
	[tilespmem:s23+$0xFFFFFEB0] =	vst v19;
	v13 =	vld.idx.msk [tilespmem:v31+s3+$0x0], $0xffff  }
0x16d: {  	v34 =	vadd.s32 $0x4C00, v7;
	[tilespmem:s23+$0xFFFFFE80] =	vst v17;
	v14 =	vld.idx.msk [tilespmem:v32+s3+$0x0], $0xffff  }
0x16e: {  	v37 =	vadd.s32 $0x4C00, v5;
	[tilespmem:s23+$0xFFFFFED0] =	vst v15;
	v18 =	vld.idx.msk [tilespmem:v35+s3+$0x0], $0xffff  }
0x16f: {  	v40 =	vadd.s32 $0x4C00, v6;
	[tilespmem:s23+$0xFFFFFEC0] =	vst v8;
	v9 =	vld.idx.msk [tilespmem:v9+s3+$0x0], $0xffff  }
0x170: {  	v8 =	vadd.s32 $0x4800, v1;
	v16 =	vld.idx.msk [tilespmem:v33+s3+$0x0], $0xffff;
	[tilespmem:s23+$0xFFFFFEE0] =	vst v10  }
0x171: {  	v10 =	vld.idx.msk [tilespmem:v36+s3+$0x0], $0xffff;
	[tilespmem:s23+$0xFFFFFF70] =	vst v11;
	v11 =	vadd.s32 $0x4C00, v4  }
0x172: {  	v38 =	vadd.s32 $0x4C00, v3;
	[tilespmem:s23+$0xFFFFFF10] =	vst v13;
	v12 =	vld.idx.msk [tilespmem:v34+s3+$0x0], $0xffff  }
0x173: {  	v41 =	vadd.s32 $0x4C00, v2;
	[tilespmem:s23+$0xFFFFFF00] =	vst v18;
	v15 =	vld.idx.msk [tilespmem:v37+s3+$0x0], $0xffff  }
0x174: {  	v39 =	vadd.s32 $0x5000, v7;
	[tilespmem:s23+$0xFFFFFF20] =	vst v14;
	v19 =	vld.idx.msk [tilespmem:v40+s3+$0x0], $0xffff  }
0x175: {  	v43 =	vadd.s32 $0x5000, v5;
	v8 =	vld.idx.msk [tilespmem:v8+s3+$0x0], $0xffff;
	[tilespmem:s23+$0xFFFFFF30] =	vst v9  }
0x176: {  	v45 =	vadd.s32 $0x5000, v6;
	[tilespmem:s23+$0xFFFFFF40] =	vst v16;
	v11 =	vld.idx.msk [tilespmem:v11+s3+$0x0], $0xffff  }
0x177: {  	v9 =	vadd.s32 $0x4C00, v0;
	[tilespmem:s23+$0xFFFFFF50] =	vst v10;
	v17 =	vld.idx.msk [tilespmem:v38+s3+$0x0], $0xffff  }
0x178: {  	v42 =	vadd.s32 $0x4C00, v1;
	v10 =	vld.idx.msk [tilespmem:v41+s3+$0x0], $0xffff;
	[tilespmem:s23+$0xFFFFFFF0] =	vst v12  }
0x179: {  	v44 =	vadd.s32 $0x5000, v4;
	[tilespmem:s23+$0xFFFFFF90] =	vst v15;
	v13 =	vld.idx.msk [tilespmem:v39+s3+$0x0], $0xffff  }
0x17a: {  	v46 =	vadd.s32 $0x5000, v3;
	[tilespmem:s23+$0xFFFFFF80] =	vst v19;
	v12 =	vld.idx.msk [tilespmem:v43+s3+$0x0], $0xffff  }
0x17b: {  	v47 =	vadd.s32 $0x5000, v2;
	v14 =	vld.idx.msk [tilespmem:v45+s3+$0x0], $0xffff;
	[tilespmem:s23+$0xFFFFFF60] =	vst v8  }
0x17c: {  	v8 =	vadd.s32 $0x5400, v7;
	v9 =	vld.idx.msk [tilespmem:v9+s3+$0x0], $0xffff;
	[tilespmem:s23+$0xFFFFFFA0] =	vst v11  }
0x17d: {  	v50 =	vadd.s32 $0x5400, v5;
	v11 =	vld.idx.msk [tilespmem:v42+s3+$0x0], $0xffff;
	[tilespmem:s23+$0xFFFFFFB0] =	vst v17  }
0x17e: {  	v51 =	vadd.s32 $0x5400, v6;
	[tilespmem:s23+$0xFFFFFFC0] =	vst v10;
	v18 =	vld.idx.msk [tilespmem:v44+s3+$0x0], $0xffff  }
0x17f: {  	v48 =	vadd.s32 $0x5000, v0;
	v10 =	vld.idx.msk [tilespmem:v46+s3+$0x0], $0xffff;
	[tilespmem:s23+$0x70] =	vst v13  }
0x180: {  	v49 =	vadd.s32 $0x5000, v1;
	v16 =	vld.idx.msk [tilespmem:v47+s3+$0x0], $0xffff;
	[tilespmem:s23+$0x10] =	vst v12  }
0x181: {  	v53 =	vadd.s32 $0x5400, v3;
	[tilespmem:s23+$0x0] =	vst v14;
	v8 =	vld.idx.msk [tilespmem:v8+s3+$0x0], $0xffff  }
0x182: {  	v54 =	vadd.s32 $0x5400, v2;
	v19 =	vld.idx.msk [tilespmem:v50+s3+$0x0], $0xffff;
	[tilespmem:s23+$0xFFFFFFD0] =	vst v9  }
0x183: {  	v15 =	vld.idx.msk [tilespmem:v51+s3+$0x0], $0xffff;
	v9 =	vadd.s32 $0x5800, v7;
	[tilespmem:s23+$0xFFFFFFE0] =	vst v11  }
0x184: {  	v57 =	vadd.s32 $0x5800, v5;
	v52 =	vld.idx.msk [tilespmem:v48+s3+$0x0], $0xffff;
	[tilespmem:s23+$0x20] =	vst v18  }
0x185: {  	v11 =	vadd.s32 $0x5400, v4;
	v13 =	vld.idx.msk [tilespmem:v49+s3+$0x0], $0xffff;
	[tilespmem:s23+$0x30] =	vst v10  }
0x186: {  	v55 =	vadd.s32 $0x5400, v1;
	[tilespmem:s23+$0x40] =	vst v16;
	v56 =	vld.idx.msk [tilespmem:v53+s3+$0x0], $0xffff  }
0x187: {  	v58 =	vld.idx.msk [tilespmem:v54+s3+$0x0], $0xffff;
	[tilespmem:s23+$0xF0] =	vst v8;
	v8 =	vadd.s32 $0x5400, v0  }
0x188: {  	v60 =	vadd.s32 $0x5800, v3;
	[tilespmem:s23+$0x90] =	vst v19;
	v9 =	vld.idx.msk [tilespmem:v9+s3+$0x0], $0xffff  }
0x189: {  	v7 =	vadd.s32 $0x5C00, v7;
	[tilespmem:s23+$0x80] =	vst v15;
	v12 =	vld.idx.msk [tilespmem:v57+s3+$0x0], $0xffff  }
0x18a: {  	v10 =	vld.idx.msk [tilespmem:v11+s3+$0x0], $0xffff;
	v11 =	vadd.s32 $0x5800, v6;
	[tilespmem:s23+$0x60] =	vst v13  }
0x18b: {  	v5 =	vadd.s32 $0x5C00, v5;
	[tilespmem:s23+$0x50] =	vst v52;
	v14 =	vld.idx.msk [tilespmem:v55+s3+$0x0], $0xffff  }
0x18c: {  	v59 =	vadd.s32 $0x5800, v4;
	[tilespmem:s23+$0xB0] =	vst v56;
	v8 =	vld.idx.msk [tilespmem:v8+s3+$0x0], $0xffff  }
0x18d: {  	v16 =	vld.idx.msk [tilespmem:v60+s3+$0x0], $0xffff;
	[tilespmem:s23+$0x170] =	vst v9;
	v9 =	vadd.s32 $0x5800, v2  }
0x18e: {  	v61 =	vadd.s32 $0x5800, v0;
	[tilespmem:s23+$0x110] =	vst v12;
	v7 =	vld.idx.msk [tilespmem:v7+s3+$0x0], $0xffff  }
0x18f: {  	v11 =	vld.idx.msk [tilespmem:v11+s3+$0x0], $0xffff;
	[tilespmem:s23+$0xA0] =	vst v10;
	v10 =	vadd.s32 $0x5800, v1  }
0x190: {  	v6 =	vadd.s32 $0x5C00, v6;
	[tilespmem:s23+$0xC0] =	vst v58;
	v5 =	vld.idx.msk [tilespmem:v5+s3+$0x0], $0xffff  }
0x191: {  	v62 =	vadd.s32 $0x5C00, v3;
	v13 =	vld.idx.msk [tilespmem:v59+s3+$0x0], $0xffff;
	[tilespmem:s23+$0xE0] =	vst v14  }
0x192: {  	v4 =	vadd.s32 $0x5C00, v4;
	[tilespmem:s23+$0xD0] =	vst v8;
	v9 =	vld.idx.msk [tilespmem:v9+s3+$0x0], $0xffff  }
0x193: {  	v63 =	vadd.s32 $0x5C00, v2;
	[tilespmem:s23+$0x130] =	vst v16;
	v15 =	vld.idx.msk [tilespmem:v61+s3+$0x0], $0xffff  }
0x194: {  	[tilespmem:s23+$0x100] =	vst v11;
	v8 =	vld.idx.msk [tilespmem:v10+s3+$0x0], $0xffff  }
0x195: {  	[tilespmem:s23+$0x1F0] =	vst v7;
	v7 =	vld.idx.msk [tilespmem:v6+s3+$0x0], $0xffff  }
0x196: {  	[tilespmem:s23+$0x120] =	vst v13;
	v6 =	vld.idx.msk [tilespmem:v62+s3+$0x0], $0xffff  }
0x197: {  	v3 =	vld.idx.msk [tilespmem:v4+s3+$0x0], $0xffff;
	[tilespmem:s23+$0x140] =	vst v9  }
0x198: {  	s24 =	simm.s32 $0x0;
	s25 =	simm.s32 $0x100C0;
	v2 =	vadd.s32 $0x5C00, v0;
	v1 =	vadd.s32 $0x5C00, v1;
	[tilespmem:s23+$0x150] =	vst v15;
	v4 =	vld.idx.msk [tilespmem:v63+s3+$0x0], $0xffff  }
.LBB2_7:
0x199: {  	v0 =	vld [tilespmem:s25+$0x30];
	s24 =	sadd.s32 $0x8, s24;
	[tilespmem:s23+$0x160] =	vst v8  }
0x19a: {  	v21 =	vld [tilespmem:s25+$0xFFFFFFD0];
	p0 =	slt.u32 s24, $0x18;
	[tilespmem:s23+$0x180] =	vst v7  }
0x19b: {  	v22 =	vld [tilespmem:s25+$0xFFFFFFE0];
	[tilespmem:s23+$0x190] =	vst v5  }
0x19c: {  	v23 =	vld [tilespmem:s25+$0xFFFFFFF0];
	[tilespmem:s23+$0x1A0] =	vst v3  }
0x19d: {  	v24 =	vld [tilespmem:s25+$0x0];
	[tilespmem:s23+$0x1B0] =	vst v6  }
0x19e: {  	v25 =	vld [tilespmem:s25+$0x10];
	v3 =	vadd.s32 $0x4000, v0;
	[tilespmem:s23+$0x1C0] =	vst v4  }
0x19f: {  	v4 =	vadd.s32 $0x4000, v21;
	v5 =	vadd.s32 $0x4400, v21;
	v26 =	vadd.s32 $0x4800, v21;
	v27 =	vld [tilespmem:s25+$0x20]  }
0x1a0: {  	v6 =	vld [tilespmem:s25+$0xFFFFFFC0];
	v7 =	vadd.s32 $0x4000, v22;
	v8 =	vadd.s32 $0x4400, v22;
	v28 =	vadd.s32 $0x4800, v22  }
0x1a1: {  	v9 =	vadd.s32 $0x4000, v23;
	v11 =	vadd.s32 $0x4400, v23;
	v29 =	vadd.s32 $0x4800, v23;
	v2 =	vld.idx.msk [tilespmem:v2+s3+$0x0], $0xffff  }
0x1a2: {  	v10 =	vadd.s32 $0x4000, v24;
	v13 =	vadd.s32 $0x4400, v24;
	v30 =	vadd.s32 $0x4800, v24;
	v1 =	vld.idx.msk [tilespmem:v1+s3+$0x0], $0xffff  }
0x1a3: {  	v12 =	vadd.s32 $0x4000, v25;
	v31 =	vadd.s32 $0x4400, v25;
	v32 =	vadd.s32 $0x4800, v25;
	v3 =	vld.idx.msk [tilespmem:v3+s3+$0x0], $0xffff  }
0x1a4: {  	v4 =	vld.idx.msk [tilespmem:v4+s3+$0x0], $0xffff;
	v14 =	vadd.s32 $0x4000, v27;
	v33 =	vadd.s32 $0x4400, v27;
	v34 =	vadd.s32 $0x4800, v27  }
0x1a5: {  	v16 =	vadd.s32 $0x4400, v0;
	v15 =	vadd.s32 $0x4000, v6;
	v35 =	vadd.s32 $0x4400, v6;
	v7 =	vld.idx.msk [tilespmem:v7+s3+$0x0], $0xffff  }
0x1a6: {  	v38 =	vadd.s32 $0x4C00, v21;
	v36 =	vadd.s32 $0x4800, v6;
	v37 =	vadd.s32 $0x4C00, v6;
	v9 =	vld.idx.msk [tilespmem:v9+s3+$0x0], $0xffff  }
0x1a7: {  	v39 =	vadd.s32 $0x4C00, v22;
	v40 =	vadd.s32 $0x4C00, v23;
	v41 =	vadd.s32 $0x4C00, v24;
	v20 =	vld.idx.msk [tilespmem:v10+s3+$0x0], $0xffff;
	[tilespmem:s23+$0x1D0] =	vst v2  }
0x1a8: {  	v43 =	vadd.s32 $0x4C00, v25;
	v44 =	vadd.s32 $0x4C00, v27;
	v42 =	vadd.s32 $0x5000, v6;
	v2 =	vld.idx.msk [tilespmem:v12+s3+$0x0], $0xffff;
	[tilespmem:s23+$0x1E0] =	vst v1;
	s23 =	sadd.s32 $0x400, s23  }
0x1a9: {  	v45 =	vadd.s32 $0x5000, v21;
	v46 =	vadd.s32 $0x5000, v22;
	v47 =	vadd.s32 $0x5000, v23;
	v1 =	vld.idx.msk [tilespmem:v14+s3+$0x0], $0xffff;
	[tilespmem:s23+$0xFFFFFE70] =	vst v3  }
0x1aa: {  	v48 =	vadd.s32 $0x5000, v24;
	v49 =	vadd.s32 $0x5000, v25;
	v50 =	vadd.s32 $0x5000, v27;
	[tilespmem:s23+$0xFFFFFE10] =	vst v4;
	v4 =	vld.idx.msk [tilespmem:v16+s3+$0x0], $0xffff  }
0x1ab: {  	v52 =	vadd.s32 $0x5400, v21;
	v18 =	vadd.s32 $0x5400, v22;
	v17 =	vadd.s32 $0x5400, v6;
	v51 =	vld.idx.msk [tilespmem:v15+s3+$0x0], $0xffff;
	[tilespmem:s23+$0xFFFFFE20] =	vst v7  }
0x1ac: {  	v54 =	vadd.s32 $0x4800, v0;
	v19 =	vadd.s32 $0x5400, v23;
	v15 =	vadd.s32 $0x5400, v24;
	v53 =	vld.idx.msk [tilespmem:v5+s3+$0x0], $0xffff;
	[tilespmem:s23+$0xFFFFFE30] =	vst v9  }
0x1ad: {  	v10 =	vadd.s32 $0x5800, v6;
	v16 =	vadd.s32 $0x5400, v27;
	v55 =	vld.idx.msk [tilespmem:v8+s3+$0x0], $0xffff;
	[tilespmem:s23+$0xFFFFFE40] =	vst v20;
	v20 =	vadd.s32 $0x5400, v25  }
0x1ae: {  	v12 =	vadd.s32 $0x5800, v22;
	v14 =	vadd.s32 $0x5800, v21;
	v56 =	vld.idx.msk [tilespmem:v11+s3+$0x0], $0xffff;
	v11 =	vadd.s32 $0x5800, v23;
	[tilespmem:s23+$0xFFFFFE50] =	vst v2  }
0x1af: {  	v9 =	vadd.s32 $0x5800, v25;
	v8 =	vadd.s32 $0x5800, v27;
	v57 =	vld.idx.msk [tilespmem:v13+s3+$0x0], $0xffff;
	v13 =	vadd.s32 $0x5800, v24;
	[tilespmem:s23+$0xFFFFFE60] =	vst v1  }
0x1b0: {  	v3 =	vadd.s32 $0x5C00, v22;
	v7 =	vadd.s32 $0x5C00, v6;
	v5 =	vadd.s32 $0x5C00, v21;
	v21 =	vld.idx.msk [tilespmem:v31+s3+$0x0], $0xffff;
	[tilespmem:s23+$0xFFFFFEF0] =	vst v4  }
0x1b1: {  	v6 =	vadd.s32 $0x5C00, v23;
	v2 =	vadd.s32 $0x5C00, v25;
	v4 =	vadd.s32 $0x5C00, v24;
	[tilespmem:s23+$0xFFFFFE00] =	vst v51;
	v22 =	vld.idx.msk [tilespmem:v54+s3+$0x0], $0xffff  }
0x1b2: {  	v1 =	vadd.s32 $0x5C00, v27;
	v23 =	vld.idx.msk [tilespmem:v35+s3+$0x0], $0xffff;
	[tilespmem:s23+$0xFFFFFE90] =	vst v53  }
0x1b3: {  	v25 =	vadd.s32 $0x4C00, v0;
	[tilespmem:s23+$0xFFFFFEA0] =	vst v55;
	v24 =	vld.idx.msk [tilespmem:v33+s3+$0x0], $0xffff  }
0x1b4: {  	v26 =	vld.idx.msk [tilespmem:v26+s3+$0x0], $0xffff;
	[tilespmem:s23+$0xFFFFFEB0] =	vst v56  }
0x1b5: {  	v27 =	vld.idx.msk [tilespmem:v28+s3+$0x0], $0xffff;
	[tilespmem:s23+$0xFFFFFEC0] =	vst v57  }
0x1b6: {  	v28 =	vld.idx.msk [tilespmem:v29+s3+$0x0], $0xffff;
	[tilespmem:s23+$0xFFFFFED0] =	vst v21  }
0x1b7: {  	v21 =	vld.idx.msk [tilespmem:v30+s3+$0x0], $0xffff;
	[tilespmem:s23+$0xFFFFFF70] =	vst v22  }
0x1b8: {  	[tilespmem:s23+$0xFFFFFE80] =	vst v23;
	v22 =	vld.idx.msk [tilespmem:v25+s3+$0x0], $0xffff  }
0x1b9: {  	v23 =	vld.idx.msk [tilespmem:v36+s3+$0x0], $0xffff;
	[tilespmem:s23+$0xFFFFFEE0] =	vst v24  }
0x1ba: {  	v25 =	vadd.s32 $0x5000, v0;
	[tilespmem:s23+$0xFFFFFF10] =	vst v26;
	v24 =	vld.idx.msk [tilespmem:v32+s3+$0x0], $0xffff  }
0x1bb: {  	[tilespmem:s23+$0xFFFFFF20] =	vst v27;
	v26 =	vld.idx.msk [tilespmem:v34+s3+$0x0], $0xffff  }
0x1bc: {  	v27 =	vld.idx.msk [tilespmem:v38+s3+$0x0], $0xffff;
	[tilespmem:s23+$0xFFFFFF30] =	vst v28  }
0x1bd: {  	v28 =	vld.idx.msk [tilespmem:v39+s3+$0x0], $0xffff;
	[tilespmem:s23+$0xFFFFFF40] =	vst v21  }
0x1be: {  	v21 =	vld.idx.msk [tilespmem:v40+s3+$0x0], $0xffff;
	[tilespmem:s23+$0xFFFFFFF0] =	vst v22  }
0x1bf: {  	[tilespmem:s23+$0xFFFFFF00] =	vst v23;
	v22 =	vld.idx.msk [tilespmem:v25+s3+$0x0], $0xffff  }
0x1c0: {  	v23 =	vld.idx.msk [tilespmem:v37+s3+$0x0], $0xffff;
	[tilespmem:s23+$0xFFFFFF50] =	vst v24  }
0x1c1: {  	v25 =	vadd.s32 $0x5400, v0;
	v24 =	vld.idx.msk [tilespmem:v41+s3+$0x0], $0xffff;
	[tilespmem:s23+$0xFFFFFF60] =	vst v26  }
0x1c2: {  	[tilespmem:s23+$0xFFFFFF90] =	vst v27;
	v26 =	vld.idx.msk [tilespmem:v43+s3+$0x0], $0xffff  }
0x1c3: {  	[tilespmem:s23+$0xFFFFFFA0] =	vst v28;
	v27 =	vld.idx.msk [tilespmem:v44+s3+$0x0], $0xffff  }
0x1c4: {  	v28 =	vld.idx.msk [tilespmem:v45+s3+$0x0], $0xffff;
	[tilespmem:s23+$0xFFFFFFB0] =	vst v21  }
0x1c5: {  	v21 =	vld.idx.msk [tilespmem:v46+s3+$0x0], $0xffff;
	[tilespmem:s23+$0x70] =	vst v22  }
0x1c6: {  	[tilespmem:s23+$0xFFFFFF80] =	vst v23;
	v22 =	vld.idx.msk [tilespmem:v25+s3+$0x0], $0xffff  }
0x1c7: {  	v23 =	vld.idx.msk [tilespmem:v42+s3+$0x0], $0xffff;
	[tilespmem:s23+$0xFFFFFFC0] =	vst v24  }
0x1c8: {  	v25 =	vadd.s32 $0x5800, v0;
	v24 =	vld.idx.msk [tilespmem:v47+s3+$0x0], $0xffff;
	[tilespmem:s23+$0xFFFFFFD0] =	vst v26  }
0x1c9: {  	v26 =	vld.idx.msk [tilespmem:v48+s3+$0x0], $0xffff;
	[tilespmem:s23+$0xFFFFFFE0] =	vst v27  }
0x1ca: {  	[tilespmem:s23+$0x10] =	vst v28;
	v27 =	vld.idx.msk [tilespmem:v49+s3+$0x0], $0xffff  }
0x1cb: {  	[tilespmem:s23+$0x20] =	vst v21;
	v21 =	vld.idx.msk [tilespmem:v50+s3+$0x0], $0xffff  }
0x1cc: {  	v28 =	vld.idx.msk [tilespmem:v52+s3+$0x0], $0xffff;
	[tilespmem:s23+$0xF0] =	vst v22  }
0x1cd: {  	[tilespmem:s23+$0x0] =	vst v23;
	v22 =	vld.idx.msk [tilespmem:v25+s3+$0x0], $0xffff  }
0x1ce: {  	v17 =	vld.idx.msk [tilespmem:v17+s3+$0x0], $0xffff;
	[tilespmem:s23+$0x30] =	vst v24  }
0x1cf: {  	v0 =	vadd.s32 $0x5C00, v0;
	v18 =	vld.idx.msk [tilespmem:v18+s3+$0x0], $0xffff;
	[tilespmem:s23+$0x40] =	vst v26  }
0x1d0: {  	v19 =	vld.idx.msk [tilespmem:v19+s3+$0x0], $0xffff;
	[tilespmem:s23+$0x50] =	vst v27  }
0x1d1: {  	v15 =	vld.idx.msk [tilespmem:v15+s3+$0x0], $0xffff;
	[tilespmem:s23+$0x60] =	vst v21  }
0x1d2: {  	[tilespmem:s23+$0x90] =	vst v28;
	v20 =	vld.idx.msk [tilespmem:v20+s3+$0x0], $0xffff  }
0x1d3: {  	v16 =	vld.idx.msk [tilespmem:v16+s3+$0x0], $0xffff;
	[tilespmem:s23+$0x170] =	vst v22  }
0x1d4: {  	[tilespmem:s23+$0x80] =	vst v17;
	v0 =	vld.idx.msk [tilespmem:v0+s3+$0x0], $0xffff  }
0x1d5: {  	v10 =	vld.idx.msk [tilespmem:v10+s3+$0x0], $0xffff;
	[tilespmem:s23+$0xA0] =	vst v18  }
0x1d6: {  	v14 =	vld.idx.msk [tilespmem:v14+s3+$0x0], $0xffff;
	[tilespmem:s23+$0xB0] =	vst v19  }
0x1d7: {  	v12 =	vld.idx.msk [tilespmem:v12+s3+$0x0], $0xffff;
	[tilespmem:s23+$0xC0] =	vst v15  }
0x1d8: {  	v11 =	vld.idx.msk [tilespmem:v11+s3+$0x0], $0xffff;
	[tilespmem:s23+$0xD0] =	vst v20  }
0x1d9: {  	v13 =	vld.idx.msk [tilespmem:v13+s3+$0x0], $0xffff;
	[tilespmem:s23+$0xE0] =	vst v16  }
0x1da: {  	v9 =	vld.idx.msk [tilespmem:v9+s3+$0x0], $0xffff;
	[tilespmem:s23+$0x1F0] =	vst v0  }
0x1db: {  	[tilespmem:s23+$0x100] =	vst v10;
	v8 =	vld.idx.msk [tilespmem:v8+s3+$0x0], $0xffff  }
.Ltmp2:
0x1dc: {  	v7 =	vld.idx.msk [tilespmem:v7+s3+$0x0], $0xffff;
	[tilespmem:s23+$0x110] =	vst v14;
	(pc) =	sbr.rel @p0 .LBB2_7-.Ltmp2, $4  }
0x1dd: {  	v5 =	vld.idx.msk [tilespmem:v5+s3+$0x0], $0xffff;
	[tilespmem:s23+$0x120] =	vst v12  }
0x1de: {  	v3 =	vld.idx.msk [tilespmem:v3+s3+$0x0], $0xffff;
	[tilespmem:s23+$0x130] =	vst v11  }
0x1df: {  	v6 =	vld.idx.msk [tilespmem:v6+s3+$0x0], $0xffff;
	[tilespmem:s23+$0x140] =	vst v13  }
0x1e0: {  	s25 =	sadd.s32 $0x80, s25;
	v4 =	vld.idx.msk [tilespmem:v4+s3+$0x0], $0xffff;
	[tilespmem:s23+$0x150] =	vst v9  }
0x1e1: {  	_ =	sdelay $0x2  }
0x1e2: {  	[tilespmem:s23+$0x160] =	vst v8  }
0x1e3: {  	[tilespmem:s23+$0x180] =	vst v7;
	v0 =	vld.idx.msk [tilespmem:v2+s3+$0x0], $0xffff  }
0x1e4: {  	[tilespmem:s23+$0x190] =	vst v5;
	v1 =	vld.idx.msk [tilespmem:v1+s3+$0x0], $0xffff  }
0x1e5: {  	[tilespmem:s23+$0x1A0] =	vst v3  }
0x1e6: {  	[tilespmem:s23+$0x1B0] =	vst v6  }
0x1e7: {  	[tilespmem:s23+$0x1C0] =	vst v4  }
0x1e8: {  	[tilespmem:s23+$0x1D0] =	vst v0  }
0x1e9: {  	s30 =	sadd.s32 s22, s8;
	[tilespmem:s23+$0x1E0] =	vst v1  }
0x1ea: {  	[hbm4b:s30+s3] =	stream.linear.scatter [tilespmem:s17], [sflag:$0x1], $0x1000, $0x38;
	[tilespmem:$0x12200] =	vst v63  }
0x1eb: {  	_ =	swait.ge [sflag:s19], $0x1000  }
0x1ec: {  	[sflag:s19] =	ssyncset.done $0x0  }
0x1ed: {  	s31 =	simm.s32 $0x10040;
	[sflag:s19] =	ssyncadd.s32 $0xFFFFF000  }
0x1ee: {  	v7 =	vld [tilespmem:s31+$0x30]  }
0x1ef: {  	v5 =	vld [tilespmem:s31+$0xFFFFFFD0]  }
0x1f0: {  	v4 =	vld [tilespmem:s31+$0xFFFFFFE0]  }
0x1f1: {  	v3 =	vld [tilespmem:s31+$0xFFFFFFF0]  }
0x1f2: {  	v2 =	vld [tilespmem:s31+$0x0]  }
0x1f3: {  	v0 =	vld [tilespmem:s31+$0x10];
	v8 =	vadd.s32 $0x6000, v7  }
0x1f4: {  	v1 =	vld [tilespmem:s31+$0x20];
	v9 =	vadd.s32 $0x6000, v5  }
0x1f5: {  	v6 =	vld [tilespmem:s31+$0xFFFFFFC0];
	v10 =	vadd.s32 $0x6000, v4  }
0x1f6: {  	v11 =	vadd.s32 $0x6000, v3  }
0x1f7: {  	v12 =	vadd.s32 $0x6000, v2  }
0x1f8: {  	v13 =	vadd.s32 $0x6000, v0;
	v8 =	vld.idx.msk [tilespmem:v8+s3+$0x0], $0xffff  }
0x1f9: {  	v14 =	vadd.s32 $0x6000, v1;
	v9 =	vld.idx.msk [tilespmem:v9+s3+$0x0], $0xffff  }
0x1fa: {  	v16 =	vadd.s32 $0x6000, v6;
	v10 =	vld.idx.msk [tilespmem:v10+s3+$0x0], $0xffff  }
0x1fb: {  	v15 =	vadd.s32 $0x6400, v7;
	v11 =	vld.idx.msk [tilespmem:v11+s3+$0x0], $0xffff  }
0x1fc: {  	v17 =	vadd.s32 $0x6400, v5;
	v12 =	vld.idx.msk [tilespmem:v12+s3+$0x0], $0xffff  }
0x1fd: {  	s23 =	simm.s32 $0x11400;
	v18 =	vadd.s32 $0x6400, v4;
	v13 =	vld.idx.msk [tilespmem:v13+s3+$0x0], $0xffff  }
0x1fe: {  	v19 =	vadd.s32 $0x6400, v3;
	v14 =	vld.idx.msk [tilespmem:v14+s3+$0x0], $0xffff;
	[tilespmem:s23+$0xFFFFFE70] =	vst v8  }
0x1ff: {  	v28 =	vadd.s32 $0x6400, v0;
	v16 =	vld.idx.msk [tilespmem:v16+s3+$0x0], $0xffff;
	[tilespmem:s23+$0xFFFFFE10] =	vst v9  }
0x200: {  	v29 =	vadd.s32 $0x6400, v6;
	[tilespmem:s23+$0xFFFFFE20] =	vst v10;
	v9 =	vld.idx.msk [tilespmem:v15+s3+$0x0], $0xffff  }
0x201: {  	v8 =	vadd.s32 $0x6400, v2;
	[tilespmem:s23+$0xFFFFFE30] =	vst v11;
	v10 =	vld.idx.msk [tilespmem:v17+s3+$0x0], $0xffff  }
0x202: {  	v30 =	vadd.s32 $0x6400, v1;
	[tilespmem:s23+$0xFFFFFE40] =	vst v12;
	v18 =	vld.idx.msk [tilespmem:v18+s3+$0x0], $0xffff  }
0x203: {  	v11 =	vadd.s32 $0x6800, v7;
	[tilespmem:s23+$0xFFFFFE50] =	vst v13;
	v19 =	vld.idx.msk [tilespmem:v19+s3+$0x0], $0xffff  }
0x204: {  	v31 =	vadd.s32 $0x6800, v5;
	[tilespmem:s23+$0xFFFFFE00] =	vst v16;
	v15 =	vld.idx.msk [tilespmem:v28+s3+$0x0], $0xffff  }
0x205: {  	v32 =	vadd.s32 $0x6800, v4;
	[tilespmem:s23+$0xFFFFFE60] =	vst v14;
	v17 =	vld.idx.msk [tilespmem:v29+s3+$0x0], $0xffff  }
0x206: {  	v35 =	vadd.s32 $0x6800, v6;
	v8 =	vld.idx.msk [tilespmem:v8+s3+$0x0], $0xffff;
	[tilespmem:s23+$0xFFFFFEF0] =	vst v9  }
0x207: {  	v9 =	vadd.s32 $0x6800, v3;
	[tilespmem:s23+$0xFFFFFE90] =	vst v10;
	v10 =	vld.idx.msk [tilespmem:v30+s3+$0x0], $0xffff  }
0x208: {  	v33 =	vadd.s32 $0x6800, v2;
	[tilespmem:s23+$0xFFFFFEA0] =	vst v18;
	v11 =	vld.idx.msk [tilespmem:v11+s3+$0x0], $0xffff  }
0x209: {  	v36 =	vadd.s32 $0x6800, v0;
	[tilespmem:s23+$0xFFFFFEB0] =	vst v19;
	v13 =	vld.idx.msk [tilespmem:v31+s3+$0x0], $0xffff  }
0x20a: {  	v34 =	vadd.s32 $0x6C00, v7;
	[tilespmem:s23+$0xFFFFFE80] =	vst v17;
	v14 =	vld.idx.msk [tilespmem:v32+s3+$0x0], $0xffff  }
0x20b: {  	v37 =	vadd.s32 $0x6C00, v5;
	[tilespmem:s23+$0xFFFFFED0] =	vst v15;
	v18 =	vld.idx.msk [tilespmem:v35+s3+$0x0], $0xffff  }
0x20c: {  	v40 =	vadd.s32 $0x6C00, v6;
	[tilespmem:s23+$0xFFFFFEC0] =	vst v8;
	v9 =	vld.idx.msk [tilespmem:v9+s3+$0x0], $0xffff  }
0x20d: {  	v8 =	vadd.s32 $0x6800, v1;
	v16 =	vld.idx.msk [tilespmem:v33+s3+$0x0], $0xffff;
	[tilespmem:s23+$0xFFFFFEE0] =	vst v10  }
0x20e: {  	v10 =	vld.idx.msk [tilespmem:v36+s3+$0x0], $0xffff;
	[tilespmem:s23+$0xFFFFFF70] =	vst v11;
	v11 =	vadd.s32 $0x6C00, v4  }
0x20f: {  	v38 =	vadd.s32 $0x6C00, v3;
	[tilespmem:s23+$0xFFFFFF10] =	vst v13;
	v12 =	vld.idx.msk [tilespmem:v34+s3+$0x0], $0xffff  }
0x210: {  	v41 =	vadd.s32 $0x6C00, v2;
	[tilespmem:s23+$0xFFFFFF00] =	vst v18;
	v15 =	vld.idx.msk [tilespmem:v37+s3+$0x0], $0xffff  }
0x211: {  	v39 =	vadd.s32 $0x7000, v7;
	[tilespmem:s23+$0xFFFFFF20] =	vst v14;
	v19 =	vld.idx.msk [tilespmem:v40+s3+$0x0], $0xffff  }
0x212: {  	v43 =	vadd.s32 $0x7000, v5;
	v8 =	vld.idx.msk [tilespmem:v8+s3+$0x0], $0xffff;
	[tilespmem:s23+$0xFFFFFF30] =	vst v9  }
0x213: {  	v45 =	vadd.s32 $0x7000, v6;
	[tilespmem:s23+$0xFFFFFF40] =	vst v16;
	v11 =	vld.idx.msk [tilespmem:v11+s3+$0x0], $0xffff  }
0x214: {  	v9 =	vadd.s32 $0x6C00, v0;
	[tilespmem:s23+$0xFFFFFF50] =	vst v10;
	v17 =	vld.idx.msk [tilespmem:v38+s3+$0x0], $0xffff  }
0x215: {  	v42 =	vadd.s32 $0x6C00, v1;
	v10 =	vld.idx.msk [tilespmem:v41+s3+$0x0], $0xffff;
	[tilespmem:s23+$0xFFFFFFF0] =	vst v12  }
0x216: {  	v44 =	vadd.s32 $0x7000, v4;
	[tilespmem:s23+$0xFFFFFF90] =	vst v15;
	v13 =	vld.idx.msk [tilespmem:v39+s3+$0x0], $0xffff  }
0x217: {  	v46 =	vadd.s32 $0x7000, v3;
	[tilespmem:s23+$0xFFFFFF80] =	vst v19;
	v12 =	vld.idx.msk [tilespmem:v43+s3+$0x0], $0xffff  }
0x218: {  	v47 =	vadd.s32 $0x7000, v2;
	v14 =	vld.idx.msk [tilespmem:v45+s3+$0x0], $0xffff;
	[tilespmem:s23+$0xFFFFFF60] =	vst v8  }
0x219: {  	v8 =	vadd.s32 $0x7400, v7;
	v9 =	vld.idx.msk [tilespmem:v9+s3+$0x0], $0xffff;
	[tilespmem:s23+$0xFFFFFFA0] =	vst v11  }
0x21a: {  	v50 =	vadd.s32 $0x7400, v5;
	v11 =	vld.idx.msk [tilespmem:v42+s3+$0x0], $0xffff;
	[tilespmem:s23+$0xFFFFFFB0] =	vst v17  }
0x21b: {  	v51 =	vadd.s32 $0x7400, v6;
	[tilespmem:s23+$0xFFFFFFC0] =	vst v10;
	v18 =	vld.idx.msk [tilespmem:v44+s3+$0x0], $0xffff  }
0x21c: {  	v48 =	vadd.s32 $0x7000, v0;
	v10 =	vld.idx.msk [tilespmem:v46+s3+$0x0], $0xffff;
	[tilespmem:s23+$0x70] =	vst v13  }
0x21d: {  	v49 =	vadd.s32 $0x7000, v1;
	v16 =	vld.idx.msk [tilespmem:v47+s3+$0x0], $0xffff;
	[tilespmem:s23+$0x10] =	vst v12  }
0x21e: {  	v53 =	vadd.s32 $0x7400, v3;
	[tilespmem:s23+$0x0] =	vst v14;
	v8 =	vld.idx.msk [tilespmem:v8+s3+$0x0], $0xffff  }
0x21f: {  	v54 =	vadd.s32 $0x7400, v2;
	v19 =	vld.idx.msk [tilespmem:v50+s3+$0x0], $0xffff;
	[tilespmem:s23+$0xFFFFFFD0] =	vst v9  }
0x220: {  	v15 =	vld.idx.msk [tilespmem:v51+s3+$0x0], $0xffff;
	v9 =	vadd.s32 $0x7800, v7;
	[tilespmem:s23+$0xFFFFFFE0] =	vst v11  }
0x221: {  	v57 =	vadd.s32 $0x7800, v5;
	v52 =	vld.idx.msk [tilespmem:v48+s3+$0x0], $0xffff;
	[tilespmem:s23+$0x20] =	vst v18  }
0x222: {  	v11 =	vadd.s32 $0x7400, v4;
	v13 =	vld.idx.msk [tilespmem:v49+s3+$0x0], $0xffff;
	[tilespmem:s23+$0x30] =	vst v10  }
0x223: {  	v55 =	vadd.s32 $0x7400, v1;
	[tilespmem:s23+$0x40] =	vst v16;
	v56 =	vld.idx.msk [tilespmem:v53+s3+$0x0], $0xffff  }
0x224: {  	v58 =	vld.idx.msk [tilespmem:v54+s3+$0x0], $0xffff;
	[tilespmem:s23+$0xF0] =	vst v8;
	v8 =	vadd.s32 $0x7400, v0  }
0x225: {  	v60 =	vadd.s32 $0x7800, v3;
	[tilespmem:s23+$0x90] =	vst v19;
	v9 =	vld.idx.msk [tilespmem:v9+s3+$0x0], $0xffff  }
0x226: {  	v7 =	vadd.s32 $0x7C00, v7;
	[tilespmem:s23+$0x80] =	vst v15;
	v12 =	vld.idx.msk [tilespmem:v57+s3+$0x0], $0xffff  }
0x227: {  	v10 =	vld.idx.msk [tilespmem:v11+s3+$0x0], $0xffff;
	v11 =	vadd.s32 $0x7800, v6;
	[tilespmem:s23+$0x60] =	vst v13  }
0x228: {  	v5 =	vadd.s32 $0x7C00, v5;
	[tilespmem:s23+$0x50] =	vst v52;
	v14 =	vld.idx.msk [tilespmem:v55+s3+$0x0], $0xffff  }
0x229: {  	v59 =	vadd.s32 $0x7800, v4;
	[tilespmem:s23+$0xB0] =	vst v56;
	v8 =	vld.idx.msk [tilespmem:v8+s3+$0x0], $0xffff  }
0x22a: {  	v16 =	vld.idx.msk [tilespmem:v60+s3+$0x0], $0xffff;
	[tilespmem:s23+$0x170] =	vst v9;
	v9 =	vadd.s32 $0x7800, v2  }
0x22b: {  	v61 =	vadd.s32 $0x7800, v0;
	[tilespmem:s23+$0x110] =	vst v12;
	v7 =	vld.idx.msk [tilespmem:v7+s3+$0x0], $0xffff  }
0x22c: {  	v11 =	vld.idx.msk [tilespmem:v11+s3+$0x0], $0xffff;
	[tilespmem:s23+$0xA0] =	vst v10;
	v10 =	vadd.s32 $0x7800, v1  }
0x22d: {  	v6 =	vadd.s32 $0x7C00, v6;
	[tilespmem:s23+$0xC0] =	vst v58;
	v5 =	vld.idx.msk [tilespmem:v5+s3+$0x0], $0xffff  }
0x22e: {  	v62 =	vadd.s32 $0x7C00, v3;
	v13 =	vld.idx.msk [tilespmem:v59+s3+$0x0], $0xffff;
	[tilespmem:s23+$0xE0] =	vst v14  }
0x22f: {  	v4 =	vadd.s32 $0x7C00, v4;
	[tilespmem:s23+$0xD0] =	vst v8;
	v9 =	vld.idx.msk [tilespmem:v9+s3+$0x0], $0xffff  }
0x230: {  	v63 =	vadd.s32 $0x7C00, v2;
	[tilespmem:s23+$0x130] =	vst v16;
	v15 =	vld.idx.msk [tilespmem:v61+s3+$0x0], $0xffff  }
0x231: {  	[tilespmem:s23+$0x100] =	vst v11;
	v8 =	vld.idx.msk [tilespmem:v10+s3+$0x0], $0xffff  }
0x232: {  	[tilespmem:s23+$0x1F0] =	vst v7;
	v7 =	vld.idx.msk [tilespmem:v6+s3+$0x0], $0xffff  }
0x233: {  	[tilespmem:s23+$0x120] =	vst v13;
	v6 =	vld.idx.msk [tilespmem:v62+s3+$0x0], $0xffff  }
0x234: {  	v3 =	vld.idx.msk [tilespmem:v4+s3+$0x0], $0xffff;
	[tilespmem:s23+$0x140] =	vst v9  }
0x235: {  	s24 =	simm.s32 $0x0;
	s25 =	simm.s32 $0x100C0;
	v2 =	vadd.s32 $0x7C00, v0;
	v1 =	vadd.s32 $0x7C00, v1;
	[tilespmem:s23+$0x150] =	vst v15;
	v4 =	vld.idx.msk [tilespmem:v63+s3+$0x0], $0xffff  }
.LBB2_9:
0x236: {  	v0 =	vld [tilespmem:s25+$0x30];
	s24 =	sadd.s32 $0x8, s24;
	[tilespmem:s23+$0x160] =	vst v8  }
0x237: {  	v21 =	vld [tilespmem:s25+$0xFFFFFFD0];
	p0 =	slt.u32 s24, $0x18;
	[tilespmem:s23+$0x180] =	vst v7  }
0x238: {  	v22 =	vld [tilespmem:s25+$0xFFFFFFE0];
	[tilespmem:s23+$0x190] =	vst v5  }
0x239: {  	v23 =	vld [tilespmem:s25+$0xFFFFFFF0];
	[tilespmem:s23+$0x1A0] =	vst v3  }
0x23a: {  	v24 =	vld [tilespmem:s25+$0x0];
	[tilespmem:s23+$0x1B0] =	vst v6  }
0x23b: {  	v25 =	vld [tilespmem:s25+$0x10];
	v3 =	vadd.s32 $0x6000, v0;
	[tilespmem:s23+$0x1C0] =	vst v4  }
0x23c: {  	v4 =	vadd.s32 $0x6000, v21;
	v5 =	vadd.s32 $0x6400, v21;
	v26 =	vadd.s32 $0x6800, v21;
	v27 =	vld [tilespmem:s25+$0x20]  }
0x23d: {  	v6 =	vld [tilespmem:s25+$0xFFFFFFC0];
	v7 =	vadd.s32 $0x6000, v22;
	v8 =	vadd.s32 $0x6400, v22;
	v28 =	vadd.s32 $0x6800, v22  }
0x23e: {  	v9 =	vadd.s32 $0x6000, v23;
	v11 =	vadd.s32 $0x6400, v23;
	v29 =	vadd.s32 $0x6800, v23;
	v2 =	vld.idx.msk [tilespmem:v2+s3+$0x0], $0xffff  }
0x23f: {  	v10 =	vadd.s32 $0x6000, v24;
	v13 =	vadd.s32 $0x6400, v24;
	v30 =	vadd.s32 $0x6800, v24;
	v1 =	vld.idx.msk [tilespmem:v1+s3+$0x0], $0xffff  }
0x240: {  	v12 =	vadd.s32 $0x6000, v25;
	v31 =	vadd.s32 $0x6400, v25;
	v32 =	vadd.s32 $0x6800, v25;
	v3 =	vld.idx.msk [tilespmem:v3+s3+$0x0], $0xffff  }
0x241: {  	v4 =	vld.idx.msk [tilespmem:v4+s3+$0x0], $0xffff;
	v14 =	vadd.s32 $0x6000, v27;
	v33 =	vadd.s32 $0x6400, v27;
	v34 =	vadd.s32 $0x6800, v27  }
0x242: {  	v16 =	vadd.s32 $0x6400, v0;
	v15 =	vadd.s32 $0x6000, v6;
	v35 =	vadd.s32 $0x6400, v6;
	v7 =	vld.idx.msk [tilespmem:v7+s3+$0x0], $0xffff  }
0x243: {  	v38 =	vadd.s32 $0x6C00, v21;
	v36 =	vadd.s32 $0x6800, v6;
	v37 =	vadd.s32 $0x6C00, v6;
	v9 =	vld.idx.msk [tilespmem:v9+s3+$0x0], $0xffff  }
0x244: {  	v39 =	vadd.s32 $0x6C00, v22;
	v40 =	vadd.s32 $0x6C00, v23;
	v41 =	vadd.s32 $0x6C00, v24;
	v20 =	vld.idx.msk [tilespmem:v10+s3+$0x0], $0xffff;
	[tilespmem:s23+$0x1D0] =	vst v2  }
0x245: {  	v43 =	vadd.s32 $0x6C00, v25;
	v44 =	vadd.s32 $0x6C00, v27;
	v42 =	vadd.s32 $0x7000, v6;
	v2 =	vld.idx.msk [tilespmem:v12+s3+$0x0], $0xffff;
	[tilespmem:s23+$0x1E0] =	vst v1;
	s23 =	sadd.s32 $0x400, s23  }
0x246: {  	v45 =	vadd.s32 $0x7000, v21;
	v46 =	vadd.s32 $0x7000, v22;
	v47 =	vadd.s32 $0x7000, v23;
	v1 =	vld.idx.msk [tilespmem:v14+s3+$0x0], $0xffff;
	[tilespmem:s23+$0xFFFFFE70] =	vst v3  }
0x247: {  	v48 =	vadd.s32 $0x7000, v24;
	v49 =	vadd.s32 $0x7000, v25;
	v50 =	vadd.s32 $0x7000, v27;
	[tilespmem:s23+$0xFFFFFE10] =	vst v4;
	v4 =	vld.idx.msk [tilespmem:v16+s3+$0x0], $0xffff  }
0x248: {  	v52 =	vadd.s32 $0x7400, v21;
	v18 =	vadd.s32 $0x7400, v22;
	v17 =	vadd.s32 $0x7400, v6;
	v51 =	vld.idx.msk [tilespmem:v15+s3+$0x0], $0xffff;
	[tilespmem:s23+$0xFFFFFE20] =	vst v7  }
0x249: {  	v54 =	vadd.s32 $0x6800, v0;
	v19 =	vadd.s32 $0x7400, v23;
	v15 =	vadd.s32 $0x7400, v24;
	v53 =	vld.idx.msk [tilespmem:v5+s3+$0x0], $0xffff;
	[tilespmem:s23+$0xFFFFFE30] =	vst v9  }
0x24a: {  	v10 =	vadd.s32 $0x7800, v6;
	v16 =	vadd.s32 $0x7400, v27;
	v55 =	vld.idx.msk [tilespmem:v8+s3+$0x0], $0xffff;
	[tilespmem:s23+$0xFFFFFE40] =	vst v20;
	v20 =	vadd.s32 $0x7400, v25  }
0x24b: {  	v12 =	vadd.s32 $0x7800, v22;
	v14 =	vadd.s32 $0x7800, v21;
	v56 =	vld.idx.msk [tilespmem:v11+s3+$0x0], $0xffff;
	v11 =	vadd.s32 $0x7800, v23;
	[tilespmem:s23+$0xFFFFFE50] =	vst v2  }
0x24c: {  	v9 =	vadd.s32 $0x7800, v25;
	v8 =	vadd.s32 $0x7800, v27;
	v57 =	vld.idx.msk [tilespmem:v13+s3+$0x0], $0xffff;
	v13 =	vadd.s32 $0x7800, v24;
	[tilespmem:s23+$0xFFFFFE60] =	vst v1  }
0x24d: {  	v3 =	vadd.s32 $0x7C00, v22;
	v7 =	vadd.s32 $0x7C00, v6;
	v5 =	vadd.s32 $0x7C00, v21;
	v21 =	vld.idx.msk [tilespmem:v31+s3+$0x0], $0xffff;
	[tilespmem:s23+$0xFFFFFEF0] =	vst v4  }
0x24e: {  	v6 =	vadd.s32 $0x7C00, v23;
	v2 =	vadd.s32 $0x7C00, v25;
	v4 =	vadd.s32 $0x7C00, v24;
	[tilespmem:s23+$0xFFFFFE00] =	vst v51;
	v22 =	vld.idx.msk [tilespmem:v54+s3+$0x0], $0xffff  }
0x24f: {  	v1 =	vadd.s32 $0x7C00, v27;
	v23 =	vld.idx.msk [tilespmem:v35+s3+$0x0], $0xffff;
	[tilespmem:s23+$0xFFFFFE90] =	vst v53  }
0x250: {  	v25 =	vadd.s32 $0x6C00, v0;
	[tilespmem:s23+$0xFFFFFEA0] =	vst v55;
	v24 =	vld.idx.msk [tilespmem:v33+s3+$0x0], $0xffff  }
0x251: {  	v26 =	vld.idx.msk [tilespmem:v26+s3+$0x0], $0xffff;
	[tilespmem:s23+$0xFFFFFEB0] =	vst v56  }
0x252: {  	v27 =	vld.idx.msk [tilespmem:v28+s3+$0x0], $0xffff;
	[tilespmem:s23+$0xFFFFFEC0] =	vst v57  }
0x253: {  	v28 =	vld.idx.msk [tilespmem:v29+s3+$0x0], $0xffff;
	[tilespmem:s23+$0xFFFFFED0] =	vst v21  }
0x254: {  	v21 =	vld.idx.msk [tilespmem:v30+s3+$0x0], $0xffff;
	[tilespmem:s23+$0xFFFFFF70] =	vst v22  }
0x255: {  	[tilespmem:s23+$0xFFFFFE80] =	vst v23;
	v22 =	vld.idx.msk [tilespmem:v25+s3+$0x0], $0xffff  }
0x256: {  	v23 =	vld.idx.msk [tilespmem:v36+s3+$0x0], $0xffff;
	[tilespmem:s23+$0xFFFFFEE0] =	vst v24  }
0x257: {  	v25 =	vadd.s32 $0x7000, v0;
	[tilespmem:s23+$0xFFFFFF10] =	vst v26;
	v24 =	vld.idx.msk [tilespmem:v32+s3+$0x0], $0xffff  }
0x258: {  	[tilespmem:s23+$0xFFFFFF20] =	vst v27;
	v26 =	vld.idx.msk [tilespmem:v34+s3+$0x0], $0xffff  }
0x259: {  	v27 =	vld.idx.msk [tilespmem:v38+s3+$0x0], $0xffff;
	[tilespmem:s23+$0xFFFFFF30] =	vst v28  }
0x25a: {  	v28 =	vld.idx.msk [tilespmem:v39+s3+$0x0], $0xffff;
	[tilespmem:s23+$0xFFFFFF40] =	vst v21  }
0x25b: {  	v21 =	vld.idx.msk [tilespmem:v40+s3+$0x0], $0xffff;
	[tilespmem:s23+$0xFFFFFFF0] =	vst v22  }
0x25c: {  	[tilespmem:s23+$0xFFFFFF00] =	vst v23;
	v22 =	vld.idx.msk [tilespmem:v25+s3+$0x0], $0xffff  }
0x25d: {  	v23 =	vld.idx.msk [tilespmem:v37+s3+$0x0], $0xffff;
	[tilespmem:s23+$0xFFFFFF50] =	vst v24  }
0x25e: {  	v25 =	vadd.s32 $0x7400, v0;
	v24 =	vld.idx.msk [tilespmem:v41+s3+$0x0], $0xffff;
	[tilespmem:s23+$0xFFFFFF60] =	vst v26  }
0x25f: {  	[tilespmem:s23+$0xFFFFFF90] =	vst v27;
	v26 =	vld.idx.msk [tilespmem:v43+s3+$0x0], $0xffff  }
0x260: {  	[tilespmem:s23+$0xFFFFFFA0] =	vst v28;
	v27 =	vld.idx.msk [tilespmem:v44+s3+$0x0], $0xffff  }
0x261: {  	v28 =	vld.idx.msk [tilespmem:v45+s3+$0x0], $0xffff;
	[tilespmem:s23+$0xFFFFFFB0] =	vst v21  }
0x262: {  	v21 =	vld.idx.msk [tilespmem:v46+s3+$0x0], $0xffff;
	[tilespmem:s23+$0x70] =	vst v22  }
0x263: {  	[tilespmem:s23+$0xFFFFFF80] =	vst v23;
	v22 =	vld.idx.msk [tilespmem:v25+s3+$0x0], $0xffff  }
0x264: {  	v23 =	vld.idx.msk [tilespmem:v42+s3+$0x0], $0xffff;
	[tilespmem:s23+$0xFFFFFFC0] =	vst v24  }
0x265: {  	v25 =	vadd.s32 $0x7800, v0;
	v24 =	vld.idx.msk [tilespmem:v47+s3+$0x0], $0xffff;
	[tilespmem:s23+$0xFFFFFFD0] =	vst v26  }
0x266: {  	v26 =	vld.idx.msk [tilespmem:v48+s3+$0x0], $0xffff;
	[tilespmem:s23+$0xFFFFFFE0] =	vst v27  }
0x267: {  	[tilespmem:s23+$0x10] =	vst v28;
	v27 =	vld.idx.msk [tilespmem:v49+s3+$0x0], $0xffff  }
0x268: {  	[tilespmem:s23+$0x20] =	vst v21;
	v21 =	vld.idx.msk [tilespmem:v50+s3+$0x0], $0xffff  }
0x269: {  	v28 =	vld.idx.msk [tilespmem:v52+s3+$0x0], $0xffff;
	[tilespmem:s23+$0xF0] =	vst v22  }
0x26a: {  	[tilespmem:s23+$0x0] =	vst v23;
	v22 =	vld.idx.msk [tilespmem:v25+s3+$0x0], $0xffff  }
0x26b: {  	v17 =	vld.idx.msk [tilespmem:v17+s3+$0x0], $0xffff;
	[tilespmem:s23+$0x30] =	vst v24  }
0x26c: {  	v0 =	vadd.s32 $0x7C00, v0;
	v18 =	vld.idx.msk [tilespmem:v18+s3+$0x0], $0xffff;
	[tilespmem:s23+$0x40] =	vst v26  }
0x26d: {  	v19 =	vld.idx.msk [tilespmem:v19+s3+$0x0], $0xffff;
	[tilespmem:s23+$0x50] =	vst v27  }
0x26e: {  	v15 =	vld.idx.msk [tilespmem:v15+s3+$0x0], $0xffff;
	[tilespmem:s23+$0x60] =	vst v21  }
0x26f: {  	[tilespmem:s23+$0x90] =	vst v28;
	v20 =	vld.idx.msk [tilespmem:v20+s3+$0x0], $0xffff  }
0x270: {  	v16 =	vld.idx.msk [tilespmem:v16+s3+$0x0], $0xffff;
	[tilespmem:s23+$0x170] =	vst v22  }
0x271: {  	[tilespmem:s23+$0x80] =	vst v17;
	v0 =	vld.idx.msk [tilespmem:v0+s3+$0x0], $0xffff  }
0x272: {  	v10 =	vld.idx.msk [tilespmem:v10+s3+$0x0], $0xffff;
	[tilespmem:s23+$0xA0] =	vst v18  }
0x273: {  	v14 =	vld.idx.msk [tilespmem:v14+s3+$0x0], $0xffff;
	[tilespmem:s23+$0xB0] =	vst v19  }
0x274: {  	v12 =	vld.idx.msk [tilespmem:v12+s3+$0x0], $0xffff;
	[tilespmem:s23+$0xC0] =	vst v15  }
0x275: {  	v11 =	vld.idx.msk [tilespmem:v11+s3+$0x0], $0xffff;
	[tilespmem:s23+$0xD0] =	vst v20  }
0x276: {  	v13 =	vld.idx.msk [tilespmem:v13+s3+$0x0], $0xffff;
	[tilespmem:s23+$0xE0] =	vst v16  }
0x277: {  	v9 =	vld.idx.msk [tilespmem:v9+s3+$0x0], $0xffff;
	[tilespmem:s23+$0x1F0] =	vst v0  }
0x278: {  	[tilespmem:s23+$0x100] =	vst v10;
	v8 =	vld.idx.msk [tilespmem:v8+s3+$0x0], $0xffff  }
.Ltmp3:
0x279: {  	v7 =	vld.idx.msk [tilespmem:v7+s3+$0x0], $0xffff;
	[tilespmem:s23+$0x110] =	vst v14;
	(pc) =	sbr.rel @p0 .LBB2_9-.Ltmp3, $4  }
0x27a: {  	v5 =	vld.idx.msk [tilespmem:v5+s3+$0x0], $0xffff;
	[tilespmem:s23+$0x120] =	vst v12  }
0x27b: {  	v3 =	vld.idx.msk [tilespmem:v3+s3+$0x0], $0xffff;
	[tilespmem:s23+$0x130] =	vst v11  }
0x27c: {  	v6 =	vld.idx.msk [tilespmem:v6+s3+$0x0], $0xffff;
	[tilespmem:s23+$0x140] =	vst v13  }
0x27d: {  	s25 =	sadd.s32 $0x80, s25;
	v4 =	vld.idx.msk [tilespmem:v4+s3+$0x0], $0xffff;
	[tilespmem:s23+$0x150] =	vst v9  }
0x27e: {  	_ =	sdelay $0x2  }
0x27f: {  	[tilespmem:s23+$0x160] =	vst v8  }
0x280: {  	[tilespmem:s23+$0x180] =	vst v7;
	v0 =	vld.idx.msk [tilespmem:v2+s3+$0x0], $0xffff  }
0x281: {  	[tilespmem:s23+$0x190] =	vst v5;
	v1 =	vld.idx.msk [tilespmem:v1+s3+$0x0], $0xffff  }
0x282: {  	[tilespmem:s23+$0x1A0] =	vst v3  }
0x283: {  	[tilespmem:s23+$0x1B0] =	vst v6  }
0x284: {  	[tilespmem:s23+$0x1C0] =	vst v4  }
0x285: {  	[tilespmem:s23+$0x1D0] =	vst v0  }
0x286: {  	s30 =	sadd.s32 s22, s9;
	[tilespmem:s23+$0x1E0] =	vst v1  }
0x287: {  	[hbm4b:s30+s3] =	stream.linear.scatter [tilespmem:s18], [sflag:$0x1], $0x1000, $0x38;
	[tilespmem:$0x12200] =	vst v63  }
0x288: {  	_ =	swait.ge [sflag:s19], $0x1000  }
0x289: {  	[sflag:s19] =	ssyncset.done $0x0  }
0x28a: {  	s31 =	simm.s32 $0x10040;
	[sflag:s19] =	ssyncadd.s32 $0xFFFFF000  }
0x28b: {  	v7 =	vld [tilespmem:s31+$0x30]  }
0x28c: {  	v5 =	vld [tilespmem:s31+$0xFFFFFFD0]  }
0x28d: {  	v4 =	vld [tilespmem:s31+$0xFFFFFFE0]  }
0x28e: {  	v3 =	vld [tilespmem:s31+$0xFFFFFFF0]  }
0x28f: {  	v2 =	vld [tilespmem:s31+$0x0]  }
0x290: {  	v0 =	vld [tilespmem:s31+$0x10];
	v8 =	vadd.s32 $0x8000, v7  }
0x291: {  	v1 =	vld [tilespmem:s31+$0x20];
	v9 =	vadd.s32 $0x8000, v5  }
0x292: {  	v6 =	vld [tilespmem:s31+$0xFFFFFFC0];
	v10 =	vadd.s32 $0x8000, v4  }
0x293: {  	v11 =	vadd.s32 $0x8000, v3  }
0x294: {  	v12 =	vadd.s32 $0x8000, v2  }
0x295: {  	v13 =	vadd.s32 $0x8000, v0;
	v8 =	vld.idx.msk [tilespmem:v8+s3+$0x0], $0xffff  }
0x296: {  	v14 =	vadd.s32 $0x8000, v1;
	v9 =	vld.idx.msk [tilespmem:v9+s3+$0x0], $0xffff  }
0x297: {  	v16 =	vadd.s32 $0x8000, v6;
	v10 =	vld.idx.msk [tilespmem:v10+s3+$0x0], $0xffff  }
0x298: {  	v15 =	vadd.s32 $0x8400, v7;
	v11 =	vld.idx.msk [tilespmem:v11+s3+$0x0], $0xffff  }
0x299: {  	v17 =	vadd.s32 $0x8400, v5;
	v12 =	vld.idx.msk [tilespmem:v12+s3+$0x0], $0xffff  }
0x29a: {  	s23 =	simm.s32 $0x10400;
	v18 =	vadd.s32 $0x8400, v4;
	v13 =	vld.idx.msk [tilespmem:v13+s3+$0x0], $0xffff  }
0x29b: {  	v19 =	vadd.s32 $0x8400, v3;
	v14 =	vld.idx.msk [tilespmem:v14+s3+$0x0], $0xffff;
	[tilespmem:s23+$0xFFFFFE70] =	vst v8  }
0x29c: {  	v28 =	vadd.s32 $0x8400, v0;
	v16 =	vld.idx.msk [tilespmem:v16+s3+$0x0], $0xffff;
	[tilespmem:s23+$0xFFFFFE10] =	vst v9  }
0x29d: {  	v29 =	vadd.s32 $0x8400, v6;
	[tilespmem:s23+$0xFFFFFE20] =	vst v10;
	v9 =	vld.idx.msk [tilespmem:v15+s3+$0x0], $0xffff  }
0x29e: {  	v8 =	vadd.s32 $0x8400, v2;
	[tilespmem:s23+$0xFFFFFE30] =	vst v11;
	v10 =	vld.idx.msk [tilespmem:v17+s3+$0x0], $0xffff  }
0x29f: {  	v30 =	vadd.s32 $0x8400, v1;
	[tilespmem:s23+$0xFFFFFE40] =	vst v12;
	v18 =	vld.idx.msk [tilespmem:v18+s3+$0x0], $0xffff  }
0x2a0: {  	v11 =	vadd.s32 $0x8800, v7;
	[tilespmem:s23+$0xFFFFFE50] =	vst v13;
	v19 =	vld.idx.msk [tilespmem:v19+s3+$0x0], $0xffff  }
0x2a1: {  	v31 =	vadd.s32 $0x8800, v5;
	[tilespmem:s23+$0xFFFFFE00] =	vst v16;
	v15 =	vld.idx.msk [tilespmem:v28+s3+$0x0], $0xffff  }
0x2a2: {  	v32 =	vadd.s32 $0x8800, v4;
	[tilespmem:s23+$0xFFFFFE60] =	vst v14;
	v17 =	vld.idx.msk [tilespmem:v29+s3+$0x0], $0xffff  }
0x2a3: {  	v35 =	vadd.s32 $0x8800, v6;
	v8 =	vld.idx.msk [tilespmem:v8+s3+$0x0], $0xffff;
	[tilespmem:s23+$0xFFFFFEF0] =	vst v9  }
0x2a4: {  	v9 =	vadd.s32 $0x8800, v3;
	[tilespmem:s23+$0xFFFFFE90] =	vst v10;
	v10 =	vld.idx.msk [tilespmem:v30+s3+$0x0], $0xffff  }
0x2a5: {  	v33 =	vadd.s32 $0x8800, v2;
	[tilespmem:s23+$0xFFFFFEA0] =	vst v18;
	v11 =	vld.idx.msk [tilespmem:v11+s3+$0x0], $0xffff  }
0x2a6: {  	v36 =	vadd.s32 $0x8800, v0;
	[tilespmem:s23+$0xFFFFFEB0] =	vst v19;
	v13 =	vld.idx.msk [tilespmem:v31+s3+$0x0], $0xffff  }
0x2a7: {  	v34 =	vadd.s32 $0x8C00, v7;
	[tilespmem:s23+$0xFFFFFE80] =	vst v17;
	v14 =	vld.idx.msk [tilespmem:v32+s3+$0x0], $0xffff  }
0x2a8: {  	v37 =	vadd.s32 $0x8C00, v5;
	[tilespmem:s23+$0xFFFFFED0] =	vst v15;
	v18 =	vld.idx.msk [tilespmem:v35+s3+$0x0], $0xffff  }
0x2a9: {  	v40 =	vadd.s32 $0x8C00, v6;
	[tilespmem:s23+$0xFFFFFEC0] =	vst v8;
	v9 =	vld.idx.msk [tilespmem:v9+s3+$0x0], $0xffff  }
0x2aa: {  	v8 =	vadd.s32 $0x8800, v1;
	v16 =	vld.idx.msk [tilespmem:v33+s3+$0x0], $0xffff;
	[tilespmem:s23+$0xFFFFFEE0] =	vst v10  }
0x2ab: {  	v10 =	vld.idx.msk [tilespmem:v36+s3+$0x0], $0xffff;
	[tilespmem:s23+$0xFFFFFF70] =	vst v11;
	v11 =	vadd.s32 $0x8C00, v4  }
0x2ac: {  	v38 =	vadd.s32 $0x8C00, v3;
	[tilespmem:s23+$0xFFFFFF10] =	vst v13;
	v12 =	vld.idx.msk [tilespmem:v34+s3+$0x0], $0xffff  }
0x2ad: {  	v41 =	vadd.s32 $0x8C00, v2;
	[tilespmem:s23+$0xFFFFFF00] =	vst v18;
	v15 =	vld.idx.msk [tilespmem:v37+s3+$0x0], $0xffff  }
0x2ae: {  	v39 =	vadd.s32 $0x9000, v7;
	[tilespmem:s23+$0xFFFFFF20] =	vst v14;
	v19 =	vld.idx.msk [tilespmem:v40+s3+$0x0], $0xffff  }
0x2af: {  	v43 =	vadd.s32 $0x9000, v5;
	v8 =	vld.idx.msk [tilespmem:v8+s3+$0x0], $0xffff;
	[tilespmem:s23+$0xFFFFFF30] =	vst v9  }
0x2b0: {  	v45 =	vadd.s32 $0x9000, v6;
	[tilespmem:s23+$0xFFFFFF40] =	vst v16;
	v11 =	vld.idx.msk [tilespmem:v11+s3+$0x0], $0xffff  }
0x2b1: {  	v9 =	vadd.s32 $0x8C00, v0;
	[tilespmem:s23+$0xFFFFFF50] =	vst v10;
	v17 =	vld.idx.msk [tilespmem:v38+s3+$0x0], $0xffff  }
0x2b2: {  	v42 =	vadd.s32 $0x8C00, v1;
	v10 =	vld.idx.msk [tilespmem:v41+s3+$0x0], $0xffff;
	[tilespmem:s23+$0xFFFFFFF0] =	vst v12  }
0x2b3: {  	v44 =	vadd.s32 $0x9000, v4;
	[tilespmem:s23+$0xFFFFFF90] =	vst v15;
	v13 =	vld.idx.msk [tilespmem:v39+s3+$0x0], $0xffff  }
0x2b4: {  	v46 =	vadd.s32 $0x9000, v3;
	[tilespmem:s23+$0xFFFFFF80] =	vst v19;
	v12 =	vld.idx.msk [tilespmem:v43+s3+$0x0], $0xffff  }
0x2b5: {  	v47 =	vadd.s32 $0x9000, v2;
	v14 =	vld.idx.msk [tilespmem:v45+s3+$0x0], $0xffff;
	[tilespmem:s23+$0xFFFFFF60] =	vst v8  }
0x2b6: {  	v8 =	vadd.s32 $0x9400, v7;
	v9 =	vld.idx.msk [tilespmem:v9+s3+$0x0], $0xffff;
	[tilespmem:s23+$0xFFFFFFA0] =	vst v11  }
0x2b7: {  	v50 =	vadd.s32 $0x9400, v5;
	v11 =	vld.idx.msk [tilespmem:v42+s3+$0x0], $0xffff;
	[tilespmem:s23+$0xFFFFFFB0] =	vst v17  }
0x2b8: {  	v51 =	vadd.s32 $0x9400, v6;
	[tilespmem:s23+$0xFFFFFFC0] =	vst v10;
	v18 =	vld.idx.msk [tilespmem:v44+s3+$0x0], $0xffff  }
0x2b9: {  	v48 =	vadd.s32 $0x9000, v0;
	v10 =	vld.idx.msk [tilespmem:v46+s3+$0x0], $0xffff;
	[tilespmem:s23+$0x70] =	vst v13  }
0x2ba: {  	v49 =	vadd.s32 $0x9000, v1;
	v16 =	vld.idx.msk [tilespmem:v47+s3+$0x0], $0xffff;
	[tilespmem:s23+$0x10] =	vst v12  }
0x2bb: {  	v53 =	vadd.s32 $0x9400, v3;
	[tilespmem:s23+$0x0] =	vst v14;
	v8 =	vld.idx.msk [tilespmem:v8+s3+$0x0], $0xffff  }
0x2bc: {  	v54 =	vadd.s32 $0x9400, v2;
	v19 =	vld.idx.msk [tilespmem:v50+s3+$0x0], $0xffff;
	[tilespmem:s23+$0xFFFFFFD0] =	vst v9  }
0x2bd: {  	v15 =	vld.idx.msk [tilespmem:v51+s3+$0x0], $0xffff;
	v9 =	vadd.s32 $0x9800, v7;
	[tilespmem:s23+$0xFFFFFFE0] =	vst v11  }
0x2be: {  	v57 =	vadd.s32 $0x9800, v5;
	v52 =	vld.idx.msk [tilespmem:v48+s3+$0x0], $0xffff;
	[tilespmem:s23+$0x20] =	vst v18  }
0x2bf: {  	v11 =	vadd.s32 $0x9400, v4;
	v13 =	vld.idx.msk [tilespmem:v49+s3+$0x0], $0xffff;
	[tilespmem:s23+$0x30] =	vst v10  }
0x2c0: {  	v55 =	vadd.s32 $0x9400, v1;
	[tilespmem:s23+$0x40] =	vst v16;
	v56 =	vld.idx.msk [tilespmem:v53+s3+$0x0], $0xffff  }
0x2c1: {  	v58 =	vld.idx.msk [tilespmem:v54+s3+$0x0], $0xffff;
	[tilespmem:s23+$0xF0] =	vst v8;
	v8 =	vadd.s32 $0x9400, v0  }
0x2c2: {  	v60 =	vadd.s32 $0x9800, v3;
	[tilespmem:s23+$0x90] =	vst v19;
	v9 =	vld.idx.msk [tilespmem:v9+s3+$0x0], $0xffff  }
0x2c3: {  	v7 =	vadd.s32 $0x9C00, v7;
	[tilespmem:s23+$0x80] =	vst v15;
	v12 =	vld.idx.msk [tilespmem:v57+s3+$0x0], $0xffff  }
0x2c4: {  	v10 =	vld.idx.msk [tilespmem:v11+s3+$0x0], $0xffff;
	v11 =	vadd.s32 $0x9800, v6;
	[tilespmem:s23+$0x60] =	vst v13  }
0x2c5: {  	v5 =	vadd.s32 $0x9C00, v5;
	[tilespmem:s23+$0x50] =	vst v52;
	v14 =	vld.idx.msk [tilespmem:v55+s3+$0x0], $0xffff  }
0x2c6: {  	v59 =	vadd.s32 $0x9800, v4;
	[tilespmem:s23+$0xB0] =	vst v56;
	v8 =	vld.idx.msk [tilespmem:v8+s3+$0x0], $0xffff  }
0x2c7: {  	v16 =	vld.idx.msk [tilespmem:v60+s3+$0x0], $0xffff;
	[tilespmem:s23+$0x170] =	vst v9;
	v9 =	vadd.s32 $0x9800, v2  }
0x2c8: {  	v61 =	vadd.s32 $0x9800, v0;
	[tilespmem:s23+$0x110] =	vst v12;
	v7 =	vld.idx.msk [tilespmem:v7+s3+$0x0], $0xffff  }
0x2c9: {  	v11 =	vld.idx.msk [tilespmem:v11+s3+$0x0], $0xffff;
	[tilespmem:s23+$0xA0] =	vst v10;
	v10 =	vadd.s32 $0x9800, v1  }
0x2ca: {  	v6 =	vadd.s32 $0x9C00, v6;
	[tilespmem:s23+$0xC0] =	vst v58;
	v5 =	vld.idx.msk [tilespmem:v5+s3+$0x0], $0xffff  }
0x2cb: {  	v62 =	vadd.s32 $0x9C00, v3;
	v13 =	vld.idx.msk [tilespmem:v59+s3+$0x0], $0xffff;
	[tilespmem:s23+$0xE0] =	vst v14  }
0x2cc: {  	v4 =	vadd.s32 $0x9C00, v4;
	[tilespmem:s23+$0xD0] =	vst v8;
	v9 =	vld.idx.msk [tilespmem:v9+s3+$0x0], $0xffff  }
0x2cd: {  	v63 =	vadd.s32 $0x9C00, v2;
	[tilespmem:s23+$0x130] =	vst v16;
	v15 =	vld.idx.msk [tilespmem:v61+s3+$0x0], $0xffff  }
0x2ce: {  	[tilespmem:s23+$0x100] =	vst v11;
	v8 =	vld.idx.msk [tilespmem:v10+s3+$0x0], $0xffff  }
0x2cf: {  	[tilespmem:s23+$0x1F0] =	vst v7;
	v7 =	vld.idx.msk [tilespmem:v6+s3+$0x0], $0xffff  }
0x2d0: {  	[tilespmem:s23+$0x120] =	vst v13;
	v6 =	vld.idx.msk [tilespmem:v62+s3+$0x0], $0xffff  }
0x2d1: {  	v3 =	vld.idx.msk [tilespmem:v4+s3+$0x0], $0xffff;
	[tilespmem:s23+$0x140] =	vst v9  }
0x2d2: {  	s24 =	simm.s32 $0x0;
	s25 =	simm.s32 $0x100C0;
	v2 =	vadd.s32 $0x9C00, v0;
	v1 =	vadd.s32 $0x9C00, v1;
	[tilespmem:s23+$0x150] =	vst v15;
	v4 =	vld.idx.msk [tilespmem:v63+s3+$0x0], $0xffff  }
.LBB2_11:
0x2d3: {  	v0 =	vld [tilespmem:s25+$0x30];
	s24 =	sadd.s32 $0x8, s24;
	[tilespmem:s23+$0x160] =	vst v8  }
0x2d4: {  	v21 =	vld [tilespmem:s25+$0xFFFFFFD0];
	p0 =	slt.u32 s24, $0x18;
	[tilespmem:s23+$0x180] =	vst v7  }
0x2d5: {  	v22 =	vld [tilespmem:s25+$0xFFFFFFE0];
	[tilespmem:s23+$0x190] =	vst v5  }
0x2d6: {  	v23 =	vld [tilespmem:s25+$0xFFFFFFF0];
	[tilespmem:s23+$0x1A0] =	vst v3  }
0x2d7: {  	v24 =	vld [tilespmem:s25+$0x0];
	[tilespmem:s23+$0x1B0] =	vst v6  }
0x2d8: {  	v25 =	vld [tilespmem:s25+$0x10];
	v3 =	vadd.s32 $0x8000, v0;
	[tilespmem:s23+$0x1C0] =	vst v4  }
0x2d9: {  	v4 =	vadd.s32 $0x8000, v21;
	v5 =	vadd.s32 $0x8400, v21;
	v26 =	vadd.s32 $0x8800, v21;
	v27 =	vld [tilespmem:s25+$0x20]  }
0x2da: {  	v6 =	vld [tilespmem:s25+$0xFFFFFFC0];
	v7 =	vadd.s32 $0x8000, v22;
	v8 =	vadd.s32 $0x8400, v22;
	v28 =	vadd.s32 $0x8800, v22  }
0x2db: {  	v9 =	vadd.s32 $0x8000, v23;
	v11 =	vadd.s32 $0x8400, v23;
	v29 =	vadd.s32 $0x8800, v23;
	v2 =	vld.idx.msk [tilespmem:v2+s3+$0x0], $0xffff  }
0x2dc: {  	v10 =	vadd.s32 $0x8000, v24;
	v13 =	vadd.s32 $0x8400, v24;
	v30 =	vadd.s32 $0x8800, v24;
	v1 =	vld.idx.msk [tilespmem:v1+s3+$0x0], $0xffff  }
0x2dd: {  	v12 =	vadd.s32 $0x8000, v25;
	v31 =	vadd.s32 $0x8400, v25;
	v32 =	vadd.s32 $0x8800, v25;
	v3 =	vld.idx.msk [tilespmem:v3+s3+$0x0], $0xffff  }
0x2de: {  	v4 =	vld.idx.msk [tilespmem:v4+s3+$0x0], $0xffff;
	v14 =	vadd.s32 $0x8000, v27;
	v33 =	vadd.s32 $0x8400, v27;
	v34 =	vadd.s32 $0x8800, v27  }
0x2df: {  	v16 =	vadd.s32 $0x8400, v0;
	v15 =	vadd.s32 $0x8000, v6;
	v35 =	vadd.s32 $0x8400, v6;
	v7 =	vld.idx.msk [tilespmem:v7+s3+$0x0], $0xffff  }
0x2e0: {  	v38 =	vadd.s32 $0x8C00, v21;
	v36 =	vadd.s32 $0x8800, v6;
	v37 =	vadd.s32 $0x8C00, v6;
	v9 =	vld.idx.msk [tilespmem:v9+s3+$0x0], $0xffff  }
0x2e1: {  	v39 =	vadd.s32 $0x8C00, v22;
	v40 =	vadd.s32 $0x8C00, v23;
	v41 =	vadd.s32 $0x8C00, v24;
	v20 =	vld.idx.msk [tilespmem:v10+s3+$0x0], $0xffff;
	[tilespmem:s23+$0x1D0] =	vst v2  }
0x2e2: {  	v43 =	vadd.s32 $0x8C00, v25;
	v44 =	vadd.s32 $0x8C00, v27;
	v42 =	vadd.s32 $0x9000, v6;
	v2 =	vld.idx.msk [tilespmem:v12+s3+$0x0], $0xffff;
	[tilespmem:s23+$0x1E0] =	vst v1;
	s23 =	sadd.s32 $0x400, s23  }
0x2e3: {  	v45 =	vadd.s32 $0x9000, v21;
	v46 =	vadd.s32 $0x9000, v22;
	v47 =	vadd.s32 $0x9000, v23;
	v1 =	vld.idx.msk [tilespmem:v14+s3+$0x0], $0xffff;
	[tilespmem:s23+$0xFFFFFE70] =	vst v3  }
0x2e4: {  	v48 =	vadd.s32 $0x9000, v24;
	v49 =	vadd.s32 $0x9000, v25;
	v50 =	vadd.s32 $0x9000, v27;
	[tilespmem:s23+$0xFFFFFE10] =	vst v4;
	v4 =	vld.idx.msk [tilespmem:v16+s3+$0x0], $0xffff  }
0x2e5: {  	v52 =	vadd.s32 $0x9400, v21;
	v18 =	vadd.s32 $0x9400, v22;
	v17 =	vadd.s32 $0x9400, v6;
	v51 =	vld.idx.msk [tilespmem:v15+s3+$0x0], $0xffff;
	[tilespmem:s23+$0xFFFFFE20] =	vst v7  }
0x2e6: {  	v54 =	vadd.s32 $0x8800, v0;
	v19 =	vadd.s32 $0x9400, v23;
	v15 =	vadd.s32 $0x9400, v24;
	v53 =	vld.idx.msk [tilespmem:v5+s3+$0x0], $0xffff;
	[tilespmem:s23+$0xFFFFFE30] =	vst v9  }
0x2e7: {  	v10 =	vadd.s32 $0x9800, v6;
	v16 =	vadd.s32 $0x9400, v27;
	v55 =	vld.idx.msk [tilespmem:v8+s3+$0x0], $0xffff;
	[tilespmem:s23+$0xFFFFFE40] =	vst v20;
	v20 =	vadd.s32 $0x9400, v25  }
0x2e8: {  	v12 =	vadd.s32 $0x9800, v22;
	v14 =	vadd.s32 $0x9800, v21;
	v56 =	vld.idx.msk [tilespmem:v11+s3+$0x0], $0xffff;
	v11 =	vadd.s32 $0x9800, v23;
	[tilespmem:s23+$0xFFFFFE50] =	vst v2  }
0x2e9: {  	v9 =	vadd.s32 $0x9800, v25;
	v8 =	vadd.s32 $0x9800, v27;
	v57 =	vld.idx.msk [tilespmem:v13+s3+$0x0], $0xffff;
	v13 =	vadd.s32 $0x9800, v24;
	[tilespmem:s23+$0xFFFFFE60] =	vst v1  }
0x2ea: {  	v3 =	vadd.s32 $0x9C00, v22;
	v7 =	vadd.s32 $0x9C00, v6;
	v5 =	vadd.s32 $0x9C00, v21;
	v21 =	vld.idx.msk [tilespmem:v31+s3+$0x0], $0xffff;
	[tilespmem:s23+$0xFFFFFEF0] =	vst v4  }
0x2eb: {  	v6 =	vadd.s32 $0x9C00, v23;
	v2 =	vadd.s32 $0x9C00, v25;
	v4 =	vadd.s32 $0x9C00, v24;
	[tilespmem:s23+$0xFFFFFE00] =	vst v51;
	v22 =	vld.idx.msk [tilespmem:v54+s3+$0x0], $0xffff  }
0x2ec: {  	v1 =	vadd.s32 $0x9C00, v27;
	v23 =	vld.idx.msk [tilespmem:v35+s3+$0x0], $0xffff;
	[tilespmem:s23+$0xFFFFFE90] =	vst v53  }
0x2ed: {  	v25 =	vadd.s32 $0x8C00, v0;
	[tilespmem:s23+$0xFFFFFEA0] =	vst v55;
	v24 =	vld.idx.msk [tilespmem:v33+s3+$0x0], $0xffff  }
0x2ee: {  	v26 =	vld.idx.msk [tilespmem:v26+s3+$0x0], $0xffff;
	[tilespmem:s23+$0xFFFFFEB0] =	vst v56  }
0x2ef: {  	v27 =	vld.idx.msk [tilespmem:v28+s3+$0x0], $0xffff;
	[tilespmem:s23+$0xFFFFFEC0] =	vst v57  }
0x2f0: {  	v28 =	vld.idx.msk [tilespmem:v29+s3+$0x0], $0xffff;
	[tilespmem:s23+$0xFFFFFED0] =	vst v21  }
0x2f1: {  	v21 =	vld.idx.msk [tilespmem:v30+s3+$0x0], $0xffff;
	[tilespmem:s23+$0xFFFFFF70] =	vst v22  }
0x2f2: {  	[tilespmem:s23+$0xFFFFFE80] =	vst v23;
	v22 =	vld.idx.msk [tilespmem:v25+s3+$0x0], $0xffff  }
0x2f3: {  	v23 =	vld.idx.msk [tilespmem:v36+s3+$0x0], $0xffff;
	[tilespmem:s23+$0xFFFFFEE0] =	vst v24  }
0x2f4: {  	v25 =	vadd.s32 $0x9000, v0;
	[tilespmem:s23+$0xFFFFFF10] =	vst v26;
	v24 =	vld.idx.msk [tilespmem:v32+s3+$0x0], $0xffff  }
0x2f5: {  	[tilespmem:s23+$0xFFFFFF20] =	vst v27;
	v26 =	vld.idx.msk [tilespmem:v34+s3+$0x0], $0xffff  }
0x2f6: {  	v27 =	vld.idx.msk [tilespmem:v38+s3+$0x0], $0xffff;
	[tilespmem:s23+$0xFFFFFF30] =	vst v28  }
0x2f7: {  	v28 =	vld.idx.msk [tilespmem:v39+s3+$0x0], $0xffff;
	[tilespmem:s23+$0xFFFFFF40] =	vst v21  }
0x2f8: {  	v21 =	vld.idx.msk [tilespmem:v40+s3+$0x0], $0xffff;
	[tilespmem:s23+$0xFFFFFFF0] =	vst v22  }
0x2f9: {  	[tilespmem:s23+$0xFFFFFF00] =	vst v23;
	v22 =	vld.idx.msk [tilespmem:v25+s3+$0x0], $0xffff  }
0x2fa: {  	v23 =	vld.idx.msk [tilespmem:v37+s3+$0x0], $0xffff;
	[tilespmem:s23+$0xFFFFFF50] =	vst v24  }
0x2fb: {  	v25 =	vadd.s32 $0x9400, v0;
	v24 =	vld.idx.msk [tilespmem:v41+s3+$0x0], $0xffff;
	[tilespmem:s23+$0xFFFFFF60] =	vst v26  }
0x2fc: {  	[tilespmem:s23+$0xFFFFFF90] =	vst v27;
	v26 =	vld.idx.msk [tilespmem:v43+s3+$0x0], $0xffff  }
0x2fd: {  	[tilespmem:s23+$0xFFFFFFA0] =	vst v28;
	v27 =	vld.idx.msk [tilespmem:v44+s3+$0x0], $0xffff  }
0x2fe: {  	v28 =	vld.idx.msk [tilespmem:v45+s3+$0x0], $0xffff;
	[tilespmem:s23+$0xFFFFFFB0] =	vst v21  }
0x2ff: {  	v21 =	vld.idx.msk [tilespmem:v46+s3+$0x0], $0xffff;
	[tilespmem:s23+$0x70] =	vst v22  }
0x300: {  	[tilespmem:s23+$0xFFFFFF80] =	vst v23;
	v22 =	vld.idx.msk [tilespmem:v25+s3+$0x0], $0xffff  }
0x301: {  	v23 =	vld.idx.msk [tilespmem:v42+s3+$0x0], $0xffff;
	[tilespmem:s23+$0xFFFFFFC0] =	vst v24  }
0x302: {  	v25 =	vadd.s32 $0x9800, v0;
	v24 =	vld.idx.msk [tilespmem:v47+s3+$0x0], $0xffff;
	[tilespmem:s23+$0xFFFFFFD0] =	vst v26  }
0x303: {  	v26 =	vld.idx.msk [tilespmem:v48+s3+$0x0], $0xffff;
	[tilespmem:s23+$0xFFFFFFE0] =	vst v27  }
0x304: {  	[tilespmem:s23+$0x10] =	vst v28;
	v27 =	vld.idx.msk [tilespmem:v49+s3+$0x0], $0xffff  }
0x305: {  	[tilespmem:s23+$0x20] =	vst v21;
	v21 =	vld.idx.msk [tilespmem:v50+s3+$0x0], $0xffff  }
0x306: {  	v28 =	vld.idx.msk [tilespmem:v52+s3+$0x0], $0xffff;
	[tilespmem:s23+$0xF0] =	vst v22  }
0x307: {  	[tilespmem:s23+$0x0] =	vst v23;
	v22 =	vld.idx.msk [tilespmem:v25+s3+$0x0], $0xffff  }
0x308: {  	v17 =	vld.idx.msk [tilespmem:v17+s3+$0x0], $0xffff;
	[tilespmem:s23+$0x30] =	vst v24  }
0x309: {  	v0 =	vadd.s32 $0x9C00, v0;
	v18 =	vld.idx.msk [tilespmem:v18+s3+$0x0], $0xffff;
	[tilespmem:s23+$0x40] =	vst v26  }
0x30a: {  	v19 =	vld.idx.msk [tilespmem:v19+s3+$0x0], $0xffff;
	[tilespmem:s23+$0x50] =	vst v27  }
0x30b: {  	v15 =	vld.idx.msk [tilespmem:v15+s3+$0x0], $0xffff;
	[tilespmem:s23+$0x60] =	vst v21  }
0x30c: {  	[tilespmem:s23+$0x90] =	vst v28;
	v20 =	vld.idx.msk [tilespmem:v20+s3+$0x0], $0xffff  }
0x30d: {  	v16 =	vld.idx.msk [tilespmem:v16+s3+$0x0], $0xffff;
	[tilespmem:s23+$0x170] =	vst v22  }
0x30e: {  	[tilespmem:s23+$0x80] =	vst v17;
	v0 =	vld.idx.msk [tilespmem:v0+s3+$0x0], $0xffff  }
0x30f: {  	v10 =	vld.idx.msk [tilespmem:v10+s3+$0x0], $0xffff;
	[tilespmem:s23+$0xA0] =	vst v18  }
0x310: {  	v14 =	vld.idx.msk [tilespmem:v14+s3+$0x0], $0xffff;
	[tilespmem:s23+$0xB0] =	vst v19  }
0x311: {  	v12 =	vld.idx.msk [tilespmem:v12+s3+$0x0], $0xffff;
	[tilespmem:s23+$0xC0] =	vst v15  }
0x312: {  	v11 =	vld.idx.msk [tilespmem:v11+s3+$0x0], $0xffff;
	[tilespmem:s23+$0xD0] =	vst v20  }
0x313: {  	v13 =	vld.idx.msk [tilespmem:v13+s3+$0x0], $0xffff;
	[tilespmem:s23+$0xE0] =	vst v16  }
0x314: {  	v9 =	vld.idx.msk [tilespmem:v9+s3+$0x0], $0xffff;
	[tilespmem:s23+$0x1F0] =	vst v0  }
0x315: {  	[tilespmem:s23+$0x100] =	vst v10;
	v8 =	vld.idx.msk [tilespmem:v8+s3+$0x0], $0xffff  }
.Ltmp4:
0x316: {  	v7 =	vld.idx.msk [tilespmem:v7+s3+$0x0], $0xffff;
	[tilespmem:s23+$0x110] =	vst v14;
	(pc) =	sbr.rel @p0 .LBB2_11-.Ltmp4, $4  }
0x317: {  	v5 =	vld.idx.msk [tilespmem:v5+s3+$0x0], $0xffff;
	[tilespmem:s23+$0x120] =	vst v12  }
0x318: {  	v3 =	vld.idx.msk [tilespmem:v3+s3+$0x0], $0xffff;
	[tilespmem:s23+$0x130] =	vst v11  }
0x319: {  	v6 =	vld.idx.msk [tilespmem:v6+s3+$0x0], $0xffff;
	[tilespmem:s23+$0x140] =	vst v13  }
0x31a: {  	s25 =	sadd.s32 $0x80, s25;
	v4 =	vld.idx.msk [tilespmem:v4+s3+$0x0], $0xffff;
	[tilespmem:s23+$0x150] =	vst v9  }
0x31b: {  	_ =	sdelay $0x2  }
0x31c: {  	[tilespmem:s23+$0x160] =	vst v8  }
0x31d: {  	[tilespmem:s23+$0x180] =	vst v7;
	v0 =	vld.idx.msk [tilespmem:v2+s3+$0x0], $0xffff  }
0x31e: {  	[tilespmem:s23+$0x190] =	vst v5;
	v1 =	vld.idx.msk [tilespmem:v1+s3+$0x0], $0xffff  }
0x31f: {  	[tilespmem:s23+$0x1A0] =	vst v3  }
0x320: {  	[tilespmem:s23+$0x1B0] =	vst v6  }
0x321: {  	[tilespmem:s23+$0x1C0] =	vst v4  }
0x322: {  	[tilespmem:s23+$0x1D0] =	vst v0  }
0x323: {  	s30 =	sadd.s32 s22, s10;
	[tilespmem:s23+$0x1E0] =	vst v1  }
0x324: {  	[hbm4b:s30+s3] =	stream.linear.scatter [tilespmem:s17], [sflag:$0x1], $0x1000, $0x38;
	[tilespmem:$0x12200] =	vst v63  }
0x325: {  	_ =	swait.ge [sflag:s19], $0x1000  }
0x326: {  	[sflag:s19] =	ssyncset.done $0x0  }
0x327: {  	s31 =	simm.s32 $0x10040;
	[sflag:s19] =	ssyncadd.s32 $0xFFFFF000  }
0x328: {  	v7 =	vld [tilespmem:s31+$0x30]  }
0x329: {  	v5 =	vld [tilespmem:s31+$0xFFFFFFD0]  }
0x32a: {  	v4 =	vld [tilespmem:s31+$0xFFFFFFE0]  }
0x32b: {  	v3 =	vld [tilespmem:s31+$0xFFFFFFF0]  }
0x32c: {  	v2 =	vld [tilespmem:s31+$0x0]  }
0x32d: {  	v0 =	vld [tilespmem:s31+$0x10];
	v8 =	vadd.s32 $0xA000, v7  }
0x32e: {  	v1 =	vld [tilespmem:s31+$0x20];
	v9 =	vadd.s32 $0xA000, v5  }
0x32f: {  	v6 =	vld [tilespmem:s31+$0xFFFFFFC0];
	v10 =	vadd.s32 $0xA000, v4  }
0x330: {  	v11 =	vadd.s32 $0xA000, v3  }
0x331: {  	v12 =	vadd.s32 $0xA000, v2  }
0x332: {  	v13 =	vadd.s32 $0xA000, v0;
	v8 =	vld.idx.msk [tilespmem:v8+s3+$0x0], $0xffff  }
0x333: {  	v14 =	vadd.s32 $0xA000, v1;
	v9 =	vld.idx.msk [tilespmem:v9+s3+$0x0], $0xffff  }
0x334: {  	v16 =	vadd.s32 $0xA000, v6;
	v10 =	vld.idx.msk [tilespmem:v10+s3+$0x0], $0xffff  }
0x335: {  	v15 =	vadd.s32 $0xA400, v7;
	v11 =	vld.idx.msk [tilespmem:v11+s3+$0x0], $0xffff  }
0x336: {  	v17 =	vadd.s32 $0xA400, v5;
	v12 =	vld.idx.msk [tilespmem:v12+s3+$0x0], $0xffff  }
0x337: {  	s23 =	simm.s32 $0x11400;
	v18 =	vadd.s32 $0xA400, v4;
	v13 =	vld.idx.msk [tilespmem:v13+s3+$0x0], $0xffff  }
0x338: {  	v19 =	vadd.s32 $0xA400, v3;
	v14 =	vld.idx.msk [tilespmem:v14+s3+$0x0], $0xffff;
	[tilespmem:s23+$0xFFFFFE70] =	vst v8  }
0x339: {  	v28 =	vadd.s32 $0xA400, v0;
	v16 =	vld.idx.msk [tilespmem:v16+s3+$0x0], $0xffff;
	[tilespmem:s23+$0xFFFFFE10] =	vst v9  }
0x33a: {  	v29 =	vadd.s32 $0xA400, v6;
	[tilespmem:s23+$0xFFFFFE20] =	vst v10;
	v9 =	vld.idx.msk [tilespmem:v15+s3+$0x0], $0xffff  }
0x33b: {  	v8 =	vadd.s32 $0xA400, v2;
	[tilespmem:s23+$0xFFFFFE30] =	vst v11;
	v10 =	vld.idx.msk [tilespmem:v17+s3+$0x0], $0xffff  }
0x33c: {  	v30 =	vadd.s32 $0xA400, v1;
	[tilespmem:s23+$0xFFFFFE40] =	vst v12;
	v18 =	vld.idx.msk [tilespmem:v18+s3+$0x0], $0xffff  }
0x33d: {  	v11 =	vadd.s32 $0xA800, v7;
	[tilespmem:s23+$0xFFFFFE50] =	vst v13;
	v19 =	vld.idx.msk [tilespmem:v19+s3+$0x0], $0xffff  }
0x33e: {  	v31 =	vadd.s32 $0xA800, v5;
	[tilespmem:s23+$0xFFFFFE00] =	vst v16;
	v15 =	vld.idx.msk [tilespmem:v28+s3+$0x0], $0xffff  }
0x33f: {  	v32 =	vadd.s32 $0xA800, v4;
	[tilespmem:s23+$0xFFFFFE60] =	vst v14;
	v17 =	vld.idx.msk [tilespmem:v29+s3+$0x0], $0xffff  }
0x340: {  	v35 =	vadd.s32 $0xA800, v6;
	v8 =	vld.idx.msk [tilespmem:v8+s3+$0x0], $0xffff;
	[tilespmem:s23+$0xFFFFFEF0] =	vst v9  }
0x341: {  	v9 =	vadd.s32 $0xA800, v3;
	[tilespmem:s23+$0xFFFFFE90] =	vst v10;
	v10 =	vld.idx.msk [tilespmem:v30+s3+$0x0], $0xffff  }
0x342: {  	v33 =	vadd.s32 $0xA800, v2;
	[tilespmem:s23+$0xFFFFFEA0] =	vst v18;
	v11 =	vld.idx.msk [tilespmem:v11+s3+$0x0], $0xffff  }
0x343: {  	v36 =	vadd.s32 $0xA800, v0;
	[tilespmem:s23+$0xFFFFFEB0] =	vst v19;
	v13 =	vld.idx.msk [tilespmem:v31+s3+$0x0], $0xffff  }
0x344: {  	v34 =	vadd.s32 $0xAC00, v7;
	[tilespmem:s23+$0xFFFFFE80] =	vst v17;
	v14 =	vld.idx.msk [tilespmem:v32+s3+$0x0], $0xffff  }
0x345: {  	v37 =	vadd.s32 $0xAC00, v5;
	[tilespmem:s23+$0xFFFFFED0] =	vst v15;
	v18 =	vld.idx.msk [tilespmem:v35+s3+$0x0], $0xffff  }
0x346: {  	v40 =	vadd.s32 $0xAC00, v6;
	[tilespmem:s23+$0xFFFFFEC0] =	vst v8;
	v9 =	vld.idx.msk [tilespmem:v9+s3+$0x0], $0xffff  }
0x347: {  	v8 =	vadd.s32 $0xA800, v1;
	v16 =	vld.idx.msk [tilespmem:v33+s3+$0x0], $0xffff;
	[tilespmem:s23+$0xFFFFFEE0] =	vst v10  }
0x348: {  	v10 =	vld.idx.msk [tilespmem:v36+s3+$0x0], $0xffff;
	[tilespmem:s23+$0xFFFFFF70] =	vst v11;
	v11 =	vadd.s32 $0xAC00, v4  }
0x349: {  	v38 =	vadd.s32 $0xAC00, v3;
	[tilespmem:s23+$0xFFFFFF10] =	vst v13;
	v12 =	vld.idx.msk [tilespmem:v34+s3+$0x0], $0xffff  }
0x34a: {  	v41 =	vadd.s32 $0xAC00, v2;
	[tilespmem:s23+$0xFFFFFF00] =	vst v18;
	v15 =	vld.idx.msk [tilespmem:v37+s3+$0x0], $0xffff  }
0x34b: {  	v39 =	vadd.s32 $0xB000, v7;
	[tilespmem:s23+$0xFFFFFF20] =	vst v14;
	v19 =	vld.idx.msk [tilespmem:v40+s3+$0x0], $0xffff  }
0x34c: {  	v43 =	vadd.s32 $0xB000, v5;
	v8 =	vld.idx.msk [tilespmem:v8+s3+$0x0], $0xffff;
	[tilespmem:s23+$0xFFFFFF30] =	vst v9  }
0x34d: {  	v45 =	vadd.s32 $0xB000, v6;
	[tilespmem:s23+$0xFFFFFF40] =	vst v16;
	v11 =	vld.idx.msk [tilespmem:v11+s3+$0x0], $0xffff  }
0x34e: {  	v9 =	vadd.s32 $0xAC00, v0;
	[tilespmem:s23+$0xFFFFFF50] =	vst v10;
	v17 =	vld.idx.msk [tilespmem:v38+s3+$0x0], $0xffff  }
0x34f: {  	v42 =	vadd.s32 $0xAC00, v1;
	v10 =	vld.idx.msk [tilespmem:v41+s3+$0x0], $0xffff;
	[tilespmem:s23+$0xFFFFFFF0] =	vst v12  }
0x350: {  	v44 =	vadd.s32 $0xB000, v4;
	[tilespmem:s23+$0xFFFFFF90] =	vst v15;
	v13 =	vld.idx.msk [tilespmem:v39+s3+$0x0], $0xffff  }
0x351: {  	v46 =	vadd.s32 $0xB000, v3;
	[tilespmem:s23+$0xFFFFFF80] =	vst v19;
	v12 =	vld.idx.msk [tilespmem:v43+s3+$0x0], $0xffff  }
0x352: {  	v47 =	vadd.s32 $0xB000, v2;
	v14 =	vld.idx.msk [tilespmem:v45+s3+$0x0], $0xffff;
	[tilespmem:s23+$0xFFFFFF60] =	vst v8  }
0x353: {  	v8 =	vadd.s32 $0xB400, v7;
	v9 =	vld.idx.msk [tilespmem:v9+s3+$0x0], $0xffff;
	[tilespmem:s23+$0xFFFFFFA0] =	vst v11  }
0x354: {  	v50 =	vadd.s32 $0xB400, v5;
	v11 =	vld.idx.msk [tilespmem:v42+s3+$0x0], $0xffff;
	[tilespmem:s23+$0xFFFFFFB0] =	vst v17  }
0x355: {  	v51 =	vadd.s32 $0xB400, v6;
	[tilespmem:s23+$0xFFFFFFC0] =	vst v10;
	v18 =	vld.idx.msk [tilespmem:v44+s3+$0x0], $0xffff  }
0x356: {  	v48 =	vadd.s32 $0xB000, v0;
	v10 =	vld.idx.msk [tilespmem:v46+s3+$0x0], $0xffff;
	[tilespmem:s23+$0x70] =	vst v13  }
0x357: {  	v49 =	vadd.s32 $0xB000, v1;
	v16 =	vld.idx.msk [tilespmem:v47+s3+$0x0], $0xffff;
	[tilespmem:s23+$0x10] =	vst v12  }
0x358: {  	v53 =	vadd.s32 $0xB400, v3;
	[tilespmem:s23+$0x0] =	vst v14;
	v8 =	vld.idx.msk [tilespmem:v8+s3+$0x0], $0xffff  }
0x359: {  	v54 =	vadd.s32 $0xB400, v2;
	v19 =	vld.idx.msk [tilespmem:v50+s3+$0x0], $0xffff;
	[tilespmem:s23+$0xFFFFFFD0] =	vst v9  }
0x35a: {  	v15 =	vld.idx.msk [tilespmem:v51+s3+$0x0], $0xffff;
	v9 =	vadd.s32 $0xB800, v7;
	[tilespmem:s23+$0xFFFFFFE0] =	vst v11  }
0x35b: {  	v57 =	vadd.s32 $0xB800, v5;
	v52 =	vld.idx.msk [tilespmem:v48+s3+$0x0], $0xffff;
	[tilespmem:s23+$0x20] =	vst v18  }
0x35c: {  	v11 =	vadd.s32 $0xB400, v4;
	v13 =	vld.idx.msk [tilespmem:v49+s3+$0x0], $0xffff;
	[tilespmem:s23+$0x30] =	vst v10  }
0x35d: {  	v55 =	vadd.s32 $0xB400, v1;
	[tilespmem:s23+$0x40] =	vst v16;
	v56 =	vld.idx.msk [tilespmem:v53+s3+$0x0], $0xffff  }
0x35e: {  	v58 =	vld.idx.msk [tilespmem:v54+s3+$0x0], $0xffff;
	[tilespmem:s23+$0xF0] =	vst v8;
	v8 =	vadd.s32 $0xB400, v0  }
0x35f: {  	v60 =	vadd.s32 $0xB800, v3;
	[tilespmem:s23+$0x90] =	vst v19;
	v9 =	vld.idx.msk [tilespmem:v9+s3+$0x0], $0xffff  }
0x360: {  	v7 =	vadd.s32 $0xBC00, v7;
	[tilespmem:s23+$0x80] =	vst v15;
	v12 =	vld.idx.msk [tilespmem:v57+s3+$0x0], $0xffff  }
0x361: {  	v10 =	vld.idx.msk [tilespmem:v11+s3+$0x0], $0xffff;
	v11 =	vadd.s32 $0xB800, v6;
	[tilespmem:s23+$0x60] =	vst v13  }
0x362: {  	v5 =	vadd.s32 $0xBC00, v5;
	[tilespmem:s23+$0x50] =	vst v52;
	v14 =	vld.idx.msk [tilespmem:v55+s3+$0x0], $0xffff  }
0x363: {  	v59 =	vadd.s32 $0xB800, v4;
	[tilespmem:s23+$0xB0] =	vst v56;
	v8 =	vld.idx.msk [tilespmem:v8+s3+$0x0], $0xffff  }
0x364: {  	v16 =	vld.idx.msk [tilespmem:v60+s3+$0x0], $0xffff;
	[tilespmem:s23+$0x170] =	vst v9;
	v9 =	vadd.s32 $0xB800, v2  }
0x365: {  	v61 =	vadd.s32 $0xB800, v0;
	[tilespmem:s23+$0x110] =	vst v12;
	v7 =	vld.idx.msk [tilespmem:v7+s3+$0x0], $0xffff  }
0x366: {  	v11 =	vld.idx.msk [tilespmem:v11+s3+$0x0], $0xffff;
	[tilespmem:s23+$0xA0] =	vst v10;
	v10 =	vadd.s32 $0xB800, v1  }
0x367: {  	v6 =	vadd.s32 $0xBC00, v6;
	[tilespmem:s23+$0xC0] =	vst v58;
	v5 =	vld.idx.msk [tilespmem:v5+s3+$0x0], $0xffff  }
0x368: {  	v62 =	vadd.s32 $0xBC00, v3;
	v13 =	vld.idx.msk [tilespmem:v59+s3+$0x0], $0xffff;
	[tilespmem:s23+$0xE0] =	vst v14  }
0x369: {  	v4 =	vadd.s32 $0xBC00, v4;
	[tilespmem:s23+$0xD0] =	vst v8;
	v9 =	vld.idx.msk [tilespmem:v9+s3+$0x0], $0xffff  }
0x36a: {  	v63 =	vadd.s32 $0xBC00, v2;
	[tilespmem:s23+$0x130] =	vst v16;
	v15 =	vld.idx.msk [tilespmem:v61+s3+$0x0], $0xffff  }
0x36b: {  	[tilespmem:s23+$0x100] =	vst v11;
	v8 =	vld.idx.msk [tilespmem:v10+s3+$0x0], $0xffff  }
0x36c: {  	[tilespmem:s23+$0x1F0] =	vst v7;
	v7 =	vld.idx.msk [tilespmem:v6+s3+$0x0], $0xffff  }
0x36d: {  	[tilespmem:s23+$0x120] =	vst v13;
	v6 =	vld.idx.msk [tilespmem:v62+s3+$0x0], $0xffff  }
0x36e: {  	v3 =	vld.idx.msk [tilespmem:v4+s3+$0x0], $0xffff;
	[tilespmem:s23+$0x140] =	vst v9  }
0x36f: {  	s24 =	simm.s32 $0x0;
	s25 =	simm.s32 $0x100C0;
	v2 =	vadd.s32 $0xBC00, v0;
	v1 =	vadd.s32 $0xBC00, v1;
	[tilespmem:s23+$0x150] =	vst v15;
	v4 =	vld.idx.msk [tilespmem:v63+s3+$0x0], $0xffff  }
.LBB2_13:
0x370: {  	v0 =	vld [tilespmem:s25+$0x30];
	s24 =	sadd.s32 $0x8, s24;
	[tilespmem:s23+$0x160] =	vst v8  }
0x371: {  	v21 =	vld [tilespmem:s25+$0xFFFFFFD0];
	p0 =	slt.u32 s24, $0x18;
	[tilespmem:s23+$0x180] =	vst v7  }
0x372: {  	v22 =	vld [tilespmem:s25+$0xFFFFFFE0];
	[tilespmem:s23+$0x190] =	vst v5  }
0x373: {  	v23 =	vld [tilespmem:s25+$0xFFFFFFF0];
	[tilespmem:s23+$0x1A0] =	vst v3  }
0x374: {  	v24 =	vld [tilespmem:s25+$0x0];
	[tilespmem:s23+$0x1B0] =	vst v6  }
0x375: {  	v25 =	vld [tilespmem:s25+$0x10];
	v3 =	vadd.s32 $0xA000, v0;
	[tilespmem:s23+$0x1C0] =	vst v4  }
0x376: {  	v4 =	vadd.s32 $0xA000, v21;
	v5 =	vadd.s32 $0xA400, v21;
	v26 =	vadd.s32 $0xA800, v21;
	v27 =	vld [tilespmem:s25+$0x20]  }
0x377: {  	v6 =	vld [tilespmem:s25+$0xFFFFFFC0];
	v7 =	vadd.s32 $0xA000, v22;
	v8 =	vadd.s32 $0xA400, v22;
	v28 =	vadd.s32 $0xA800, v22  }
0x378: {  	v9 =	vadd.s32 $0xA000, v23;
	v11 =	vadd.s32 $0xA400, v23;
	v29 =	vadd.s32 $0xA800, v23;
	v2 =	vld.idx.msk [tilespmem:v2+s3+$0x0], $0xffff  }
0x379: {  	v10 =	vadd.s32 $0xA000, v24;
	v13 =	vadd.s32 $0xA400, v24;
	v30 =	vadd.s32 $0xA800, v24;
	v1 =	vld.idx.msk [tilespmem:v1+s3+$0x0], $0xffff  }
0x37a: {  	v12 =	vadd.s32 $0xA000, v25;
	v31 =	vadd.s32 $0xA400, v25;
	v32 =	vadd.s32 $0xA800, v25;
	v3 =	vld.idx.msk [tilespmem:v3+s3+$0x0], $0xffff  }
0x37b: {  	v4 =	vld.idx.msk [tilespmem:v4+s3+$0x0], $0xffff;
	v14 =	vadd.s32 $0xA000, v27;
	v33 =	vadd.s32 $0xA400, v27;
	v34 =	vadd.s32 $0xA800, v27  }
0x37c: {  	v16 =	vadd.s32 $0xA400, v0;
	v15 =	vadd.s32 $0xA000, v6;
	v35 =	vadd.s32 $0xA400, v6;
	v7 =	vld.idx.msk [tilespmem:v7+s3+$0x0], $0xffff  }
0x37d: {  	v38 =	vadd.s32 $0xAC00, v21;
	v36 =	vadd.s32 $0xA800, v6;
	v37 =	vadd.s32 $0xAC00, v6;
	v9 =	vld.idx.msk [tilespmem:v9+s3+$0x0], $0xffff  }
0x37e: {  	v39 =	vadd.s32 $0xAC00, v22;
	v40 =	vadd.s32 $0xAC00, v23;
	v41 =	vadd.s32 $0xAC00, v24;
	v20 =	vld.idx.msk [tilespmem:v10+s3+$0x0], $0xffff;
	[tilespmem:s23+$0x1D0] =	vst v2  }
0x37f: {  	v43 =	vadd.s32 $0xAC00, v25;
	v44 =	vadd.s32 $0xAC00, v27;
	v42 =	vadd.s32 $0xB000, v6;
	v2 =	vld.idx.msk [tilespmem:v12+s3+$0x0], $0xffff;
	[tilespmem:s23+$0x1E0] =	vst v1;
	s23 =	sadd.s32 $0x400, s23  }
0x380: {  	v45 =	vadd.s32 $0xB000, v21;
	v46 =	vadd.s32 $0xB000, v22;
	v47 =	vadd.s32 $0xB000, v23;
	v1 =	vld.idx.msk [tilespmem:v14+s3+$0x0], $0xffff;
	[tilespmem:s23+$0xFFFFFE70] =	vst v3  }
0x381: {  	v48 =	vadd.s32 $0xB000, v24;
	v49 =	vadd.s32 $0xB000, v25;
	v50 =	vadd.s32 $0xB000, v27;
	[tilespmem:s23+$0xFFFFFE10] =	vst v4;
	v4 =	vld.idx.msk [tilespmem:v16+s3+$0x0], $0xffff  }
0x382: {  	v52 =	vadd.s32 $0xB400, v21;
	v18 =	vadd.s32 $0xB400, v22;
	v17 =	vadd.s32 $0xB400, v6;
	v51 =	vld.idx.msk [tilespmem:v15+s3+$0x0], $0xffff;
	[tilespmem:s23+$0xFFFFFE20] =	vst v7  }
0x383: {  	v54 =	vadd.s32 $0xA800, v0;
	v19 =	vadd.s32 $0xB400, v23;
	v15 =	vadd.s32 $0xB400, v24;
	v53 =	vld.idx.msk [tilespmem:v5+s3+$0x0], $0xffff;
	[tilespmem:s23+$0xFFFFFE30] =	vst v9  }
0x384: {  	v10 =	vadd.s32 $0xB800, v6;
	v16 =	vadd.s32 $0xB400, v27;
	v55 =	vld.idx.msk [tilespmem:v8+s3+$0x0], $0xffff;
	[tilespmem:s23+$0xFFFFFE40] =	vst v20;
	v20 =	vadd.s32 $0xB400, v25  }
0x385: {  	v12 =	vadd.s32 $0xB800, v22;
	v14 =	vadd.s32 $0xB800, v21;
	v56 =	vld.idx.msk [tilespmem:v11+s3+$0x0], $0xffff;
	v11 =	vadd.s32 $0xB800, v23;
	[tilespmem:s23+$0xFFFFFE50] =	vst v2  }
0x386: {  	v9 =	vadd.s32 $0xB800, v25;
	v8 =	vadd.s32 $0xB800, v27;
	v57 =	vld.idx.msk [tilespmem:v13+s3+$0x0], $0xffff;
	v13 =	vadd.s32 $0xB800, v24;
	[tilespmem:s23+$0xFFFFFE60] =	vst v1  }
0x387: {  	v3 =	vadd.s32 $0xBC00, v22;
	v7 =	vadd.s32 $0xBC00, v6;
	v5 =	vadd.s32 $0xBC00, v21;
	v21 =	vld.idx.msk [tilespmem:v31+s3+$0x0], $0xffff;
	[tilespmem:s23+$0xFFFFFEF0] =	vst v4  }
0x388: {  	v6 =	vadd.s32 $0xBC00, v23;
	v2 =	vadd.s32 $0xBC00, v25;
	v4 =	vadd.s32 $0xBC00, v24;
	[tilespmem:s23+$0xFFFFFE00] =	vst v51;
	v22 =	vld.idx.msk [tilespmem:v54+s3+$0x0], $0xffff  }
0x389: {  	v1 =	vadd.s32 $0xBC00, v27;
	v23 =	vld.idx.msk [tilespmem:v35+s3+$0x0], $0xffff;
	[tilespmem:s23+$0xFFFFFE90] =	vst v53  }
0x38a: {  	v25 =	vadd.s32 $0xAC00, v0;
	[tilespmem:s23+$0xFFFFFEA0] =	vst v55;
	v24 =	vld.idx.msk [tilespmem:v33+s3+$0x0], $0xffff  }
0x38b: {  	v26 =	vld.idx.msk [tilespmem:v26+s3+$0x0], $0xffff;
	[tilespmem:s23+$0xFFFFFEB0] =	vst v56  }
0x38c: {  	v27 =	vld.idx.msk [tilespmem:v28+s3+$0x0], $0xffff;
	[tilespmem:s23+$0xFFFFFEC0] =	vst v57  }
0x38d: {  	v28 =	vld.idx.msk [tilespmem:v29+s3+$0x0], $0xffff;
	[tilespmem:s23+$0xFFFFFED0] =	vst v21  }
0x38e: {  	v21 =	vld.idx.msk [tilespmem:v30+s3+$0x0], $0xffff;
	[tilespmem:s23+$0xFFFFFF70] =	vst v22  }
0x38f: {  	[tilespmem:s23+$0xFFFFFE80] =	vst v23;
	v22 =	vld.idx.msk [tilespmem:v25+s3+$0x0], $0xffff  }
0x390: {  	v23 =	vld.idx.msk [tilespmem:v36+s3+$0x0], $0xffff;
	[tilespmem:s23+$0xFFFFFEE0] =	vst v24  }
0x391: {  	v25 =	vadd.s32 $0xB000, v0;
	[tilespmem:s23+$0xFFFFFF10] =	vst v26;
	v24 =	vld.idx.msk [tilespmem:v32+s3+$0x0], $0xffff  }
0x392: {  	[tilespmem:s23+$0xFFFFFF20] =	vst v27;
	v26 =	vld.idx.msk [tilespmem:v34+s3+$0x0], $0xffff  }
0x393: {  	v27 =	vld.idx.msk [tilespmem:v38+s3+$0x0], $0xffff;
	[tilespmem:s23+$0xFFFFFF30] =	vst v28  }
0x394: {  	v28 =	vld.idx.msk [tilespmem:v39+s3+$0x0], $0xffff;
	[tilespmem:s23+$0xFFFFFF40] =	vst v21  }
0x395: {  	v21 =	vld.idx.msk [tilespmem:v40+s3+$0x0], $0xffff;
	[tilespmem:s23+$0xFFFFFFF0] =	vst v22  }
0x396: {  	[tilespmem:s23+$0xFFFFFF00] =	vst v23;
	v22 =	vld.idx.msk [tilespmem:v25+s3+$0x0], $0xffff  }
0x397: {  	v23 =	vld.idx.msk [tilespmem:v37+s3+$0x0], $0xffff;
	[tilespmem:s23+$0xFFFFFF50] =	vst v24  }
0x398: {  	v25 =	vadd.s32 $0xB400, v0;
	v24 =	vld.idx.msk [tilespmem:v41+s3+$0x0], $0xffff;
	[tilespmem:s23+$0xFFFFFF60] =	vst v26  }
0x399: {  	[tilespmem:s23+$0xFFFFFF90] =	vst v27;
	v26 =	vld.idx.msk [tilespmem:v43+s3+$0x0], $0xffff  }
0x39a: {  	[tilespmem:s23+$0xFFFFFFA0] =	vst v28;
	v27 =	vld.idx.msk [tilespmem:v44+s3+$0x0], $0xffff  }
0x39b: {  	v28 =	vld.idx.msk [tilespmem:v45+s3+$0x0], $0xffff;
	[tilespmem:s23+$0xFFFFFFB0] =	vst v21  }
0x39c: {  	v21 =	vld.idx.msk [tilespmem:v46+s3+$0x0], $0xffff;
	[tilespmem:s23+$0x70] =	vst v22  }
0x39d: {  	[tilespmem:s23+$0xFFFFFF80] =	vst v23;
	v22 =	vld.idx.msk [tilespmem:v25+s3+$0x0], $0xffff  }
0x39e: {  	v23 =	vld.idx.msk [tilespmem:v42+s3+$0x0], $0xffff;
	[tilespmem:s23+$0xFFFFFFC0] =	vst v24  }
0x39f: {  	v25 =	vadd.s32 $0xB800, v0;
	v24 =	vld.idx.msk [tilespmem:v47+s3+$0x0], $0xffff;
	[tilespmem:s23+$0xFFFFFFD0] =	vst v26  }
0x3a0: {  	v26 =	vld.idx.msk [tilespmem:v48+s3+$0x0], $0xffff;
	[tilespmem:s23+$0xFFFFFFE0] =	vst v27  }
0x3a1: {  	[tilespmem:s23+$0x10] =	vst v28;
	v27 =	vld.idx.msk [tilespmem:v49+s3+$0x0], $0xffff  }
0x3a2: {  	[tilespmem:s23+$0x20] =	vst v21;
	v21 =	vld.idx.msk [tilespmem:v50+s3+$0x0], $0xffff  }
0x3a3: {  	v28 =	vld.idx.msk [tilespmem:v52+s3+$0x0], $0xffff;
	[tilespmem:s23+$0xF0] =	vst v22  }
0x3a4: {  	[tilespmem:s23+$0x0] =	vst v23;
	v22 =	vld.idx.msk [tilespmem:v25+s3+$0x0], $0xffff  }
0x3a5: {  	v17 =	vld.idx.msk [tilespmem:v17+s3+$0x0], $0xffff;
	[tilespmem:s23+$0x30] =	vst v24  }
0x3a6: {  	v0 =	vadd.s32 $0xBC00, v0;
	v18 =	vld.idx.msk [tilespmem:v18+s3+$0x0], $0xffff;
	[tilespmem:s23+$0x40] =	vst v26  }
0x3a7: {  	v19 =	vld.idx.msk [tilespmem:v19+s3+$0x0], $0xffff;
	[tilespmem:s23+$0x50] =	vst v27  }
0x3a8: {  	v15 =	vld.idx.msk [tilespmem:v15+s3+$0x0], $0xffff;
	[tilespmem:s23+$0x60] =	vst v21  }
0x3a9: {  	[tilespmem:s23+$0x90] =	vst v28;
	v20 =	vld.idx.msk [tilespmem:v20+s3+$0x0], $0xffff  }
0x3aa: {  	v16 =	vld.idx.msk [tilespmem:v16+s3+$0x0], $0xffff;
	[tilespmem:s23+$0x170] =	vst v22  }
0x3ab: {  	[tilespmem:s23+$0x80] =	vst v17;
	v0 =	vld.idx.msk [tilespmem:v0+s3+$0x0], $0xffff  }
0x3ac: {  	v10 =	vld.idx.msk [tilespmem:v10+s3+$0x0], $0xffff;
	[tilespmem:s23+$0xA0] =	vst v18  }
0x3ad: {  	v14 =	vld.idx.msk [tilespmem:v14+s3+$0x0], $0xffff;
	[tilespmem:s23+$0xB0] =	vst v19  }
0x3ae: {  	v12 =	vld.idx.msk [tilespmem:v12+s3+$0x0], $0xffff;
	[tilespmem:s23+$0xC0] =	vst v15  }
0x3af: {  	v11 =	vld.idx.msk [tilespmem:v11+s3+$0x0], $0xffff;
	[tilespmem:s23+$0xD0] =	vst v20  }
0x3b0: {  	v13 =	vld.idx.msk [tilespmem:v13+s3+$0x0], $0xffff;
	[tilespmem:s23+$0xE0] =	vst v16  }
0x3b1: {  	v9 =	vld.idx.msk [tilespmem:v9+s3+$0x0], $0xffff;
	[tilespmem:s23+$0x1F0] =	vst v0  }
0x3b2: {  	[tilespmem:s23+$0x100] =	vst v10;
	v8 =	vld.idx.msk [tilespmem:v8+s3+$0x0], $0xffff  }
.Ltmp5:
0x3b3: {  	v7 =	vld.idx.msk [tilespmem:v7+s3+$0x0], $0xffff;
	[tilespmem:s23+$0x110] =	vst v14;
	(pc) =	sbr.rel @p0 .LBB2_13-.Ltmp5, $4  }
0x3b4: {  	v5 =	vld.idx.msk [tilespmem:v5+s3+$0x0], $0xffff;
	[tilespmem:s23+$0x120] =	vst v12  }
0x3b5: {  	v3 =	vld.idx.msk [tilespmem:v3+s3+$0x0], $0xffff;
	[tilespmem:s23+$0x130] =	vst v11  }
0x3b6: {  	v6 =	vld.idx.msk [tilespmem:v6+s3+$0x0], $0xffff;
	[tilespmem:s23+$0x140] =	vst v13  }
0x3b7: {  	s25 =	sadd.s32 $0x80, s25;
	v4 =	vld.idx.msk [tilespmem:v4+s3+$0x0], $0xffff;
	[tilespmem:s23+$0x150] =	vst v9  }
0x3b8: {  	_ =	sdelay $0x2  }
0x3b9: {  	[tilespmem:s23+$0x160] =	vst v8  }
0x3ba: {  	[tilespmem:s23+$0x180] =	vst v7;
	v0 =	vld.idx.msk [tilespmem:v2+s3+$0x0], $0xffff  }
0x3bb: {  	[tilespmem:s23+$0x190] =	vst v5;
	v1 =	vld.idx.msk [tilespmem:v1+s3+$0x0], $0xffff  }
0x3bc: {  	[tilespmem:s23+$0x1A0] =	vst v3  }
0x3bd: {  	[tilespmem:s23+$0x1B0] =	vst v6  }
0x3be: {  	[tilespmem:s23+$0x1C0] =	vst v4  }
0x3bf: {  	[tilespmem:s23+$0x1D0] =	vst v0  }
0x3c0: {  	s30 =	sadd.s32 s22, s11;
	[tilespmem:s23+$0x1E0] =	vst v1  }
0x3c1: {  	[hbm4b:s30+s3] =	stream.linear.scatter [tilespmem:s18], [sflag:$0x1], $0x1000, $0x38;
	[tilespmem:$0x12200] =	vst v63  }
0x3c2: {  	_ =	swait.ge [sflag:s19], $0x1000  }
0x3c3: {  	[sflag:s19] =	ssyncset.done $0x0  }
0x3c4: {  	s31 =	simm.s32 $0x10040;
	[sflag:s19] =	ssyncadd.s32 $0xFFFFF000  }
0x3c5: {  	v7 =	vld [tilespmem:s31+$0x30]  }
0x3c6: {  	v5 =	vld [tilespmem:s31+$0xFFFFFFD0]  }
0x3c7: {  	v4 =	vld [tilespmem:s31+$0xFFFFFFE0]  }
0x3c8: {  	v3 =	vld [tilespmem:s31+$0xFFFFFFF0]  }
0x3c9: {  	v2 =	vld [tilespmem:s31+$0x0]  }
0x3ca: {  	v0 =	vld [tilespmem:s31+$0x10];
	v8 =	vadd.s32 $0xC000, v7  }
0x3cb: {  	v1 =	vld [tilespmem:s31+$0x20];
	v9 =	vadd.s32 $0xC000, v5  }
0x3cc: {  	v6 =	vld [tilespmem:s31+$0xFFFFFFC0];
	v10 =	vadd.s32 $0xC000, v4  }
0x3cd: {  	v11 =	vadd.s32 $0xC000, v3  }
0x3ce: {  	v12 =	vadd.s32 $0xC000, v2  }
0x3cf: {  	v13 =	vadd.s32 $0xC000, v0;
	v8 =	vld.idx.msk [tilespmem:v8+s3+$0x0], $0xffff  }
0x3d0: {  	v14 =	vadd.s32 $0xC000, v1;
	v9 =	vld.idx.msk [tilespmem:v9+s3+$0x0], $0xffff  }
0x3d1: {  	v16 =	vadd.s32 $0xC000, v6;
	v10 =	vld.idx.msk [tilespmem:v10+s3+$0x0], $0xffff  }
0x3d2: {  	v15 =	vadd.s32 $0xC400, v7;
	v11 =	vld.idx.msk [tilespmem:v11+s3+$0x0], $0xffff  }
0x3d3: {  	v17 =	vadd.s32 $0xC400, v5;
	v12 =	vld.idx.msk [tilespmem:v12+s3+$0x0], $0xffff  }
0x3d4: {  	s23 =	simm.s32 $0x10400;
	v18 =	vadd.s32 $0xC400, v4;
	v13 =	vld.idx.msk [tilespmem:v13+s3+$0x0], $0xffff  }
0x3d5: {  	v19 =	vadd.s32 $0xC400, v3;
	v14 =	vld.idx.msk [tilespmem:v14+s3+$0x0], $0xffff;
	[tilespmem:s23+$0xFFFFFE70] =	vst v8  }
0x3d6: {  	v28 =	vadd.s32 $0xC400, v0;
	v16 =	vld.idx.msk [tilespmem:v16+s3+$0x0], $0xffff;
	[tilespmem:s23+$0xFFFFFE10] =	vst v9  }
0x3d7: {  	v29 =	vadd.s32 $0xC400, v6;
	[tilespmem:s23+$0xFFFFFE20] =	vst v10;
	v9 =	vld.idx.msk [tilespmem:v15+s3+$0x0], $0xffff  }
0x3d8: {  	v8 =	vadd.s32 $0xC400, v2;
	[tilespmem:s23+$0xFFFFFE30] =	vst v11;
	v10 =	vld.idx.msk [tilespmem:v17+s3+$0x0], $0xffff  }
0x3d9: {  	v30 =	vadd.s32 $0xC400, v1;
	[tilespmem:s23+$0xFFFFFE40] =	vst v12;
	v18 =	vld.idx.msk [tilespmem:v18+s3+$0x0], $0xffff  }
0x3da: {  	v11 =	vadd.s32 $0xC800, v7;
	[tilespmem:s23+$0xFFFFFE50] =	vst v13;
	v19 =	vld.idx.msk [tilespmem:v19+s3+$0x0], $0xffff  }
0x3db: {  	v31 =	vadd.s32 $0xC800, v5;
	[tilespmem:s23+$0xFFFFFE00] =	vst v16;
	v15 =	vld.idx.msk [tilespmem:v28+s3+$0x0], $0xffff  }
0x3dc: {  	v32 =	vadd.s32 $0xC800, v4;
	[tilespmem:s23+$0xFFFFFE60] =	vst v14;
	v17 =	vld.idx.msk [tilespmem:v29+s3+$0x0], $0xffff  }
0x3dd: {  	v35 =	vadd.s32 $0xC800, v6;
	v8 =	vld.idx.msk [tilespmem:v8+s3+$0x0], $0xffff;
	[tilespmem:s23+$0xFFFFFEF0] =	vst v9  }
0x3de: {  	v9 =	vadd.s32 $0xC800, v3;
	[tilespmem:s23+$0xFFFFFE90] =	vst v10;
	v10 =	vld.idx.msk [tilespmem:v30+s3+$0x0], $0xffff  }
0x3df: {  	v33 =	vadd.s32 $0xC800, v2;
	[tilespmem:s23+$0xFFFFFEA0] =	vst v18;
	v11 =	vld.idx.msk [tilespmem:v11+s3+$0x0], $0xffff  }
0x3e0: {  	v36 =	vadd.s32 $0xC800, v0;
	[tilespmem:s23+$0xFFFFFEB0] =	vst v19;
	v13 =	vld.idx.msk [tilespmem:v31+s3+$0x0], $0xffff  }
0x3e1: {  	v34 =	vadd.s32 $0xCC00, v7;
	[tilespmem:s23+$0xFFFFFE80] =	vst v17;
	v14 =	vld.idx.msk [tilespmem:v32+s3+$0x0], $0xffff  }
0x3e2: {  	v37 =	vadd.s32 $0xCC00, v5;
	[tilespmem:s23+$0xFFFFFED0] =	vst v15;
	v18 =	vld.idx.msk [tilespmem:v35+s3+$0x0], $0xffff  }
0x3e3: {  	v40 =	vadd.s32 $0xCC00, v6;
	[tilespmem:s23+$0xFFFFFEC0] =	vst v8;
	v9 =	vld.idx.msk [tilespmem:v9+s3+$0x0], $0xffff  }
0x3e4: {  	v8 =	vadd.s32 $0xC800, v1;
	v16 =	vld.idx.msk [tilespmem:v33+s3+$0x0], $0xffff;
	[tilespmem:s23+$0xFFFFFEE0] =	vst v10  }
0x3e5: {  	v10 =	vld.idx.msk [tilespmem:v36+s3+$0x0], $0xffff;
	[tilespmem:s23+$0xFFFFFF70] =	vst v11;
	v11 =	vadd.s32 $0xCC00, v4  }
0x3e6: {  	v38 =	vadd.s32 $0xCC00, v3;
	[tilespmem:s23+$0xFFFFFF10] =	vst v13;
	v12 =	vld.idx.msk [tilespmem:v34+s3+$0x0], $0xffff  }
0x3e7: {  	v41 =	vadd.s32 $0xCC00, v2;
	[tilespmem:s23+$0xFFFFFF00] =	vst v18;
	v15 =	vld.idx.msk [tilespmem:v37+s3+$0x0], $0xffff  }
0x3e8: {  	v39 =	vadd.s32 $0xD000, v7;
	[tilespmem:s23+$0xFFFFFF20] =	vst v14;
	v19 =	vld.idx.msk [tilespmem:v40+s3+$0x0], $0xffff  }
0x3e9: {  	v43 =	vadd.s32 $0xD000, v5;
	v8 =	vld.idx.msk [tilespmem:v8+s3+$0x0], $0xffff;
	[tilespmem:s23+$0xFFFFFF30] =	vst v9  }
0x3ea: {  	v45 =	vadd.s32 $0xD000, v6;
	[tilespmem:s23+$0xFFFFFF40] =	vst v16;
	v11 =	vld.idx.msk [tilespmem:v11+s3+$0x0], $0xffff  }
0x3eb: {  	v9 =	vadd.s32 $0xCC00, v0;
	[tilespmem:s23+$0xFFFFFF50] =	vst v10;
	v17 =	vld.idx.msk [tilespmem:v38+s3+$0x0], $0xffff  }
0x3ec: {  	v42 =	vadd.s32 $0xCC00, v1;
	v10 =	vld.idx.msk [tilespmem:v41+s3+$0x0], $0xffff;
	[tilespmem:s23+$0xFFFFFFF0] =	vst v12  }
0x3ed: {  	v44 =	vadd.s32 $0xD000, v4;
	[tilespmem:s23+$0xFFFFFF90] =	vst v15;
	v13 =	vld.idx.msk [tilespmem:v39+s3+$0x0], $0xffff  }
0x3ee: {  	v46 =	vadd.s32 $0xD000, v3;
	[tilespmem:s23+$0xFFFFFF80] =	vst v19;
	v12 =	vld.idx.msk [tilespmem:v43+s3+$0x0], $0xffff  }
0x3ef: {  	v47 =	vadd.s32 $0xD000, v2;
	v14 =	vld.idx.msk [tilespmem:v45+s3+$0x0], $0xffff;
	[tilespmem:s23+$0xFFFFFF60] =	vst v8  }
0x3f0: {  	v8 =	vadd.s32 $0xD400, v7;
	v9 =	vld.idx.msk [tilespmem:v9+s3+$0x0], $0xffff;
	[tilespmem:s23+$0xFFFFFFA0] =	vst v11  }
0x3f1: {  	v50 =	vadd.s32 $0xD400, v5;
	v11 =	vld.idx.msk [tilespmem:v42+s3+$0x0], $0xffff;
	[tilespmem:s23+$0xFFFFFFB0] =	vst v17  }
0x3f2: {  	v51 =	vadd.s32 $0xD400, v6;
	[tilespmem:s23+$0xFFFFFFC0] =	vst v10;
	v18 =	vld.idx.msk [tilespmem:v44+s3+$0x0], $0xffff  }
0x3f3: {  	v48 =	vadd.s32 $0xD000, v0;
	v10 =	vld.idx.msk [tilespmem:v46+s3+$0x0], $0xffff;
	[tilespmem:s23+$0x70] =	vst v13  }
0x3f4: {  	v49 =	vadd.s32 $0xD000, v1;
	v16 =	vld.idx.msk [tilespmem:v47+s3+$0x0], $0xffff;
	[tilespmem:s23+$0x10] =	vst v12  }
0x3f5: {  	v53 =	vadd.s32 $0xD400, v3;
	[tilespmem:s23+$0x0] =	vst v14;
	v8 =	vld.idx.msk [tilespmem:v8+s3+$0x0], $0xffff  }
0x3f6: {  	v54 =	vadd.s32 $0xD400, v2;
	v19 =	vld.idx.msk [tilespmem:v50+s3+$0x0], $0xffff;
	[tilespmem:s23+$0xFFFFFFD0] =	vst v9  }
0x3f7: {  	v15 =	vld.idx.msk [tilespmem:v51+s3+$0x0], $0xffff;
	v9 =	vadd.s32 $0xD800, v7;
	[tilespmem:s23+$0xFFFFFFE0] =	vst v11  }
0x3f8: {  	v57 =	vadd.s32 $0xD800, v5;
	v52 =	vld.idx.msk [tilespmem:v48+s3+$0x0], $0xffff;
	[tilespmem:s23+$0x20] =	vst v18  }
0x3f9: {  	v11 =	vadd.s32 $0xD400, v4;
	v13 =	vld.idx.msk [tilespmem:v49+s3+$0x0], $0xffff;
	[tilespmem:s23+$0x30] =	vst v10  }
0x3fa: {  	v55 =	vadd.s32 $0xD400, v1;
	[tilespmem:s23+$0x40] =	vst v16;
	v56 =	vld.idx.msk [tilespmem:v53+s3+$0x0], $0xffff  }
0x3fb: {  	v58 =	vld.idx.msk [tilespmem:v54+s3+$0x0], $0xffff;
	[tilespmem:s23+$0xF0] =	vst v8;
	v8 =	vadd.s32 $0xD400, v0  }
0x3fc: {  	v60 =	vadd.s32 $0xD800, v3;
	[tilespmem:s23+$0x90] =	vst v19;
	v9 =	vld.idx.msk [tilespmem:v9+s3+$0x0], $0xffff  }
0x3fd: {  	v7 =	vadd.s32 $0xDC00, v7;
	[tilespmem:s23+$0x80] =	vst v15;
	v12 =	vld.idx.msk [tilespmem:v57+s3+$0x0], $0xffff  }
0x3fe: {  	v10 =	vld.idx.msk [tilespmem:v11+s3+$0x0], $0xffff;
	v11 =	vadd.s32 $0xD800, v6;
	[tilespmem:s23+$0x60] =	vst v13  }
0x3ff: {  	v5 =	vadd.s32 $0xDC00, v5;
	[tilespmem:s23+$0x50] =	vst v52;
	v14 =	vld.idx.msk [tilespmem:v55+s3+$0x0], $0xffff  }
0x400: {  	v59 =	vadd.s32 $0xD800, v4;
	[tilespmem:s23+$0xB0] =	vst v56;
	v8 =	vld.idx.msk [tilespmem:v8+s3+$0x0], $0xffff  }
0x401: {  	v16 =	vld.idx.msk [tilespmem:v60+s3+$0x0], $0xffff;
	[tilespmem:s23+$0x170] =	vst v9;
	v9 =	vadd.s32 $0xD800, v2  }
0x402: {  	v61 =	vadd.s32 $0xD800, v0;
	[tilespmem:s23+$0x110] =	vst v12;
	v7 =	vld.idx.msk [tilespmem:v7+s3+$0x0], $0xffff  }
0x403: {  	v11 =	vld.idx.msk [tilespmem:v11+s3+$0x0], $0xffff;
	[tilespmem:s23+$0xA0] =	vst v10;
	v10 =	vadd.s32 $0xD800, v1  }
0x404: {  	v6 =	vadd.s32 $0xDC00, v6;
	[tilespmem:s23+$0xC0] =	vst v58;
	v5 =	vld.idx.msk [tilespmem:v5+s3+$0x0], $0xffff  }
0x405: {  	v62 =	vadd.s32 $0xDC00, v3;
	v13 =	vld.idx.msk [tilespmem:v59+s3+$0x0], $0xffff;
	[tilespmem:s23+$0xE0] =	vst v14  }
0x406: {  	v4 =	vadd.s32 $0xDC00, v4;
	[tilespmem:s23+$0xD0] =	vst v8;
	v9 =	vld.idx.msk [tilespmem:v9+s3+$0x0], $0xffff  }
0x407: {  	v63 =	vadd.s32 $0xDC00, v2;
	[tilespmem:s23+$0x130] =	vst v16;
	v15 =	vld.idx.msk [tilespmem:v61+s3+$0x0], $0xffff  }
0x408: {  	[tilespmem:s23+$0x100] =	vst v11;
	v8 =	vld.idx.msk [tilespmem:v10+s3+$0x0], $0xffff  }
0x409: {  	[tilespmem:s23+$0x1F0] =	vst v7;
	v7 =	vld.idx.msk [tilespmem:v6+s3+$0x0], $0xffff  }
0x40a: {  	[tilespmem:s23+$0x120] =	vst v13;
	v6 =	vld.idx.msk [tilespmem:v62+s3+$0x0], $0xffff  }
0x40b: {  	v3 =	vld.idx.msk [tilespmem:v4+s3+$0x0], $0xffff;
	[tilespmem:s23+$0x140] =	vst v9  }
0x40c: {  	s24 =	simm.s32 $0x0;
	s25 =	simm.s32 $0x100C0;
	v2 =	vadd.s32 $0xDC00, v0;
	v1 =	vadd.s32 $0xDC00, v1;
	[tilespmem:s23+$0x150] =	vst v15;
	v4 =	vld.idx.msk [tilespmem:v63+s3+$0x0], $0xffff  }
.LBB2_15:
0x40d: {  	v0 =	vld [tilespmem:s25+$0x30];
	s24 =	sadd.s32 $0x8, s24;
	[tilespmem:s23+$0x160] =	vst v8  }
0x40e: {  	v21 =	vld [tilespmem:s25+$0xFFFFFFD0];
	p0 =	slt.u32 s24, $0x18;
	[tilespmem:s23+$0x180] =	vst v7  }
0x40f: {  	v22 =	vld [tilespmem:s25+$0xFFFFFFE0];
	[tilespmem:s23+$0x190] =	vst v5  }
0x410: {  	v23 =	vld [tilespmem:s25+$0xFFFFFFF0];
	[tilespmem:s23+$0x1A0] =	vst v3  }
0x411: {  	v24 =	vld [tilespmem:s25+$0x0];
	[tilespmem:s23+$0x1B0] =	vst v6  }
0x412: {  	v25 =	vld [tilespmem:s25+$0x10];
	v3 =	vadd.s32 $0xC000, v0;
	[tilespmem:s23+$0x1C0] =	vst v4  }
0x413: {  	v4 =	vadd.s32 $0xC000, v21;
	v5 =	vadd.s32 $0xC400, v21;
	v26 =	vadd.s32 $0xC800, v21;
	v27 =	vld [tilespmem:s25+$0x20]  }
0x414: {  	v6 =	vld [tilespmem:s25+$0xFFFFFFC0];
	v7 =	vadd.s32 $0xC000, v22;
	v8 =	vadd.s32 $0xC400, v22;
	v28 =	vadd.s32 $0xC800, v22  }
0x415: {  	v9 =	vadd.s32 $0xC000, v23;
	v11 =	vadd.s32 $0xC400, v23;
	v29 =	vadd.s32 $0xC800, v23;
	v2 =	vld.idx.msk [tilespmem:v2+s3+$0x0], $0xffff  }
0x416: {  	v10 =	vadd.s32 $0xC000, v24;
	v13 =	vadd.s32 $0xC400, v24;
	v30 =	vadd.s32 $0xC800, v24;
	v1 =	vld.idx.msk [tilespmem:v1+s3+$0x0], $0xffff  }
0x417: {  	v12 =	vadd.s32 $0xC000, v25;
	v31 =	vadd.s32 $0xC400, v25;
	v32 =	vadd.s32 $0xC800, v25;
	v3 =	vld.idx.msk [tilespmem:v3+s3+$0x0], $0xffff  }
0x418: {  	v4 =	vld.idx.msk [tilespmem:v4+s3+$0x0], $0xffff;
	v14 =	vadd.s32 $0xC000, v27;
	v33 =	vadd.s32 $0xC400, v27;
	v34 =	vadd.s32 $0xC800, v27  }
0x419: {  	v16 =	vadd.s32 $0xC400, v0;
	v15 =	vadd.s32 $0xC000, v6;
	v35 =	vadd.s32 $0xC400, v6;
	v7 =	vld.idx.msk [tilespmem:v7+s3+$0x0], $0xffff  }
0x41a: {  	v38 =	vadd.s32 $0xCC00, v21;
	v36 =	vadd.s32 $0xC800, v6;
	v37 =	vadd.s32 $0xCC00, v6;
	v9 =	vld.idx.msk [tilespmem:v9+s3+$0x0], $0xffff  }
0x41b: {  	v39 =	vadd.s32 $0xCC00, v22;
	v40 =	vadd.s32 $0xCC00, v23;
	v41 =	vadd.s32 $0xCC00, v24;
	v20 =	vld.idx.msk [tilespmem:v10+s3+$0x0], $0xffff;
	[tilespmem:s23+$0x1D0] =	vst v2  }
0x41c: {  	v43 =	vadd.s32 $0xCC00, v25;
	v44 =	vadd.s32 $0xCC00, v27;
	v42 =	vadd.s32 $0xD000, v6;
	v2 =	vld.idx.msk [tilespmem:v12+s3+$0x0], $0xffff;
	[tilespmem:s23+$0x1E0] =	vst v1;
	s23 =	sadd.s32 $0x400, s23  }
0x41d: {  	v45 =	vadd.s32 $0xD000, v21;
	v46 =	vadd.s32 $0xD000, v22;
	v47 =	vadd.s32 $0xD000, v23;
	v1 =	vld.idx.msk [tilespmem:v14+s3+$0x0], $0xffff;
	[tilespmem:s23+$0xFFFFFE70] =	vst v3  }
0x41e: {  	v48 =	vadd.s32 $0xD000, v24;
	v49 =	vadd.s32 $0xD000, v25;
	v50 =	vadd.s32 $0xD000, v27;
	[tilespmem:s23+$0xFFFFFE10] =	vst v4;
	v4 =	vld.idx.msk [tilespmem:v16+s3+$0x0], $0xffff  }
0x41f: {  	v52 =	vadd.s32 $0xD400, v21;
	v18 =	vadd.s32 $0xD400, v22;
	v17 =	vadd.s32 $0xD400, v6;
	v51 =	vld.idx.msk [tilespmem:v15+s3+$0x0], $0xffff;
	[tilespmem:s23+$0xFFFFFE20] =	vst v7  }
0x420: {  	v54 =	vadd.s32 $0xC800, v0;
	v19 =	vadd.s32 $0xD400, v23;
	v15 =	vadd.s32 $0xD400, v24;
	v53 =	vld.idx.msk [tilespmem:v5+s3+$0x0], $0xffff;
	[tilespmem:s23+$0xFFFFFE30] =	vst v9  }
0x421: {  	v10 =	vadd.s32 $0xD800, v6;
	v16 =	vadd.s32 $0xD400, v27;
	v55 =	vld.idx.msk [tilespmem:v8+s3+$0x0], $0xffff;
	[tilespmem:s23+$0xFFFFFE40] =	vst v20;
	v20 =	vadd.s32 $0xD400, v25  }
0x422: {  	v12 =	vadd.s32 $0xD800, v22;
	v14 =	vadd.s32 $0xD800, v21;
	v56 =	vld.idx.msk [tilespmem:v11+s3+$0x0], $0xffff;
	v11 =	vadd.s32 $0xD800, v23;
	[tilespmem:s23+$0xFFFFFE50] =	vst v2  }
0x423: {  	v9 =	vadd.s32 $0xD800, v25;
	v8 =	vadd.s32 $0xD800, v27;
	v57 =	vld.idx.msk [tilespmem:v13+s3+$0x0], $0xffff;
	v13 =	vadd.s32 $0xD800, v24;
	[tilespmem:s23+$0xFFFFFE60] =	vst v1  }
0x424: {  	v3 =	vadd.s32 $0xDC00, v22;
	v7 =	vadd.s32 $0xDC00, v6;
	v5 =	vadd.s32 $0xDC00, v21;
	v21 =	vld.idx.msk [tilespmem:v31+s3+$0x0], $0xffff;
	[tilespmem:s23+$0xFFFFFEF0] =	vst v4  }
0x425: {  	v6 =	vadd.s32 $0xDC00, v23;
	v2 =	vadd.s32 $0xDC00, v25;
	v4 =	vadd.s32 $0xDC00, v24;
	[tilespmem:s23+$0xFFFFFE00] =	vst v51;
	v22 =	vld.idx.msk [tilespmem:v54+s3+$0x0], $0xffff  }
0x426: {  	v1 =	vadd.s32 $0xDC00, v27;
	v23 =	vld.idx.msk [tilespmem:v35+s3+$0x0], $0xffff;
	[tilespmem:s23+$0xFFFFFE90] =	vst v53  }
0x427: {  	v25 =	vadd.s32 $0xCC00, v0;
	[tilespmem:s23+$0xFFFFFEA0] =	vst v55;
	v24 =	vld.idx.msk [tilespmem:v33+s3+$0x0], $0xffff  }
0x428: {  	v26 =	vld.idx.msk [tilespmem:v26+s3+$0x0], $0xffff;
	[tilespmem:s23+$0xFFFFFEB0] =	vst v56  }
0x429: {  	v27 =	vld.idx.msk [tilespmem:v28+s3+$0x0], $0xffff;
	[tilespmem:s23+$0xFFFFFEC0] =	vst v57  }
0x42a: {  	v28 =	vld.idx.msk [tilespmem:v29+s3+$0x0], $0xffff;
	[tilespmem:s23+$0xFFFFFED0] =	vst v21  }
0x42b: {  	v21 =	vld.idx.msk [tilespmem:v30+s3+$0x0], $0xffff;
	[tilespmem:s23+$0xFFFFFF70] =	vst v22  }
0x42c: {  	[tilespmem:s23+$0xFFFFFE80] =	vst v23;
	v22 =	vld.idx.msk [tilespmem:v25+s3+$0x0], $0xffff  }
0x42d: {  	v23 =	vld.idx.msk [tilespmem:v36+s3+$0x0], $0xffff;
	[tilespmem:s23+$0xFFFFFEE0] =	vst v24  }
0x42e: {  	v25 =	vadd.s32 $0xD000, v0;
	[tilespmem:s23+$0xFFFFFF10] =	vst v26;
	v24 =	vld.idx.msk [tilespmem:v32+s3+$0x0], $0xffff  }
0x42f: {  	[tilespmem:s23+$0xFFFFFF20] =	vst v27;
	v26 =	vld.idx.msk [tilespmem:v34+s3+$0x0], $0xffff  }
0x430: {  	v27 =	vld.idx.msk [tilespmem:v38+s3+$0x0], $0xffff;
	[tilespmem:s23+$0xFFFFFF30] =	vst v28  }
0x431: {  	v28 =	vld.idx.msk [tilespmem:v39+s3+$0x0], $0xffff;
	[tilespmem:s23+$0xFFFFFF40] =	vst v21  }
0x432: {  	v21 =	vld.idx.msk [tilespmem:v40+s3+$0x0], $0xffff;
	[tilespmem:s23+$0xFFFFFFF0] =	vst v22  }
0x433: {  	[tilespmem:s23+$0xFFFFFF00] =	vst v23;
	v22 =	vld.idx.msk [tilespmem:v25+s3+$0x0], $0xffff  }
0x434: {  	v23 =	vld.idx.msk [tilespmem:v37+s3+$0x0], $0xffff;
	[tilespmem:s23+$0xFFFFFF50] =	vst v24  }
0x435: {  	v25 =	vadd.s32 $0xD400, v0;
	v24 =	vld.idx.msk [tilespmem:v41+s3+$0x0], $0xffff;
	[tilespmem:s23+$0xFFFFFF60] =	vst v26  }
0x436: {  	[tilespmem:s23+$0xFFFFFF90] =	vst v27;
	v26 =	vld.idx.msk [tilespmem:v43+s3+$0x0], $0xffff  }
0x437: {  	[tilespmem:s23+$0xFFFFFFA0] =	vst v28;
	v27 =	vld.idx.msk [tilespmem:v44+s3+$0x0], $0xffff  }
0x438: {  	v28 =	vld.idx.msk [tilespmem:v45+s3+$0x0], $0xffff;
	[tilespmem:s23+$0xFFFFFFB0] =	vst v21  }
0x439: {  	v21 =	vld.idx.msk [tilespmem:v46+s3+$0x0], $0xffff;
	[tilespmem:s23+$0x70] =	vst v22  }
0x43a: {  	[tilespmem:s23+$0xFFFFFF80] =	vst v23;
	v22 =	vld.idx.msk [tilespmem:v25+s3+$0x0], $0xffff  }
0x43b: {  	v23 =	vld.idx.msk [tilespmem:v42+s3+$0x0], $0xffff;
	[tilespmem:s23+$0xFFFFFFC0] =	vst v24  }
0x43c: {  	v25 =	vadd.s32 $0xD800, v0;
	v24 =	vld.idx.msk [tilespmem:v47+s3+$0x0], $0xffff;
	[tilespmem:s23+$0xFFFFFFD0] =	vst v26  }
0x43d: {  	v26 =	vld.idx.msk [tilespmem:v48+s3+$0x0], $0xffff;
	[tilespmem:s23+$0xFFFFFFE0] =	vst v27  }
0x43e: {  	[tilespmem:s23+$0x10] =	vst v28;
	v27 =	vld.idx.msk [tilespmem:v49+s3+$0x0], $0xffff  }
0x43f: {  	[tilespmem:s23+$0x20] =	vst v21;
	v21 =	vld.idx.msk [tilespmem:v50+s3+$0x0], $0xffff  }
0x440: {  	v28 =	vld.idx.msk [tilespmem:v52+s3+$0x0], $0xffff;
	[tilespmem:s23+$0xF0] =	vst v22  }
0x441: {  	[tilespmem:s23+$0x0] =	vst v23;
	v22 =	vld.idx.msk [tilespmem:v25+s3+$0x0], $0xffff  }
0x442: {  	v17 =	vld.idx.msk [tilespmem:v17+s3+$0x0], $0xffff;
	[tilespmem:s23+$0x30] =	vst v24  }
0x443: {  	v0 =	vadd.s32 $0xDC00, v0;
	v18 =	vld.idx.msk [tilespmem:v18+s3+$0x0], $0xffff;
	[tilespmem:s23+$0x40] =	vst v26  }
0x444: {  	v19 =	vld.idx.msk [tilespmem:v19+s3+$0x0], $0xffff;
	[tilespmem:s23+$0x50] =	vst v27  }
0x445: {  	v15 =	vld.idx.msk [tilespmem:v15+s3+$0x0], $0xffff;
	[tilespmem:s23+$0x60] =	vst v21  }
0x446: {  	[tilespmem:s23+$0x90] =	vst v28;
	v20 =	vld.idx.msk [tilespmem:v20+s3+$0x0], $0xffff  }
0x447: {  	v16 =	vld.idx.msk [tilespmem:v16+s3+$0x0], $0xffff;
	[tilespmem:s23+$0x170] =	vst v22  }
0x448: {  	[tilespmem:s23+$0x80] =	vst v17;
	v0 =	vld.idx.msk [tilespmem:v0+s3+$0x0], $0xffff  }
0x449: {  	v10 =	vld.idx.msk [tilespmem:v10+s3+$0x0], $0xffff;
	[tilespmem:s23+$0xA0] =	vst v18  }
0x44a: {  	v14 =	vld.idx.msk [tilespmem:v14+s3+$0x0], $0xffff;
	[tilespmem:s23+$0xB0] =	vst v19  }
0x44b: {  	v12 =	vld.idx.msk [tilespmem:v12+s3+$0x0], $0xffff;
	[tilespmem:s23+$0xC0] =	vst v15  }
0x44c: {  	v11 =	vld.idx.msk [tilespmem:v11+s3+$0x0], $0xffff;
	[tilespmem:s23+$0xD0] =	vst v20  }
0x44d: {  	v13 =	vld.idx.msk [tilespmem:v13+s3+$0x0], $0xffff;
	[tilespmem:s23+$0xE0] =	vst v16  }
0x44e: {  	v9 =	vld.idx.msk [tilespmem:v9+s3+$0x0], $0xffff;
	[tilespmem:s23+$0x1F0] =	vst v0  }
0x44f: {  	[tilespmem:s23+$0x100] =	vst v10;
	v8 =	vld.idx.msk [tilespmem:v8+s3+$0x0], $0xffff  }
.Ltmp6:
0x450: {  	v7 =	vld.idx.msk [tilespmem:v7+s3+$0x0], $0xffff;
	[tilespmem:s23+$0x110] =	vst v14;
	(pc) =	sbr.rel @p0 .LBB2_15-.Ltmp6, $4  }
0x451: {  	v5 =	vld.idx.msk [tilespmem:v5+s3+$0x0], $0xffff;
	[tilespmem:s23+$0x120] =	vst v12  }
0x452: {  	v3 =	vld.idx.msk [tilespmem:v3+s3+$0x0], $0xffff;
	[tilespmem:s23+$0x130] =	vst v11  }
0x453: {  	v6 =	vld.idx.msk [tilespmem:v6+s3+$0x0], $0xffff;
	[tilespmem:s23+$0x140] =	vst v13  }
0x454: {  	s25 =	sadd.s32 $0x80, s25;
	v4 =	vld.idx.msk [tilespmem:v4+s3+$0x0], $0xffff;
	[tilespmem:s23+$0x150] =	vst v9  }
0x455: {  	_ =	sdelay $0x2  }
0x456: {  	[tilespmem:s23+$0x160] =	vst v8  }
0x457: {  	[tilespmem:s23+$0x180] =	vst v7;
	v0 =	vld.idx.msk [tilespmem:v2+s3+$0x0], $0xffff  }
0x458: {  	[tilespmem:s23+$0x190] =	vst v5;
	v1 =	vld.idx.msk [tilespmem:v1+s3+$0x0], $0xffff  }
0x459: {  	[tilespmem:s23+$0x1A0] =	vst v3  }
0x45a: {  	[tilespmem:s23+$0x1B0] =	vst v6  }
0x45b: {  	[tilespmem:s23+$0x1C0] =	vst v4  }
0x45c: {  	[tilespmem:s23+$0x1D0] =	vst v0  }
0x45d: {  	s30 =	sadd.s32 s22, s12;
	[tilespmem:s23+$0x1E0] =	vst v1  }
0x45e: {  	[hbm4b:s30+s3] =	stream.linear.scatter [tilespmem:s17], [sflag:$0x1], $0x1000, $0x38;
	[tilespmem:$0x12200] =	vst v63  }
0x45f: {  	_ =	swait.ge [sflag:s19], $0x1000  }
0x460: {  	[sflag:s19] =	ssyncset.done $0x0  }
0x461: {  	s31 =	simm.s32 $0x10040;
	[sflag:s19] =	ssyncadd.s32 $0xFFFFF000  }
0x462: {  	v7 =	vld [tilespmem:s31+$0x30]  }
0x463: {  	v5 =	vld [tilespmem:s31+$0xFFFFFFD0]  }
0x464: {  	v4 =	vld [tilespmem:s31+$0xFFFFFFE0]  }
0x465: {  	v3 =	vld [tilespmem:s31+$0xFFFFFFF0]  }
0x466: {  	v2 =	vld [tilespmem:s31+$0x0]  }
0x467: {  	v0 =	vld [tilespmem:s31+$0x10];
	v8 =	vadd.s32 $0xE000, v7  }
0x468: {  	v1 =	vld [tilespmem:s31+$0x20];
	v9 =	vadd.s32 $0xE000, v5  }
0x469: {  	v6 =	vld [tilespmem:s31+$0xFFFFFFC0];
	v10 =	vadd.s32 $0xE000, v4  }
0x46a: {  	v11 =	vadd.s32 $0xE000, v3  }
0x46b: {  	v12 =	vadd.s32 $0xE000, v2  }
0x46c: {  	v13 =	vadd.s32 $0xE000, v0;
	v8 =	vld.idx.msk [tilespmem:v8+s3+$0x0], $0xffff  }
0x46d: {  	v14 =	vadd.s32 $0xE000, v1;
	v9 =	vld.idx.msk [tilespmem:v9+s3+$0x0], $0xffff  }
0x46e: {  	v16 =	vadd.s32 $0xE000, v6;
	v10 =	vld.idx.msk [tilespmem:v10+s3+$0x0], $0xffff  }
0x46f: {  	v15 =	vadd.s32 $0xE400, v7;
	v11 =	vld.idx.msk [tilespmem:v11+s3+$0x0], $0xffff  }
0x470: {  	v17 =	vadd.s32 $0xE400, v5;
	v12 =	vld.idx.msk [tilespmem:v12+s3+$0x0], $0xffff  }
0x471: {  	s23 =	simm.s32 $0x11400;
	v18 =	vadd.s32 $0xE400, v4;
	v13 =	vld.idx.msk [tilespmem:v13+s3+$0x0], $0xffff  }
0x472: {  	v19 =	vadd.s32 $0xE400, v3;
	v14 =	vld.idx.msk [tilespmem:v14+s3+$0x0], $0xffff;
	[tilespmem:s23+$0xFFFFFE70] =	vst v8  }
0x473: {  	v28 =	vadd.s32 $0xE400, v0;
	v16 =	vld.idx.msk [tilespmem:v16+s3+$0x0], $0xffff;
	[tilespmem:s23+$0xFFFFFE10] =	vst v9  }
0x474: {  	v29 =	vadd.s32 $0xE400, v6;
	[tilespmem:s23+$0xFFFFFE20] =	vst v10;
	v9 =	vld.idx.msk [tilespmem:v15+s3+$0x0], $0xffff  }
0x475: {  	v8 =	vadd.s32 $0xE400, v2;
	[tilespmem:s23+$0xFFFFFE30] =	vst v11;
	v10 =	vld.idx.msk [tilespmem:v17+s3+$0x0], $0xffff  }
0x476: {  	v30 =	vadd.s32 $0xE400, v1;
	[tilespmem:s23+$0xFFFFFE40] =	vst v12;
	v18 =	vld.idx.msk [tilespmem:v18+s3+$0x0], $0xffff  }
0x477: {  	v11 =	vadd.s32 $0xE800, v7;
	[tilespmem:s23+$0xFFFFFE50] =	vst v13;
	v19 =	vld.idx.msk [tilespmem:v19+s3+$0x0], $0xffff  }
0x478: {  	v31 =	vadd.s32 $0xE800, v5;
	[tilespmem:s23+$0xFFFFFE00] =	vst v16;
	v15 =	vld.idx.msk [tilespmem:v28+s3+$0x0], $0xffff  }
0x479: {  	v32 =	vadd.s32 $0xE800, v4;
	[tilespmem:s23+$0xFFFFFE60] =	vst v14;
	v17 =	vld.idx.msk [tilespmem:v29+s3+$0x0], $0xffff  }
0x47a: {  	v35 =	vadd.s32 $0xE800, v6;
	v8 =	vld.idx.msk [tilespmem:v8+s3+$0x0], $0xffff;
	[tilespmem:s23+$0xFFFFFEF0] =	vst v9  }
0x47b: {  	v9 =	vadd.s32 $0xE800, v3;
	[tilespmem:s23+$0xFFFFFE90] =	vst v10;
	v10 =	vld.idx.msk [tilespmem:v30+s3+$0x0], $0xffff  }
0x47c: {  	v33 =	vadd.s32 $0xE800, v2;
	[tilespmem:s23+$0xFFFFFEA0] =	vst v18;
	v11 =	vld.idx.msk [tilespmem:v11+s3+$0x0], $0xffff  }
0x47d: {  	v36 =	vadd.s32 $0xE800, v0;
	[tilespmem:s23+$0xFFFFFEB0] =	vst v19;
	v13 =	vld.idx.msk [tilespmem:v31+s3+$0x0], $0xffff  }
0x47e: {  	v34 =	vadd.s32 $0xEC00, v7;
	[tilespmem:s23+$0xFFFFFE80] =	vst v17;
	v14 =	vld.idx.msk [tilespmem:v32+s3+$0x0], $0xffff  }
0x47f: {  	v37 =	vadd.s32 $0xEC00, v5;
	[tilespmem:s23+$0xFFFFFED0] =	vst v15;
	v18 =	vld.idx.msk [tilespmem:v35+s3+$0x0], $0xffff  }
0x480: {  	v40 =	vadd.s32 $0xEC00, v6;
	[tilespmem:s23+$0xFFFFFEC0] =	vst v8;
	v9 =	vld.idx.msk [tilespmem:v9+s3+$0x0], $0xffff  }
0x481: {  	v8 =	vadd.s32 $0xE800, v1;
	v16 =	vld.idx.msk [tilespmem:v33+s3+$0x0], $0xffff;
	[tilespmem:s23+$0xFFFFFEE0] =	vst v10  }
0x482: {  	v10 =	vld.idx.msk [tilespmem:v36+s3+$0x0], $0xffff;
	[tilespmem:s23+$0xFFFFFF70] =	vst v11;
	v11 =	vadd.s32 $0xEC00, v4  }
0x483: {  	v38 =	vadd.s32 $0xEC00, v3;
	[tilespmem:s23+$0xFFFFFF10] =	vst v13;
	v12 =	vld.idx.msk [tilespmem:v34+s3+$0x0], $0xffff  }
0x484: {  	v41 =	vadd.s32 $0xEC00, v2;
	[tilespmem:s23+$0xFFFFFF00] =	vst v18;
	v15 =	vld.idx.msk [tilespmem:v37+s3+$0x0], $0xffff  }
0x485: {  	v39 =	vadd.s32 $0xF000, v7;
	[tilespmem:s23+$0xFFFFFF20] =	vst v14;
	v19 =	vld.idx.msk [tilespmem:v40+s3+$0x0], $0xffff  }
0x486: {  	v43 =	vadd.s32 $0xF000, v5;
	v8 =	vld.idx.msk [tilespmem:v8+s3+$0x0], $0xffff;
	[tilespmem:s23+$0xFFFFFF30] =	vst v9  }
0x487: {  	v45 =	vadd.s32 $0xF000, v6;
	[tilespmem:s23+$0xFFFFFF40] =	vst v16;
	v11 =	vld.idx.msk [tilespmem:v11+s3+$0x0], $0xffff  }
0x488: {  	v9 =	vadd.s32 $0xEC00, v0;
	[tilespmem:s23+$0xFFFFFF50] =	vst v10;
	v17 =	vld.idx.msk [tilespmem:v38+s3+$0x0], $0xffff  }
0x489: {  	v42 =	vadd.s32 $0xEC00, v1;
	v10 =	vld.idx.msk [tilespmem:v41+s3+$0x0], $0xffff;
	[tilespmem:s23+$0xFFFFFFF0] =	vst v12  }
0x48a: {  	v44 =	vadd.s32 $0xF000, v4;
	[tilespmem:s23+$0xFFFFFF90] =	vst v15;
	v13 =	vld.idx.msk [tilespmem:v39+s3+$0x0], $0xffff  }
0x48b: {  	v46 =	vadd.s32 $0xF000, v3;
	[tilespmem:s23+$0xFFFFFF80] =	vst v19;
	v12 =	vld.idx.msk [tilespmem:v43+s3+$0x0], $0xffff  }
0x48c: {  	v47 =	vadd.s32 $0xF000, v2;
	v14 =	vld.idx.msk [tilespmem:v45+s3+$0x0], $0xffff;
	[tilespmem:s23+$0xFFFFFF60] =	vst v8  }
0x48d: {  	v8 =	vadd.s32 $0xF400, v7;
	v9 =	vld.idx.msk [tilespmem:v9+s3+$0x0], $0xffff;
	[tilespmem:s23+$0xFFFFFFA0] =	vst v11  }
0x48e: {  	v50 =	vadd.s32 $0xF400, v5;
	v11 =	vld.idx.msk [tilespmem:v42+s3+$0x0], $0xffff;
	[tilespmem:s23+$0xFFFFFFB0] =	vst v17  }
0x48f: {  	v51 =	vadd.s32 $0xF400, v6;
	[tilespmem:s23+$0xFFFFFFC0] =	vst v10;
	v18 =	vld.idx.msk [tilespmem:v44+s3+$0x0], $0xffff  }
0x490: {  	v48 =	vadd.s32 $0xF000, v0;
	v10 =	vld.idx.msk [tilespmem:v46+s3+$0x0], $0xffff;
	[tilespmem:s23+$0x70] =	vst v13  }
0x491: {  	v49 =	vadd.s32 $0xF000, v1;
	v16 =	vld.idx.msk [tilespmem:v47+s3+$0x0], $0xffff;
	[tilespmem:s23+$0x10] =	vst v12  }
0x492: {  	v53 =	vadd.s32 $0xF400, v3;
	[tilespmem:s23+$0x0] =	vst v14;
	v8 =	vld.idx.msk [tilespmem:v8+s3+$0x0], $0xffff  }
0x493: {  	v54 =	vadd.s32 $0xF400, v2;
	v19 =	vld.idx.msk [tilespmem:v50+s3+$0x0], $0xffff;
	[tilespmem:s23+$0xFFFFFFD0] =	vst v9  }
0x494: {  	v15 =	vld.idx.msk [tilespmem:v51+s3+$0x0], $0xffff;
	v9 =	vadd.s32 $0xF800, v7;
	[tilespmem:s23+$0xFFFFFFE0] =	vst v11  }
0x495: {  	v57 =	vadd.s32 $0xF800, v5;
	v52 =	vld.idx.msk [tilespmem:v48+s3+$0x0], $0xffff;
	[tilespmem:s23+$0x20] =	vst v18  }
0x496: {  	v11 =	vadd.s32 $0xF400, v4;
	v13 =	vld.idx.msk [tilespmem:v49+s3+$0x0], $0xffff;
	[tilespmem:s23+$0x30] =	vst v10  }
0x497: {  	v55 =	vadd.s32 $0xF400, v1;
	[tilespmem:s23+$0x40] =	vst v16;
	v56 =	vld.idx.msk [tilespmem:v53+s3+$0x0], $0xffff  }
0x498: {  	v58 =	vld.idx.msk [tilespmem:v54+s3+$0x0], $0xffff;
	[tilespmem:s23+$0xF0] =	vst v8;
	v8 =	vadd.s32 $0xF400, v0  }
0x499: {  	v60 =	vadd.s32 $0xF800, v3;
	[tilespmem:s23+$0x90] =	vst v19;
	v9 =	vld.idx.msk [tilespmem:v9+s3+$0x0], $0xffff  }
0x49a: {  	v7 =	vadd.s32 $0xFC00, v7;
	[tilespmem:s23+$0x80] =	vst v15;
	v12 =	vld.idx.msk [tilespmem:v57+s3+$0x0], $0xffff  }
0x49b: {  	v10 =	vld.idx.msk [tilespmem:v11+s3+$0x0], $0xffff;
	v11 =	vadd.s32 $0xF800, v6;
	[tilespmem:s23+$0x60] =	vst v13  }
0x49c: {  	v5 =	vadd.s32 $0xFC00, v5;
	[tilespmem:s23+$0x50] =	vst v52;
	v14 =	vld.idx.msk [tilespmem:v55+s3+$0x0], $0xffff  }
0x49d: {  	v59 =	vadd.s32 $0xF800, v4;
	[tilespmem:s23+$0xB0] =	vst v56;
	v8 =	vld.idx.msk [tilespmem:v8+s3+$0x0], $0xffff  }
0x49e: {  	v16 =	vld.idx.msk [tilespmem:v60+s3+$0x0], $0xffff;
	[tilespmem:s23+$0x170] =	vst v9;
	v9 =	vadd.s32 $0xF800, v2  }
0x49f: {  	v61 =	vadd.s32 $0xF800, v0;
	[tilespmem:s23+$0x110] =	vst v12;
	v7 =	vld.idx.msk [tilespmem:v7+s3+$0x0], $0xffff  }
0x4a0: {  	v11 =	vld.idx.msk [tilespmem:v11+s3+$0x0], $0xffff;
	[tilespmem:s23+$0xA0] =	vst v10;
	v10 =	vadd.s32 $0xF800, v1  }
0x4a1: {  	v6 =	vadd.s32 $0xFC00, v6;
	[tilespmem:s23+$0xC0] =	vst v58;
	v5 =	vld.idx.msk [tilespmem:v5+s3+$0x0], $0xffff  }
0x4a2: {  	v62 =	vadd.s32 $0xFC00, v3;
	v13 =	vld.idx.msk [tilespmem:v59+s3+$0x0], $0xffff;
	[tilespmem:s23+$0xE0] =	vst v14  }
0x4a3: {  	v4 =	vadd.s32 $0xFC00, v4;
	[tilespmem:s23+$0xD0] =	vst v8;
	v9 =	vld.idx.msk [tilespmem:v9+s3+$0x0], $0xffff  }
0x4a4: {  	v63 =	vadd.s32 $0xFC00, v2;
	[tilespmem:s23+$0x130] =	vst v16;
	v15 =	vld.idx.msk [tilespmem:v61+s3+$0x0], $0xffff  }
0x4a5: {  	[tilespmem:s23+$0x100] =	vst v11;
	v8 =	vld.idx.msk [tilespmem:v10+s3+$0x0], $0xffff  }
0x4a6: {  	[tilespmem:s23+$0x1F0] =	vst v7;
	v7 =	vld.idx.msk [tilespmem:v6+s3+$0x0], $0xffff  }
0x4a7: {  	[tilespmem:s23+$0x120] =	vst v13;
	v6 =	vld.idx.msk [tilespmem:v62+s3+$0x0], $0xffff  }
0x4a8: {  	v3 =	vld.idx.msk [tilespmem:v4+s3+$0x0], $0xffff;
	[tilespmem:s23+$0x140] =	vst v9  }
0x4a9: {  	s24 =	simm.s32 $0x0;
	s25 =	simm.s32 $0x100C0;
	v2 =	vadd.s32 $0xFC00, v0;
	v1 =	vadd.s32 $0xFC00, v1;
	[tilespmem:s23+$0x150] =	vst v15;
	v4 =	vld.idx.msk [tilespmem:v63+s3+$0x0], $0xffff  }
.LBB2_17:
0x4aa: {  	v0 =	vld [tilespmem:s25+$0x30];
	s24 =	sadd.s32 $0x8, s24;
	[tilespmem:s23+$0x160] =	vst v8  }
0x4ab: {  	v21 =	vld [tilespmem:s25+$0xFFFFFFD0];
	p0 =	slt.u32 s24, $0x18;
	[tilespmem:s23+$0x180] =	vst v7  }
0x4ac: {  	v22 =	vld [tilespmem:s25+$0xFFFFFFE0];
	[tilespmem:s23+$0x190] =	vst v5  }
0x4ad: {  	v23 =	vld [tilespmem:s25+$0xFFFFFFF0];
	[tilespmem:s23+$0x1A0] =	vst v3  }
0x4ae: {  	v24 =	vld [tilespmem:s25+$0x0];
	[tilespmem:s23+$0x1B0] =	vst v6  }
0x4af: {  	v25 =	vld [tilespmem:s25+$0x10];
	v3 =	vadd.s32 $0xE000, v0;
	[tilespmem:s23+$0x1C0] =	vst v4  }
0x4b0: {  	v4 =	vadd.s32 $0xE000, v21;
	v5 =	vadd.s32 $0xE400, v21;
	v26 =	vadd.s32 $0xE800, v21;
	v27 =	vld [tilespmem:s25+$0x20]  }
0x4b1: {  	v6 =	vld [tilespmem:s25+$0xFFFFFFC0];
	v7 =	vadd.s32 $0xE000, v22;
	v8 =	vadd.s32 $0xE400, v22;
	v28 =	vadd.s32 $0xE800, v22  }
0x4b2: {  	v9 =	vadd.s32 $0xE000, v23;
	v11 =	vadd.s32 $0xE400, v23;
	v29 =	vadd.s32 $0xE800, v23;
	v2 =	vld.idx.msk [tilespmem:v2+s3+$0x0], $0xffff  }
0x4b3: {  	v10 =	vadd.s32 $0xE000, v24;
	v13 =	vadd.s32 $0xE400, v24;
	v30 =	vadd.s32 $0xE800, v24;
	v1 =	vld.idx.msk [tilespmem:v1+s3+$0x0], $0xffff  }
0x4b4: {  	v12 =	vadd.s32 $0xE000, v25;
	v31 =	vadd.s32 $0xE400, v25;
	v32 =	vadd.s32 $0xE800, v25;
	v3 =	vld.idx.msk [tilespmem:v3+s3+$0x0], $0xffff  }
0x4b5: {  	v4 =	vld.idx.msk [tilespmem:v4+s3+$0x0], $0xffff;
	v14 =	vadd.s32 $0xE000, v27;
	v33 =	vadd.s32 $0xE400, v27;
	v34 =	vadd.s32 $0xE800, v27  }
0x4b6: {  	v16 =	vadd.s32 $0xE400, v0;
	v15 =	vadd.s32 $0xE000, v6;
	v35 =	vadd.s32 $0xE400, v6;
	v7 =	vld.idx.msk [tilespmem:v7+s3+$0x0], $0xffff  }
0x4b7: {  	v38 =	vadd.s32 $0xEC00, v21;
	v36 =	vadd.s32 $0xE800, v6;
	v37 =	vadd.s32 $0xEC00, v6;
	v9 =	vld.idx.msk [tilespmem:v9+s3+$0x0], $0xffff  }
0x4b8: {  	v39 =	vadd.s32 $0xEC00, v22;
	v40 =	vadd.s32 $0xEC00, v23;
	v41 =	vadd.s32 $0xEC00, v24;
	v20 =	vld.idx.msk [tilespmem:v10+s3+$0x0], $0xffff;
	[tilespmem:s23+$0x1D0] =	vst v2  }
0x4b9: {  	v43 =	vadd.s32 $0xEC00, v25;
	v44 =	vadd.s32 $0xEC00, v27;
	v42 =	vadd.s32 $0xF000, v6;
	v2 =	vld.idx.msk [tilespmem:v12+s3+$0x0], $0xffff;
	[tilespmem:s23+$0x1E0] =	vst v1;
	s23 =	sadd.s32 $0x400, s23  }
0x4ba: {  	v45 =	vadd.s32 $0xF000, v21;
	v46 =	vadd.s32 $0xF000, v22;
	v47 =	vadd.s32 $0xF000, v23;
	v1 =	vld.idx.msk [tilespmem:v14+s3+$0x0], $0xffff;
	[tilespmem:s23+$0xFFFFFE70] =	vst v3  }
0x4bb: {  	v48 =	vadd.s32 $0xF000, v24;
	v49 =	vadd.s32 $0xF000, v25;
	v50 =	vadd.s32 $0xF000, v27;
	[tilespmem:s23+$0xFFFFFE10] =	vst v4;
	v4 =	vld.idx.msk [tilespmem:v16+s3+$0x0], $0xffff  }
0x4bc: {  	v52 =	vadd.s32 $0xF400, v21;
	v18 =	vadd.s32 $0xF400, v22;
	v17 =	vadd.s32 $0xF400, v6;
	v51 =	vld.idx.msk [tilespmem:v15+s3+$0x0], $0xffff;
	[tilespmem:s23+$0xFFFFFE20] =	vst v7  }
0x4bd: {  	v54 =	vadd.s32 $0xE800, v0;
	v19 =	vadd.s32 $0xF400, v23;
	v15 =	vadd.s32 $0xF400, v24;
	v53 =	vld.idx.msk [tilespmem:v5+s3+$0x0], $0xffff;
	[tilespmem:s23+$0xFFFFFE30] =	vst v9  }
0x4be: {  	v10 =	vadd.s32 $0xF800, v6;
	v16 =	vadd.s32 $0xF400, v27;
	v55 =	vld.idx.msk [tilespmem:v8+s3+$0x0], $0xffff;
	[tilespmem:s23+$0xFFFFFE40] =	vst v20;
	v20 =	vadd.s32 $0xF400, v25  }
0x4bf: {  	v12 =	vadd.s32 $0xF800, v22;
	v14 =	vadd.s32 $0xF800, v21;
	v56 =	vld.idx.msk [tilespmem:v11+s3+$0x0], $0xffff;
	v11 =	vadd.s32 $0xF800, v23;
	[tilespmem:s23+$0xFFFFFE50] =	vst v2  }
0x4c0: {  	v9 =	vadd.s32 $0xF800, v25;
	v8 =	vadd.s32 $0xF800, v27;
	v57 =	vld.idx.msk [tilespmem:v13+s3+$0x0], $0xffff;
	v13 =	vadd.s32 $0xF800, v24;
	[tilespmem:s23+$0xFFFFFE60] =	vst v1  }
0x4c1: {  	v3 =	vadd.s32 $0xFC00, v22;
	v7 =	vadd.s32 $0xFC00, v6;
	v5 =	vadd.s32 $0xFC00, v21;
	v21 =	vld.idx.msk [tilespmem:v31+s3+$0x0], $0xffff;
	[tilespmem:s23+$0xFFFFFEF0] =	vst v4  }
0x4c2: {  	v6 =	vadd.s32 $0xFC00, v23;
	v2 =	vadd.s32 $0xFC00, v25;
	v4 =	vadd.s32 $0xFC00, v24;
	[tilespmem:s23+$0xFFFFFE00] =	vst v51;
	v22 =	vld.idx.msk [tilespmem:v54+s3+$0x0], $0xffff  }
0x4c3: {  	v1 =	vadd.s32 $0xFC00, v27;
	v23 =	vld.idx.msk [tilespmem:v35+s3+$0x0], $0xffff;
	[tilespmem:s23+$0xFFFFFE90] =	vst v53  }
0x4c4: {  	v25 =	vadd.s32 $0xEC00, v0;
	[tilespmem:s23+$0xFFFFFEA0] =	vst v55;
	v24 =	vld.idx.msk [tilespmem:v33+s3+$0x0], $0xffff  }
0x4c5: {  	v26 =	vld.idx.msk [tilespmem:v26+s3+$0x0], $0xffff;
	[tilespmem:s23+$0xFFFFFEB0] =	vst v56  }
0x4c6: {  	v27 =	vld.idx.msk [tilespmem:v28+s3+$0x0], $0xffff;
	[tilespmem:s23+$0xFFFFFEC0] =	vst v57  }
0x4c7: {  	v28 =	vld.idx.msk [tilespmem:v29+s3+$0x0], $0xffff;
	[tilespmem:s23+$0xFFFFFED0] =	vst v21  }
0x4c8: {  	v21 =	vld.idx.msk [tilespmem:v30+s3+$0x0], $0xffff;
	[tilespmem:s23+$0xFFFFFF70] =	vst v22  }
0x4c9: {  	[tilespmem:s23+$0xFFFFFE80] =	vst v23;
	v22 =	vld.idx.msk [tilespmem:v25+s3+$0x0], $0xffff  }
0x4ca: {  	v23 =	vld.idx.msk [tilespmem:v36+s3+$0x0], $0xffff;
	[tilespmem:s23+$0xFFFFFEE0] =	vst v24  }
0x4cb: {  	v25 =	vadd.s32 $0xF000, v0;
	[tilespmem:s23+$0xFFFFFF10] =	vst v26;
	v24 =	vld.idx.msk [tilespmem:v32+s3+$0x0], $0xffff  }
0x4cc: {  	[tilespmem:s23+$0xFFFFFF20] =	vst v27;
	v26 =	vld.idx.msk [tilespmem:v34+s3+$0x0], $0xffff  }
0x4cd: {  	v27 =	vld.idx.msk [tilespmem:v38+s3+$0x0], $0xffff;
	[tilespmem:s23+$0xFFFFFF30] =	vst v28  }
0x4ce: {  	v28 =	vld.idx.msk [tilespmem:v39+s3+$0x0], $0xffff;
	[tilespmem:s23+$0xFFFFFF40] =	vst v21  }
0x4cf: {  	v21 =	vld.idx.msk [tilespmem:v40+s3+$0x0], $0xffff;
	[tilespmem:s23+$0xFFFFFFF0] =	vst v22  }
0x4d0: {  	[tilespmem:s23+$0xFFFFFF00] =	vst v23;
	v22 =	vld.idx.msk [tilespmem:v25+s3+$0x0], $0xffff  }
0x4d1: {  	v23 =	vld.idx.msk [tilespmem:v37+s3+$0x0], $0xffff;
	[tilespmem:s23+$0xFFFFFF50] =	vst v24  }
0x4d2: {  	v25 =	vadd.s32 $0xF400, v0;
	v24 =	vld.idx.msk [tilespmem:v41+s3+$0x0], $0xffff;
	[tilespmem:s23+$0xFFFFFF60] =	vst v26  }
0x4d3: {  	[tilespmem:s23+$0xFFFFFF90] =	vst v27;
	v26 =	vld.idx.msk [tilespmem:v43+s3+$0x0], $0xffff  }
0x4d4: {  	[tilespmem:s23+$0xFFFFFFA0] =	vst v28;
	v27 =	vld.idx.msk [tilespmem:v44+s3+$0x0], $0xffff  }
0x4d5: {  	v28 =	vld.idx.msk [tilespmem:v45+s3+$0x0], $0xffff;
	[tilespmem:s23+$0xFFFFFFB0] =	vst v21  }
0x4d6: {  	v21 =	vld.idx.msk [tilespmem:v46+s3+$0x0], $0xffff;
	[tilespmem:s23+$0x70] =	vst v22  }
0x4d7: {  	[tilespmem:s23+$0xFFFFFF80] =	vst v23;
	v22 =	vld.idx.msk [tilespmem:v25+s3+$0x0], $0xffff  }
0x4d8: {  	v23 =	vld.idx.msk [tilespmem:v42+s3+$0x0], $0xffff;
	[tilespmem:s23+$0xFFFFFFC0] =	vst v24  }
0x4d9: {  	v25 =	vadd.s32 $0xF800, v0;
	v24 =	vld.idx.msk [tilespmem:v47+s3+$0x0], $0xffff;
	[tilespmem:s23+$0xFFFFFFD0] =	vst v26  }
0x4da: {  	v26 =	vld.idx.msk [tilespmem:v48+s3+$0x0], $0xffff;
	[tilespmem:s23+$0xFFFFFFE0] =	vst v27  }
0x4db: {  	[tilespmem:s23+$0x10] =	vst v28;
	v27 =	vld.idx.msk [tilespmem:v49+s3+$0x0], $0xffff  }
0x4dc: {  	[tilespmem:s23+$0x20] =	vst v21;
	v21 =	vld.idx.msk [tilespmem:v50+s3+$0x0], $0xffff  }
0x4dd: {  	v28 =	vld.idx.msk [tilespmem:v52+s3+$0x0], $0xffff;
	[tilespmem:s23+$0xF0] =	vst v22  }
0x4de: {  	[tilespmem:s23+$0x0] =	vst v23;
	v22 =	vld.idx.msk [tilespmem:v25+s3+$0x0], $0xffff  }
0x4df: {  	v17 =	vld.idx.msk [tilespmem:v17+s3+$0x0], $0xffff;
	[tilespmem:s23+$0x30] =	vst v24  }
0x4e0: {  	v0 =	vadd.s32 $0xFC00, v0;
	v18 =	vld.idx.msk [tilespmem:v18+s3+$0x0], $0xffff;
	[tilespmem:s23+$0x40] =	vst v26  }
0x4e1: {  	v19 =	vld.idx.msk [tilespmem:v19+s3+$0x0], $0xffff;
	[tilespmem:s23+$0x50] =	vst v27  }
0x4e2: {  	v15 =	vld.idx.msk [tilespmem:v15+s3+$0x0], $0xffff;
	[tilespmem:s23+$0x60] =	vst v21  }
0x4e3: {  	[tilespmem:s23+$0x90] =	vst v28;
	v20 =	vld.idx.msk [tilespmem:v20+s3+$0x0], $0xffff  }
0x4e4: {  	v16 =	vld.idx.msk [tilespmem:v16+s3+$0x0], $0xffff;
	[tilespmem:s23+$0x170] =	vst v22  }
0x4e5: {  	[tilespmem:s23+$0x80] =	vst v17;
	v0 =	vld.idx.msk [tilespmem:v0+s3+$0x0], $0xffff  }
0x4e6: {  	v10 =	vld.idx.msk [tilespmem:v10+s3+$0x0], $0xffff;
	[tilespmem:s23+$0xA0] =	vst v18  }
0x4e7: {  	v14 =	vld.idx.msk [tilespmem:v14+s3+$0x0], $0xffff;
	[tilespmem:s23+$0xB0] =	vst v19  }
0x4e8: {  	v12 =	vld.idx.msk [tilespmem:v12+s3+$0x0], $0xffff;
	[tilespmem:s23+$0xC0] =	vst v15  }
0x4e9: {  	v11 =	vld.idx.msk [tilespmem:v11+s3+$0x0], $0xffff;
	[tilespmem:s23+$0xD0] =	vst v20  }
0x4ea: {  	v13 =	vld.idx.msk [tilespmem:v13+s3+$0x0], $0xffff;
	[tilespmem:s23+$0xE0] =	vst v16  }
0x4eb: {  	v9 =	vld.idx.msk [tilespmem:v9+s3+$0x0], $0xffff;
	[tilespmem:s23+$0x1F0] =	vst v0  }
0x4ec: {  	[tilespmem:s23+$0x100] =	vst v10;
	v8 =	vld.idx.msk [tilespmem:v8+s3+$0x0], $0xffff  }
.Ltmp7:
0x4ed: {  	v7 =	vld.idx.msk [tilespmem:v7+s3+$0x0], $0xffff;
	[tilespmem:s23+$0x110] =	vst v14;
	(pc) =	sbr.rel @p0 .LBB2_17-.Ltmp7, $4  }
0x4ee: {  	v5 =	vld.idx.msk [tilespmem:v5+s3+$0x0], $0xffff;
	[tilespmem:s23+$0x120] =	vst v12  }
0x4ef: {  	v3 =	vld.idx.msk [tilespmem:v3+s3+$0x0], $0xffff;
	[tilespmem:s23+$0x130] =	vst v11  }
0x4f0: {  	v6 =	vld.idx.msk [tilespmem:v6+s3+$0x0], $0xffff;
	[tilespmem:s23+$0x140] =	vst v13  }
0x4f1: {  	s25 =	sadd.s32 $0x80, s25;
	v4 =	vld.idx.msk [tilespmem:v4+s3+$0x0], $0xffff;
	[tilespmem:s23+$0x150] =	vst v9  }
0x4f2: {  	_ =	sdelay $0x2  }
0x4f3: {  	[tilespmem:s23+$0x160] =	vst v8  }
0x4f4: {  	[tilespmem:s23+$0x180] =	vst v7;
	v0 =	vld.idx.msk [tilespmem:v2+s3+$0x0], $0xffff  }
0x4f5: {  	s21 =	sadd.s32 $0x1, s21;
	[tilespmem:s23+$0x190] =	vst v5;
	v1 =	vld.idx.msk [tilespmem:v1+s3+$0x0], $0xffff  }
0x4f6: {  	p0 =	sne.s32 s21, $0x1A;
	[tilespmem:s23+$0x1A0] =	vst v3  }
.Ltmp8:
0x4f7: {  	[tilespmem:s23+$0x1B0] =	vst v6;
	(pc) =	sbr.rel @p0 .LBB2_2-.Ltmp8, $4  }
0x4f8: {  	[tilespmem:s23+$0x1C0] =	vst v4  }
0x4f9: {  	[tilespmem:s23+$0x1D0] =	vst v0  }
0x4fa: {  	s22 =	sadd.s32 s22, s13;
	[tilespmem:s23+$0x1E0] =	vst v1  }
0x4fb: {  	[hbm4b:s22+s3] =	stream.linear.scatter [tilespmem:s18], [sflag:$0x1], $0x1000, $0x38;
	[tilespmem:$0x12200] =	vst v63  }
0x4fc: {  	s20 =	sadd.s32 $0x1, s20  }
0x4fd: {  	_ =	swait.ge [sflag:s19], $0x1000;
	p0 =	sne.s32 s20, s14  }
.Ltmp9:
0x4fe: {  	[sflag:s19] =	ssyncset.done $0x0;
	(pc) =	sbr.rel @p0 .LBB2_1-.Ltmp9, $4  }
0x4ff: {  	[sflag:s19] =	ssyncadd.s32 $0xFFFFF000  }
0x500: {  	_ =	swait.ge [sflag:s19], $0x1000  }
0x501: {  	[sflag:s19] =	ssyncset.done $0x0  }
0x502: {  	[sflag:s19] =	ssyncadd.s32 $0xFFFFF000  }
0x503: {  	_ =	sfence.sel $0x180000  }
0x504: {  	[bflag:$0x0] =	sbarrier.arrive $0xFFFF  }
0x505: {  	p0 =	sne.s32 s0, $0x0;
	_ =	strace $0x90000047  }
0x506: {  	s0 =	sadd.s32 @!p0 $0x100000, s1;
	[bflag:$0x2] =	sbarrier.arrive $0xFFFF  }
0x507: {  	[sflag:s0] =	ssyncadd.tile.s32 @!p0 $0x1;
	_ =	shalt  }
.Lfunc_end2:
_tile_overlayer_lowered:
.L_overlay_start_2:
0x508: {  	(tag) =	ssettag $0x2  }
0x509: {  	s0 =	rddreg [dreg:$0x0];
	s2 =	stileid.u32  }
0x50a: {  	s1 =	rddreg [dreg:$0x1];
	p0 =	sne.s32 s2, $0x0  }
0x50b: {  	s3 =	rddreg [dreg:$0x2];
	[bflag:$0x3] =	sbarrier.arrive $0xFFFF;
	s2 =	simm.s32 @!p0 $0x1C02  }
0x50c: {  	[timem:s3], [sflag:s2] =	dma.local @!p0 [hbm:s0], s1  }
0x50d: {  	s0 =	simm.s32 @!p0 $0x2  }
0x50e: {  	_ =	swait.ge @!p0 [sflag:s0], s1  }
0x50f: {  	s1 =	ssub.s32 @!p0 $0x0, s1;
	[sflag:s0] =	ssyncset.done @!p0 $0x0  }
0x510: {  	[sflag:s0] =	ssyncadd.s32 @!p0 s1  }
0x511: {  	[bflag:$0x3] =	sbarrier.arrive $0xFFFF  }
0x512: {  	_ =	shalt  }

</sc_bundles>
